<compile_context>
chip_gen: v7x
topology: tpu7x:2x2x1
jax: 0.10.2.dev20260603
libtpu: 0.0.44.dev20260713+nightly
codegen_flags: <defaults>
</compile_context>

<pallas_src>
import functools

import jax
import jax.numpy as jnp
from jax import lax
from jax.experimental import pallas as pl
from jax.experimental.pallas import tpu as pltpu
from jax.experimental.pallas import tpu_sc as plsc


_NW = 32
_TPU = 16
_UI = 128 * _TPU
_UO = _UI * 8


def _sc_lookup(x_hbm, w_hbm, out_hbm,
               wf_v, idx_v, wbuf_v, osem0, osem1, isem0, isem1):
    n_units = out_hbm.shape[0] // _UO
    u_per_w = n_units // _NW
    wid = lax.axis_index("s") * 2 + lax.axis_index("c")
    u0 = wid * u_per_w
    osems = (osem0, osem1)
    isems = (isem0, isem1)

    pltpu.sync_copy(w_hbm, wf_v)

    def x_src(u):
        uu = u0 + u
        j = uu // 8
        q = uu % 8
        return x_hbm.at[j // 8, pl.ds(q * _TPU, _TPU), j % 8]

    def idx_fetch(u, b):
        return pltpu.async_copy(x_src(u), idx_v.at[b], isems[b])

    def unit(u, b, prefetch, reclaim, pred=None):
        uu = u0 + u
        pltpu.make_async_copy(x_src(u), idx_v.at[b], isems[b]).wait()
        if prefetch:
            if pred is None:
                idx_fetch(u + 1, 1 - b)
            else:
                @pl.when(pred)
                def _():
                    idx_fetch(u + 1, 1 - b)
        if reclaim:
            pltpu.make_async_copy(
                wbuf_v.at[b], out_hbm.at[pl.ds(uu * _UO, _UO)], osems[b]
            ).wait()

        @plsc.parallel_loop(0, _TPU * 8, unroll=8)
        def g_body(g):
            t = g // 8
            gg = g % 8
            xv = idx_v[b, t, pl.ds(gg * 16, 16)]
            base = t * 1024 + gg * 16
            vals = [plsc.load_gather(wf_v.at[k], [xv]) for k in range(8)]
            for k in range(8):
                wbuf_v[b, pl.ds(base + k * 128, 16)] = vals[k]
        pltpu.async_copy(
            wbuf_v.at[b], out_hbm.at[pl.ds(uu * _UO, _UO)], osems[b])

    def pair_body(p, carry):
        unit(2 * p, 0, prefetch=True, reclaim=True)
        unit(2 * p + 1, 1, prefetch=True, reclaim=True,
             pred=p < u_per_w // 2 - 1)
        return carry

    idx_fetch(0, 0)
    idx_fetch(1, 1)
    unit(0, 0, prefetch=False, reclaim=False)
    unit(1, 1, prefetch=True, reclaim=False)
    lax.fori_loop(1, u_per_w // 2, pair_body, 0)
    for b in range(2):
        pltpu.make_async_copy(
            wbuf_v.at[b], out_hbm.at[pl.ds(u0 * _UO, _UO)], osems[b]).wait()


def kernel(x, emb_weight):
    B, C = x.shape
    N = B * C
    x4 = (x.T.astype(jnp.int32).reshape(C // 8, 8, B // 128, 128)
          .transpose(0, 2, 1, 3))
    wt_pad = jnp.pad(emb_weight.T, ((0, 0), (0, 6)))

    mesh = plsc.VectorSubcoreMesh(core_axis_name="c", subcore_axis_name="s")
    k = functools.partial(
        pl.kernel, mesh=mesh,
        compiler_params=pltpu.CompilerParams(
            needs_layout_passes=False, use_tc_tiling_on_sc=False,
            skip_device_barrier=True),
        out_type=jax.ShapeDtypeStruct((N * 8,), jnp.float32),
        scratch_types=[
            pltpu.VMEM((8, 16), jnp.float32),
            pltpu.VMEM((2, _TPU, 128), jnp.int32),
            pltpu.VMEM((2, _UO), jnp.float32),
            pltpu.SemaphoreType.DMA,
            pltpu.SemaphoreType.DMA,
            pltpu.SemaphoreType.DMA,
            pltpu.SemaphoreType.DMA,
        ],
    )(_sc_lookup)
    flat = k(x4, wt_pad)
    return flat.reshape(C, B // 128, 8, 128).transpose(1, 3, 0, 2).reshape(
        B, C, 8)

# --- scband reference (transcript-rebuilt; emitter-appended) ---
"""Pipeline reference for scband-model-24068996727459 (READ-ONLY COPY).

The authoritative reference and input builder live on the scoring server;
editing this copy changes nothing except your own understanding.
"""

import jax, jax.numpy as jnp
import numpy as np


def setup_inputs(seed: int = 0) -> dict:
    key = jax.random.key(seed)
    k_idx, k_emb = jax.random.split(key)
    x = jax.random.randint(k_idx, (16384, 200), 0, 10, dtype=jnp.int64)
    # nn.Embedding(10, 8) weight: N(0, 1) init like torch default
    emb_weight = jax.random.normal(k_emb, (10, 8), dtype=jnp.float32)
    return {"x": x, "emb_weight": emb_weight}


def reference(x, emb_weight):
    # nn.Embedding lookup: gather rows of the table by index
    return jnp.take(emb_weight, x, axis=0)

if __name__ == "__main__":
    import jax
    _d = setup_inputs()
    print(jax.jit(kernel)(*tuple(_d.values())))

</pallas_src>

<mosaic_0001>
#map = affine_map<(d0, d1) -> (0, 0, 0, 0)>
#map1 = affine_map<(d0, d1) -> (0, 0)>
#map2 = affine_map<(d0, d1) -> (0)>
module attributes {stable_mosaic.version = 14 : i64} {
  func.func @_sc_lookup(%arg0: i32, %arg1: i32, %arg2: memref<25x128x8x128xi32, #tpu.memory_space<hbm>>, %arg3: memref<8x16xf32, #tpu.memory_space<hbm>>, %arg4: memref<26214400xf32, #tpu.memory_space<hbm>>, %arg5: memref<8x16xf32, #tpu.memory_space<vmem>>, %arg6: memref<2x16x128xi32, #tpu.memory_space<vmem>>, %arg7: memref<2x16384xf32, #tpu.memory_space<vmem>>, %arg8: memref<!tpu.dma_semaphore, #tpu.memory_space<semaphore_mem>>, %arg9: memref<!tpu.dma_semaphore, #tpu.memory_space<semaphore_mem>>, %arg10: memref<!tpu.dma_semaphore, #tpu.memory_space<semaphore_mem>>, %arg11: memref<!tpu.dma_semaphore, #tpu.memory_space<semaphore_mem>>) attributes {dimension_semantics = [#tpu.dimension_semantics<core_parallel>, #tpu.dimension_semantics<subcore_parallel>], iteration_bounds = array<i64: 2, 16>, scalar_prefetch = 0 : i64, scratch_operands = 7 : i64, tpu.core_type = #tpu.core_type<sc_vector_subcore>, window_params = [{transform_indices = #map}, {transform_indices = #map1}, {transform_indices = #map2}]} {
    %mul3A = arith.constant 2 : i32
    %mul3A_0 = arith.muli %arg1, %mul3A : i32
    %add3A = arith.addi %mul3A_0, %arg0 : i32
    %mul3A_1 = arith.constant 50 : i32
    %mul3A_2 = arith.muli %add3A, %mul3A_1 : i32
    "tpu.region"() ({
      %run_scoped3A = tpu.sem_alloc : memref<!tpu.dma_semaphore, #tpu.memory_space<semaphore_mem>>
      tpu.enqueue_dma source(%arg3 : memref<8x16xf32, #tpu.memory_space<hbm>>) target(%arg5 : memref<8x16xf32, #tpu.memory_space<vmem>>) target_semaphore(%run_scoped3A : memref<!tpu.dma_semaphore, #tpu.memory_space<semaphore_mem>>)
      tpu.wait_dma2 semaphore(%run_scoped3A : memref<!tpu.dma_semaphore, #tpu.memory_space<semaphore_mem>>) src(%arg3 : memref<8x16xf32, #tpu.memory_space<hbm>>) dst(%arg5 : memref<8x16xf32, #tpu.memory_space<vmem>>)
      tpu.yield
    }) : () -> ()
    %add3A_3 = arith.constant 0 : i32
    %add3A_4 = arith.addi %mul3A_2, %add3A_3 : i32
    %jit3A = arith.constant 8 : i32
    %div3A = arith.divsi %add3A_4, %jit3A : i32
    %sign3A = arith.constant 0 : i32
    %sign3A_5 = arith.cmpi sgt, %add3A_4, %sign3A : i32
    %sign3A_6 = arith.extui %sign3A_5 : i1 to i32
    %sign3A_7 = arith.constant 0 : i32
    %sign3A_8 = arith.cmpi slt, %add3A_4, %sign3A_7 : i32
    %sign3A_9 = arith.extui %sign3A_8 : i1 to i32
    %sign3A_10 = arith.subi %sign3A_6, %sign3A_9 : i32
    %sign3A_11 = arith.constant 0 : i32
    %sign3A_12 = arith.cmpi sgt, %jit3A, %sign3A_11 : i32
    %sign3A_13 = arith.extui %sign3A_12 : i1 to i32
    %sign3A_14 = arith.constant 0 : i32
    %sign3A_15 = arith.cmpi slt, %jit3A, %sign3A_14 : i32
    %sign3A_16 = arith.extui %sign3A_15 : i1 to i32
    %sign3A_17 = arith.subi %sign3A_13, %sign3A_16 : i32
    %ne3A = arith.cmpi ne, %sign3A_10, %sign3A_17 : i32
    %rem3A = arith.remsi %add3A_4, %jit3A : i32
    %ne3A_18 = arith.constant 0 : i32
    %ne3A_19 = arith.cmpi ne, %rem3A, %ne3A_18 : i32
    %and3A = arith.andi %ne3A, %ne3A_19 : i1
    %sub3A = arith.constant 1 : i32
    %sub3A_20 = arith.subi %div3A, %sub3A : i32
    %select_n3A = arith.select %and3A, %sub3A_20, %div3A : i32
    %jit3A_21 = arith.constant 8 : i32
    %eq3A = arith.constant 0 : i32
    %eq3A_22 = arith.cmpi eq, %jit3A_21, %eq3A : i32
    %jit3A_23 = arith.constant 1 : i32
    %select_n3A_24 = arith.select %eq3A_22, %jit3A_23, %jit3A_21 : i32
    %rem3A_25 = arith.remsi %add3A_4, %select_n3A_24 : i32
    %ne3A_26 = arith.constant 0 : i32
    %ne3A_27 = arith.cmpi ne, %rem3A_25, %ne3A_26 : i32
    %lt3A = arith.constant 0 : i32
    %lt3A_28 = arith.cmpi slt, %rem3A_25, %lt3A : i32
    %lt3A_29 = arith.constant 0 : i32
    %lt3A_30 = arith.cmpi slt, %select_n3A_24, %lt3A_29 : i32
    %ne3A_31 = arith.xori %lt3A_28, %lt3A_30 : i1
    %and3A_32 = arith.andi %ne3A_31, %ne3A_27 : i1
    %add3A_33 = arith.addi %rem3A_25, %select_n3A_24 : i32
    %select_n3A_34 = arith.select %and3A_32, %add3A_33, %rem3A_25 : i32
    %jit3A_35 = arith.constant 8 : i32
    %div3A_36 = arith.divsi %select_n3A, %jit3A_35 : i32
    %sign3A_37 = arith.constant 0 : i32
    %sign3A_38 = arith.cmpi sgt, %select_n3A, %sign3A_37 : i32
    %sign3A_39 = arith.extui %sign3A_38 : i1 to i32
    %sign3A_40 = arith.constant 0 : i32
    %sign3A_41 = arith.cmpi slt, %select_n3A, %sign3A_40 : i32
    %sign3A_42 = arith.extui %sign3A_41 : i1 to i32
    %sign3A_43 = arith.subi %sign3A_39, %sign3A_42 : i32
    %sign3A_44 = arith.constant 0 : i32
    %sign3A_45 = arith.cmpi sgt, %jit3A_35, %sign3A_44 : i32
    %sign3A_46 = arith.extui %sign3A_45 : i1 to i32
    %sign3A_47 = arith.constant 0 : i32
    %sign3A_48 = arith.cmpi slt, %jit3A_35, %sign3A_47 : i32
    %sign3A_49 = arith.extui %sign3A_48 : i1 to i32
    %sign3A_50 = arith.subi %sign3A_46, %sign3A_49 : i32
    %ne3A_51 = arith.cmpi ne, %sign3A_43, %sign3A_50 : i32
    %rem3A_52 = arith.remsi %select_n3A, %jit3A_35 : i32
    %ne3A_53 = arith.constant 0 : i32
    %ne3A_54 = arith.cmpi ne, %rem3A_52, %ne3A_53 : i32
    %and3A_55 = arith.andi %ne3A_51, %ne3A_54 : i1
    %sub3A_56 = arith.constant 1 : i32
    %sub3A_57 = arith.subi %div3A_36, %sub3A_56 : i32
    %select_n3A_58 = arith.select %and3A_55, %sub3A_57, %div3A_36 : i32
    %mul3A_59 = arith.constant 16 : i32
    %mul3A_60 = arith.muli %select_n3A_34, %mul3A_59 : i32
    %jit3A_61 = arith.constant 8 : i32
    %eq3A_62 = arith.constant 0 : i32
    %eq3A_63 = arith.cmpi eq, %jit3A_61, %eq3A_62 : i32
    %jit3A_64 = arith.constant 1 : i32
    %select_n3A_65 = arith.select %eq3A_63, %jit3A_64, %jit3A_61 : i32
    %rem3A_66 = arith.remsi %select_n3A, %select_n3A_65 : i32
    %ne3A_67 = arith.constant 0 : i32
    %ne3A_68 = arith.cmpi ne, %rem3A_66, %ne3A_67 : i32
    %lt3A_69 = arith.constant 0 : i32
    %lt3A_70 = arith.cmpi slt, %rem3A_66, %lt3A_69 : i32
    %lt3A_71 = arith.constant 0 : i32
    %lt3A_72 = arith.cmpi slt, %select_n3A_65, %lt3A_71 : i32
    %ne3A_73 = arith.xori %lt3A_70, %lt3A_72 : i1
    %and3A_74 = arith.andi %ne3A_73, %ne3A_68 : i1
    %add3A_75 = arith.addi %rem3A_66, %select_n3A_65 : i32
    %select_n3A_76 = arith.select %and3A_74, %add3A_75, %rem3A_66 : i32
    %dma_start3A = arith.constant 0 : i32
    %dma_start3A_77 = arith.constant 0 : i32
    %dma_start3A_78 = arith.constant 0 : i32
    %dma_start3A_79 = tpu.memref_slice %arg6[%dma_start3A, %dma_start3A_77, %dma_start3A_78] : memref<2x16x128xi32, #tpu.memory_space<vmem>> -> memref<1x16x128xi32, #tpu.memory_space<vmem>>
    %dma_start3A_80 = tpu.memref_squeeze %dma_start3A_79 : memref<1x16x128xi32, #tpu.memory_space<vmem>> -> memref<16x128xi32, #tpu.memory_space<vmem>>
    %dma_start3A_81 = arith.constant 0 : i32
    %dma_start3A_82 = tpu.memref_slice %arg2[%select_n3A_58, %mul3A_60, %select_n3A_76, %dma_start3A_81] : memref<25x128x8x128xi32, #tpu.memory_space<hbm>> -> memref<1x16x1x128xi32, #tpu.memory_space<hbm>>
    %dma_start3A_83 = tpu.memref_squeeze %dma_start3A_82 : memref<1x16x1x128xi32, #tpu.memory_space<hbm>> -> memref<16x128xi32, #tpu.memory_space<hbm>>
    %dma_start3A_84 = arith.constant 0 : i32
    %dma_start3A_85 = arith.constant 0 : i32
    %dma_start3A_86 = tpu.memref_slice %arg6[%dma_start3A, %dma_start3A_84, %dma_start3A_85] : memref<2x16x128xi32, #tpu.memory_space<vmem>> -> memref<1x16x128xi32, #tpu.memory_space<vmem>>
    %dma_start3A_87 = tpu.memref_squeeze %dma_start3A_86 : memref<1x16x128xi32, #tpu.memory_space<vmem>> -> memref<16x128xi32, #tpu.memory_space<vmem>>
    %dma_start3A_88 = arith.constant 0 : i32
    %dma_start3A_89 = tpu.memref_slice %arg2[%select_n3A_58, %mul3A_60, %select_n3A_76, %dma_start3A_88] : memref<25x128x8x128xi32, #tpu.memory_space<hbm>> -> memref<1x16x1x128xi32, #tpu.memory_space<hbm>>
    %dma_start3A_90 = tpu.memref_squeeze %dma_start3A_89 : memref<1x16x1x128xi32, #tpu.memory_space<hbm>> -> memref<16x128xi32, #tpu.memory_space<hbm>>
    tpu.enqueue_dma source(%dma_start3A_90 : memref<16x128xi32, #tpu.memory_space<hbm>>) target(%dma_start3A_87 : memref<16x128xi32, #tpu.memory_space<vmem>>) target_semaphore(%arg10 : memref<!tpu.dma_semaphore, #tpu.memory_space<semaphore_mem>>)
    %add3A_91 = arith.constant 1 : i32
    %add3A_92 = arith.addi %mul3A_2, %add3A_91 : i32
    %jit3A_93 = arith.constant 8 : i32
    %div3A_94 = arith.divsi %add3A_92, %jit3A_93 : i32
    %sign3A_95 = arith.constant 0 : i32
    %sign3A_96 = arith.cmpi sgt, %add3A_92, %sign3A_95 : i32
    %sign3A_97 = arith.extui %sign3A_96 : i1 to i32
    %sign3A_98 = arith.constant 0 : i32
    %sign3A_99 = arith.cmpi slt, %add3A_92, %sign3A_98 : i32
    %sign3A_100 = arith.extui %sign3A_99 : i1 to i32
    %sign3A_101 = arith.subi %sign3A_97, %sign3A_100 : i32
    %sign3A_102 = arith.constant 0 : i32
    %sign3A_103 = arith.cmpi sgt, %jit3A_93, %sign3A_102 : i32
    %sign3A_104 = arith.extui %sign3A_103 : i1 to i32
    %sign3A_105 = arith.constant 0 : i32
    %sign3A_106 = arith.cmpi slt, %jit3A_93, %sign3A_105 : i32
    %sign3A_107 = arith.extui %sign3A_106 : i1 to i32
    %sign3A_108 = arith.subi %sign3A_104, %sign3A_107 : i32
    %ne3A_109 = arith.cmpi ne, %sign3A_101, %sign3A_108 : i32
    %rem3A_110 = arith.remsi %add3A_92, %jit3A_93 : i32
    %ne3A_111 = arith.constant 0 : i32
    %ne3A_112 = arith.cmpi ne, %rem3A_110, %ne3A_111 : i32
    %and3A_113 = arith.andi %ne3A_109, %ne3A_112 : i1
    %sub3A_114 = arith.constant 1 : i32
    %sub3A_115 = arith.subi %div3A_94, %sub3A_114 : i32
    %select_n3A_116 = arith.select %and3A_113, %sub3A_115, %div3A_94 : i32
    %jit3A_117 = arith.constant 8 : i32
    %eq3A_118 = arith.constant 0 : i32
    %eq3A_119 = arith.cmpi eq, %jit3A_117, %eq3A_118 : i32
    %jit3A_120 = arith.constant 1 : i32
    %select_n3A_121 = arith.select %eq3A_119, %jit3A_120, %jit3A_117 : i32
    %rem3A_122 = arith.remsi %add3A_92, %select_n3A_121 : i32
    %ne3A_123 = arith.constant 0 : i32
    %ne3A_124 = arith.cmpi ne, %rem3A_122, %ne3A_123 : i32
    %lt3A_125 = arith.constant 0 : i32
    %lt3A_126 = arith.cmpi slt, %rem3A_122, %lt3A_125 : i32
    %lt3A_127 = arith.constant 0 : i32
    %lt3A_128 = arith.cmpi slt, %select_n3A_121, %lt3A_127 : i32
    %ne3A_129 = arith.xori %lt3A_126, %lt3A_128 : i1
    %and3A_130 = arith.andi %ne3A_129, %ne3A_124 : i1
    %add3A_131 = arith.addi %rem3A_122, %select_n3A_121 : i32
    %select_n3A_132 = arith.select %and3A_130, %add3A_131, %rem3A_122 : i32
    %jit3A_133 = arith.constant 8 : i32
    %div3A_134 = arith.divsi %select_n3A_116, %jit3A_133 : i32
    %sign3A_135 = arith.constant 0 : i32
    %sign3A_136 = arith.cmpi sgt, %select_n3A_116, %sign3A_135 : i32
    %sign3A_137 = arith.extui %sign3A_136 : i1 to i32
    %sign3A_138 = arith.constant 0 : i32
    %sign3A_139 = arith.cmpi slt, %select_n3A_116, %sign3A_138 : i32
    %sign3A_140 = arith.extui %sign3A_139 : i1 to i32
    %sign3A_141 = arith.subi %sign3A_137, %sign3A_140 : i32
    %sign3A_142 = arith.constant 0 : i32
    %sign3A_143 = arith.cmpi sgt, %jit3A_133, %sign3A_142 : i32
    %sign3A_144 = arith.extui %sign3A_143 : i1 to i32
    %sign3A_145 = arith.constant 0 : i32
    %sign3A_146 = arith.cmpi slt, %jit3A_133, %sign3A_145 : i32
    %sign3A_147 = arith.extui %sign3A_146 : i1 to i32
    %sign3A_148 = arith.subi %sign3A_144, %sign3A_147 : i32
    %ne3A_149 = arith.cmpi ne, %sign3A_141, %sign3A_148 : i32
    %rem3A_150 = arith.remsi %select_n3A_116, %jit3A_133 : i32
    %ne3A_151 = arith.constant 0 : i32
    %ne3A_152 = arith.cmpi ne, %rem3A_150, %ne3A_151 : i32
    %and3A_153 = arith.andi %ne3A_149, %ne3A_152 : i1
    %sub3A_154 = arith.constant 1 : i32
    %sub3A_155 = arith.subi %div3A_134, %sub3A_154 : i32
    %select_n3A_156 = arith.select %and3A_153, %sub3A_155, %div3A_134 : i32
    %mul3A_157 = arith.constant 16 : i32
    %mul3A_158 = arith.muli %select_n3A_132, %mul3A_157 : i32
    %jit3A_159 = arith.constant 8 : i32
    %eq3A_160 = arith.constant 0 : i32
    %eq3A_161 = arith.cmpi eq, %jit3A_159, %eq3A_160 : i32
    %jit3A_162 = arith.constant 1 : i32
    %select_n3A_163 = arith.select %eq3A_161, %jit3A_162, %jit3A_159 : i32
    %rem3A_164 = arith.remsi %select_n3A_116, %select_n3A_163 : i32
    %ne3A_165 = arith.constant 0 : i32
    %ne3A_166 = arith.cmpi ne, %rem3A_164, %ne3A_165 : i32
    %lt3A_167 = arith.constant 0 : i32
    %lt3A_168 = arith.cmpi slt, %rem3A_164, %lt3A_167 : i32
    %lt3A_169 = arith.constant 0 : i32
    %lt3A_170 = arith.cmpi slt, %select_n3A_163, %lt3A_169 : i32
    %ne3A_171 = arith.xori %lt3A_168, %lt3A_170 : i1
    %and3A_172 = arith.andi %ne3A_171, %ne3A_166 : i1
    %add3A_173 = arith.addi %rem3A_164, %select_n3A_163 : i32
    %select_n3A_174 = arith.select %and3A_172, %add3A_173, %rem3A_164 : i32
    %dma_start3A_175 = arith.constant 1 : i32
    %dma_start3A_176 = arith.constant 0 : i32
    %dma_start3A_177 = arith.constant 0 : i32
    %dma_start3A_178 = tpu.memref_slice %arg6[%dma_start3A_175, %dma_start3A_176, %dma_start3A_177] : memref<2x16x128xi32, #tpu.memory_space<vmem>> -> memref<1x16x128xi32, #tpu.memory_space<vmem>>
    %dma_start3A_179 = tpu.memref_squeeze %dma_start3A_178 : memref<1x16x128xi32, #tpu.memory_space<vmem>> -> memref<16x128xi32, #tpu.memory_space<vmem>>
    %dma_start3A_180 = arith.constant 0 : i32
    %dma_start3A_181 = tpu.memref_slice %arg2[%select_n3A_156, %mul3A_158, %select_n3A_174, %dma_start3A_180] : memref<25x128x8x128xi32, #tpu.memory_space<hbm>> -> memref<1x16x1x128xi32, #tpu.memory_space<hbm>>
    %dma_start3A_182 = tpu.memref_squeeze %dma_start3A_181 : memref<1x16x1x128xi32, #tpu.memory_space<hbm>> -> memref<16x128xi32, #tpu.memory_space<hbm>>
    %dma_start3A_183 = arith.constant 0 : i32
    %dma_start3A_184 = arith.constant 0 : i32
    %dma_start3A_185 = tpu.memref_slice %arg6[%dma_start3A_175, %dma_start3A_183, %dma_start3A_184] : memref<2x16x128xi32, #tpu.memory_space<vmem>> -> memref<1x16x128xi32, #tpu.memory_space<vmem>>
    %dma_start3A_186 = tpu.memref_squeeze %dma_start3A_185 : memref<1x16x128xi32, #tpu.memory_space<vmem>> -> memref<16x128xi32, #tpu.memory_space<vmem>>
    %dma_start3A_187 = arith.constant 0 : i32
    %dma_start3A_188 = tpu.memref_slice %arg2[%select_n3A_156, %mul3A_158, %select_n3A_174, %dma_start3A_187] : memref<25x128x8x128xi32, #tpu.memory_space<hbm>> -> memref<1x16x1x128xi32, #tpu.memory_space<hbm>>
    %dma_start3A_189 = tpu.memref_squeeze %dma_start3A_188 : memref<1x16x1x128xi32, #tpu.memory_space<hbm>> -> memref<16x128xi32, #tpu.memory_space<hbm>>
    tpu.enqueue_dma source(%dma_start3A_189 : memref<16x128xi32, #tpu.memory_space<hbm>>) target(%dma_start3A_186 : memref<16x128xi32, #tpu.memory_space<vmem>>) target_semaphore(%arg11 : memref<!tpu.dma_semaphore, #tpu.memory_space<semaphore_mem>>)
    %add3A_190 = arith.constant 0 : i32
    %add3A_191 = arith.addi %mul3A_2, %add3A_190 : i32
    %add3A_192 = arith.constant 0 : i32
    %add3A_193 = arith.addi %mul3A_2, %add3A_192 : i32
    %jit3A_194 = arith.constant 8 : i32
    %div3A_195 = arith.divsi %add3A_193, %jit3A_194 : i32
    %sign3A_196 = arith.constant 0 : i32
    %sign3A_197 = arith.cmpi sgt, %add3A_193, %sign3A_196 : i32
    %sign3A_198 = arith.extui %sign3A_197 : i1 to i32
    %sign3A_199 = arith.constant 0 : i32
    %sign3A_200 = arith.cmpi slt, %add3A_193, %sign3A_199 : i32
    %sign3A_201 = arith.extui %sign3A_200 : i1 to i32
    %sign3A_202 = arith.subi %sign3A_198, %sign3A_201 : i32
    %sign3A_203 = arith.constant 0 : i32
    %sign3A_204 = arith.cmpi sgt, %jit3A_194, %sign3A_203 : i32
    %sign3A_205 = arith.extui %sign3A_204 : i1 to i32
    %sign3A_206 = arith.constant 0 : i32
    %sign3A_207 = arith.cmpi slt, %jit3A_194, %sign3A_206 : i32
    %sign3A_208 = arith.extui %sign3A_207 : i1 to i32
    %sign3A_209 = arith.subi %sign3A_205, %sign3A_208 : i32
    %ne3A_210 = arith.cmpi ne, %sign3A_202, %sign3A_209 : i32
    %rem3A_211 = arith.remsi %add3A_193, %jit3A_194 : i32
    %ne3A_212 = arith.constant 0 : i32
    %ne3A_213 = arith.cmpi ne, %rem3A_211, %ne3A_212 : i32
    %and3A_214 = arith.andi %ne3A_210, %ne3A_213 : i1
    %sub3A_215 = arith.constant 1 : i32
    %sub3A_216 = arith.subi %div3A_195, %sub3A_215 : i32
    %select_n3A_217 = arith.select %and3A_214, %sub3A_216, %div3A_195 : i32
    %jit3A_218 = arith.constant 8 : i32
    %eq3A_219 = arith.constant 0 : i32
    %eq3A_220 = arith.cmpi eq, %jit3A_218, %eq3A_219 : i32
    %jit3A_221 = arith.constant 1 : i32
    %select_n3A_222 = arith.select %eq3A_220, %jit3A_221, %jit3A_218 : i32
    %rem3A_223 = arith.remsi %add3A_193, %select_n3A_222 : i32
    %ne3A_224 = arith.constant 0 : i32
    %ne3A_225 = arith.cmpi ne, %rem3A_223, %ne3A_224 : i32
    %lt3A_226 = arith.constant 0 : i32
    %lt3A_227 = arith.cmpi slt, %rem3A_223, %lt3A_226 : i32
    %lt3A_228 = arith.constant 0 : i32
    %lt3A_229 = arith.cmpi slt, %select_n3A_222, %lt3A_228 : i32
    %ne3A_230 = arith.xori %lt3A_227, %lt3A_229 : i1
    %and3A_231 = arith.andi %ne3A_230, %ne3A_225 : i1
    %add3A_232 = arith.addi %rem3A_223, %select_n3A_222 : i32
    %select_n3A_233 = arith.select %and3A_231, %add3A_232, %rem3A_223 : i32
    %jit3A_234 = arith.constant 8 : i32
    %div3A_235 = arith.divsi %select_n3A_217, %jit3A_234 : i32
    %sign3A_236 = arith.constant 0 : i32
    %sign3A_237 = arith.cmpi sgt, %select_n3A_217, %sign3A_236 : i32
    %sign3A_238 = arith.extui %sign3A_237 : i1 to i32
    %sign3A_239 = arith.constant 0 : i32
    %sign3A_240 = arith.cmpi slt, %select_n3A_217, %sign3A_239 : i32
    %sign3A_241 = arith.extui %sign3A_240 : i1 to i32
    %sign3A_242 = arith.subi %sign3A_238, %sign3A_241 : i32
    %sign3A_243 = arith.constant 0 : i32
    %sign3A_244 = arith.cmpi sgt, %jit3A_234, %sign3A_243 : i32
    %sign3A_245 = arith.extui %sign3A_244 : i1 to i32
    %sign3A_246 = arith.constant 0 : i32
    %sign3A_247 = arith.cmpi slt, %jit3A_234, %sign3A_246 : i32
    %sign3A_248 = arith.extui %sign3A_247 : i1 to i32
    %sign3A_249 = arith.subi %sign3A_245, %sign3A_248 : i32
    %ne3A_250 = arith.cmpi ne, %sign3A_242, %sign3A_249 : i32
    %rem3A_251 = arith.remsi %select_n3A_217, %jit3A_234 : i32
    %ne3A_252 = arith.constant 0 : i32
    %ne3A_253 = arith.cmpi ne, %rem3A_251, %ne3A_252 : i32
    %and3A_254 = arith.andi %ne3A_250, %ne3A_253 : i1
    %sub3A_255 = arith.constant 1 : i32
    %sub3A_256 = arith.subi %div3A_235, %sub3A_255 : i32
    %select_n3A_257 = arith.select %and3A_254, %sub3A_256, %div3A_235 : i32
    %mul3A_258 = arith.constant 16 : i32
    %mul3A_259 = arith.muli %select_n3A_233, %mul3A_258 : i32
    %jit3A_260 = arith.constant 8 : i32
    %eq3A_261 = arith.constant 0 : i32
    %eq3A_262 = arith.cmpi eq, %jit3A_260, %eq3A_261 : i32
    %jit3A_263 = arith.constant 1 : i32
    %select_n3A_264 = arith.select %eq3A_262, %jit3A_263, %jit3A_260 : i32
    %rem3A_265 = arith.remsi %select_n3A_217, %select_n3A_264 : i32
    %ne3A_266 = arith.constant 0 : i32
    %ne3A_267 = arith.cmpi ne, %rem3A_265, %ne3A_266 : i32
    %lt3A_268 = arith.constant 0 : i32
    %lt3A_269 = arith.cmpi slt, %rem3A_265, %lt3A_268 : i32
    %lt3A_270 = arith.constant 0 : i32
    %lt3A_271 = arith.cmpi slt, %select_n3A_264, %lt3A_270 : i32
    %ne3A_272 = arith.xori %lt3A_269, %lt3A_271 : i1
    %and3A_273 = arith.andi %ne3A_272, %ne3A_267 : i1
    %add3A_274 = arith.addi %rem3A_265, %select_n3A_264 : i32
    %select_n3A_275 = arith.select %and3A_273, %add3A_274, %rem3A_265 : i32
    %dma_wait3A = arith.constant 0 : i32
    %dma_wait3A_276 = arith.constant 0 : i32
    %dma_wait3A_277 = arith.constant 0 : i32
    %dma_wait3A_278 = tpu.memref_slice %arg6[%dma_wait3A, %dma_wait3A_276, %dma_wait3A_277] : memref<2x16x128xi32, #tpu.memory_space<vmem>> -> memref<1x16x128xi32, #tpu.memory_space<vmem>>
    %dma_wait3A_279 = tpu.memref_squeeze %dma_wait3A_278 : memref<1x16x128xi32, #tpu.memory_space<vmem>> -> memref<16x128xi32, #tpu.memory_space<vmem>>
    %dma_wait3A_280 = arith.constant 0 : i32
    %dma_wait3A_281 = tpu.memref_slice %arg2[%select_n3A_257, %mul3A_259, %select_n3A_275, %dma_wait3A_280] : memref<25x128x8x128xi32, #tpu.memory_space<hbm>> -> memref<1x16x1x128xi32, #tpu.memory_space<hbm>>
    %dma_wait3A_282 = tpu.memref_squeeze %dma_wait3A_281 : memref<1x16x1x128xi32, #tpu.memory_space<hbm>> -> memref<16x128xi32, #tpu.memory_space<hbm>>
    %dma_wait3A_283 = arith.constant 0 : i32
    %dma_wait3A_284 = arith.constant 0 : i32
    %dma_wait3A_285 = tpu.memref_slice %arg6[%dma_wait3A, %dma_wait3A_283, %dma_wait3A_284] : memref<2x16x128xi32, #tpu.memory_space<vmem>> -> memref<1x16x128xi32, #tpu.memory_space<vmem>>
    %dma_wait3A_286 = tpu.memref_squeeze %dma_wait3A_285 : memref<1x16x128xi32, #tpu.memory_space<vmem>> -> memref<16x128xi32, #tpu.memory_space<vmem>>
    %dma_wait3A_287 = arith.constant 0 : i32
    %dma_wait3A_288 = tpu.memref_slice %arg2[%select_n3A_257, %mul3A_259, %select_n3A_275, %dma_wait3A_287] : memref<25x128x8x128xi32, #tpu.memory_space<hbm>> -> memref<1x16x1x128xi32, #tpu.memory_space<hbm>>
    %dma_wait3A_289 = tpu.memref_squeeze %dma_wait3A_288 : memref<1x16x1x128xi32, #tpu.memory_space<hbm>> -> memref<16x128xi32, #tpu.memory_space<hbm>>
    tpu.wait_dma2 semaphore(%arg10 : memref<!tpu.dma_semaphore, #tpu.memory_space<semaphore_mem>>) src(%dma_wait3A_289 : memref<16x128xi32, #tpu.memory_space<hbm>>) dst(%dma_wait3A_286 : memref<16x128xi32, #tpu.memory_space<vmem>>)
    %parallel_loop3A = arith.constant 0 : i32
    %parallel_loop3A_290 = arith.constant 128 : i32
    %parallel_loop3A_291 = arith.constant 1 : i32
    scf.for %parallel_loop3A_544 = %parallel_loop3A to %parallel_loop3A_290 step %parallel_loop3A_291  : i32 {
      %parallel_loop3A_545 = arith.constant 8 : i32
      %parallel_loop3A_546 = arith.divsi %parallel_loop3A_544, %parallel_loop3A_545 : i32
      %parallel_loop3A_547 = arith.constant 0 : i32
      %parallel_loop3A_548 = arith.cmpi sgt, %parallel_loop3A_544, %parallel_loop3A_547 : i32
      %parallel_loop3A_549 = arith.extui %parallel_loop3A_548 : i1 to i32
      %parallel_loop3A_550 = arith.constant 0 : i32
      %parallel_loop3A_551 = arith.cmpi slt, %parallel_loop3A_544, %parallel_loop3A_550 : i32
      %parallel_loop3A_552 = arith.extui %parallel_loop3A_551 : i1 to i32
      %parallel_loop3A_553 = arith.subi %parallel_loop3A_549, %parallel_loop3A_552 : i32
      %parallel_loop3A_554 = arith.constant 0 : i32
      %parallel_loop3A_555 = arith.cmpi sgt, %parallel_loop3A_545, %parallel_loop3A_554 : i32
      %parallel_loop3A_556 = arith.extui %parallel_loop3A_555 : i1 to i32
      %parallel_loop3A_557 = arith.constant 0 : i32
      %parallel_loop3A_558 = arith.cmpi slt, %parallel_loop3A_545, %parallel_loop3A_557 : i32
      %parallel_loop3A_559 = arith.extui %parallel_loop3A_558 : i1 to i32
      %parallel_loop3A_560 = arith.subi %parallel_loop3A_556, %parallel_loop3A_559 : i32
      %parallel_loop3A_561 = arith.cmpi ne, %parallel_loop3A_553, %parallel_loop3A_560 : i32
      %parallel_loop3A_562 = arith.remsi %parallel_loop3A_544, %parallel_loop3A_545 : i32
      %parallel_loop3A_563 = arith.constant 0 : i32
      %parallel_loop3A_564 = arith.cmpi ne, %parallel_loop3A_562, %parallel_loop3A_563 : i32
      %parallel_loop3A_565 = arith.andi %parallel_loop3A_561, %parallel_loop3A_564 : i1
      %parallel_loop3A_566 = arith.constant 1 : i32
      %parallel_loop3A_567 = arith.subi %parallel_loop3A_546, %parallel_loop3A_566 : i32
      %parallel_loop3A_568 = arith.select %parallel_loop3A_565, %parallel_loop3A_567, %parallel_loop3A_546 : i32
      %parallel_loop3A_569 = arith.constant 8 : i32
      %parallel_loop3A_570 = arith.constant 0 : i32
      %parallel_loop3A_571 = arith.cmpi eq, %parallel_loop3A_569, %parallel_loop3A_570 : i32
      %parallel_loop3A_572 = arith.constant 1 : i32
      %parallel_loop3A_573 = arith.select %parallel_loop3A_571, %parallel_loop3A_572, %parallel_loop3A_569 : i32
      %parallel_loop3A_574 = arith.remsi %parallel_loop3A_544, %parallel_loop3A_573 : i32
      %parallel_loop3A_575 = arith.constant 0 : i32
      %parallel_loop3A_576 = arith.cmpi ne, %parallel_loop3A_574, %parallel_loop3A_575 : i32
      %parallel_loop3A_577 = arith.constant 0 : i32
      %parallel_loop3A_578 = arith.cmpi slt, %parallel_loop3A_574, %parallel_loop3A_577 : i32
      %parallel_loop3A_579 = arith.constant 0 : i32
      %parallel_loop3A_580 = arith.cmpi slt, %parallel_loop3A_573, %parallel_loop3A_579 : i32
      %parallel_loop3A_581 = arith.xori %parallel_loop3A_578, %parallel_loop3A_580 : i1
      %parallel_loop3A_582 = arith.andi %parallel_loop3A_581, %parallel_loop3A_576 : i1
      %parallel_loop3A_583 = arith.addi %parallel_loop3A_574, %parallel_loop3A_573 : i32
      %parallel_loop3A_584 = arith.select %parallel_loop3A_582, %parallel_loop3A_583, %parallel_loop3A_574 : i32
      %parallel_loop3A_585 = arith.constant 16 : i32
      %parallel_loop3A_586 = arith.muli %parallel_loop3A_584, %parallel_loop3A_585 : i32
      %parallel_loop3A_587 = arith.constant 0 : i32
      %parallel_loop3A_588 = arith.index_cast %parallel_loop3A_587 : i32 to index
      %parallel_loop3A_589 = arith.index_cast %parallel_loop3A_568 : i32 to index
      %parallel_loop3A_590 = arith.index_cast %parallel_loop3A_586 : i32 to index
      %parallel_loop3A_591 = tpu.vector_load %arg6[%parallel_loop3A_588, %parallel_loop3A_589, %parallel_loop3A_590] {strides = array<i32>} : memref<2x16x128xi32, #tpu.memory_space<vmem>>, vector<16xi32>,
      %parallel_loop3A_592 = arith.constant 1024 : i32
      %parallel_loop3A_593 = arith.muli %parallel_loop3A_568, %parallel_loop3A_592 : i32
      %parallel_loop3A_594 = arith.constant 16 : i32
      %parallel_loop3A_595 = arith.muli %parallel_loop3A_584, %parallel_loop3A_594 : i32
      %parallel_loop3A_596 = arith.addi %parallel_loop3A_593, %parallel_loop3A_595 : i32
      %parallel_loop3A_597 = arith.constant 0 : i32
      %parallel_loop3A_598 = arith.constant 0 : i32
      %parallel_loop3A_599 = tpu.memref_slice %arg5[%parallel_loop3A_597, %parallel_loop3A_598] : memref<8x16xf32, #tpu.memory_space<vmem>> -> memref<1x16xf32, #tpu.memory_space<vmem>>
      %parallel_loop3A_600 = tpu.memref_squeeze %parallel_loop3A_599 : memref<1x16xf32, #tpu.memory_space<vmem>> -> memref<16xf32, #tpu.memory_space<vmem>>
      %parallel_loop3A_601 = tpu.vector_load_idx %parallel_loop3A_600[%parallel_loop3A_591] : memref<16xf32, #tpu.memory_space<vmem>>[vector<16xi32>], vector<16xf32>,
      %parallel_loop3A_602 = arith.constant 1 : i32
      %parallel_loop3A_603 = arith.constant 0 : i32
      %parallel_loop3A_604 = tpu.memref_slice %arg5[%parallel_loop3A_602, %parallel_loop3A_603] : memref<8x16xf32, #tpu.memory_space<vmem>> -> memref<1x16xf32, #tpu.memory_space<vmem>>
      %parallel_loop3A_605 = tpu.memref_squeeze %parallel_loop3A_604 : memref<1x16xf32, #tpu.memory_space<vmem>> -> memref<16xf32, #tpu.memory_space<vmem>>
      %parallel_loop3A_606 = tpu.vector_load_idx %parallel_loop3A_605[%parallel_loop3A_591] : memref<16xf32, #tpu.memory_space<vmem>>[vector<16xi32>], vector<16xf32>,
      %parallel_loop3A_607 = arith.constant 2 : i32
      %parallel_loop3A_608 = arith.constant 0 : i32
      %parallel_loop3A_609 = tpu.memref_slice %arg5[%parallel_loop3A_607, %parallel_loop3A_608] : memref<8x16xf32, #tpu.memory_space<vmem>> -> memref<1x16xf32, #tpu.memory_space<vmem>>
      %parallel_loop3A_610 = tpu.memref_squeeze %parallel_loop3A_609 : memref<1x16xf32, #tpu.memory_space<vmem>> -> memref<16xf32, #tpu.memory_space<vmem>>
      %parallel_loop3A_611 = tpu.vector_load_idx %parallel_loop3A_610[%parallel_loop3A_591] : memref<16xf32, #tpu.memory_space<vmem>>[vector<16xi32>], vector<16xf32>,
      %parallel_loop3A_612 = arith.constant 3 : i32
      %parallel_loop3A_613 = arith.constant 0 : i32
      %parallel_loop3A_614 = tpu.memref_slice %arg5[%parallel_loop3A_612, %parallel_loop3A_613] : memref<8x16xf32, #tpu.memory_space<vmem>> -> memref<1x16xf32, #tpu.memory_space<vmem>>
      %parallel_loop3A_615 = tpu.memref_squeeze %parallel_loop3A_614 : memref<1x16xf32, #tpu.memory_space<vmem>> -> memref<16xf32, #tpu.memory_space<vmem>>
      %parallel_loop3A_616 = tpu.vector_load_idx %parallel_loop3A_615[%parallel_loop3A_591] : memref<16xf32, #tpu.memory_space<vmem>>[vector<16xi32>], vector<16xf32>,
      %parallel_loop3A_617 = arith.constant 4 : i32
      %parallel_loop3A_618 = arith.constant 0 : i32
      %parallel_loop3A_619 = tpu.memref_slice %arg5[%parallel_loop3A_617, %parallel_loop3A_618] : memref<8x16xf32, #tpu.memory_space<vmem>> -> memref<1x16xf32, #tpu.memory_space<vmem>>
      %parallel_loop3A_620 = tpu.memref_squeeze %parallel_loop3A_619 : memref<1x16xf32, #tpu.memory_space<vmem>> -> memref<16xf32, #tpu.memory_space<vmem>>
      %parallel_loop3A_621 = tpu.vector_load_idx %parallel_loop3A_620[%parallel_loop3A_591] : memref<16xf32, #tpu.memory_space<vmem>>[vector<16xi32>], vector<16xf32>,
      %parallel_loop3A_622 = arith.constant 5 : i32
      %parallel_loop3A_623 = arith.constant 0 : i32
      %parallel_loop3A_624 = tpu.memref_slice %arg5[%parallel_loop3A_622, %parallel_loop3A_623] : memref<8x16xf32, #tpu.memory_space<vmem>> -> memref<1x16xf32, #tpu.memory_space<vmem>>
      %parallel_loop3A_625 = tpu.memref_squeeze %parallel_loop3A_624 : memref<1x16xf32, #tpu.memory_space<vmem>> -> memref<16xf32, #tpu.memory_space<vmem>>
      %parallel_loop3A_626 = tpu.vector_load_idx %parallel_loop3A_625[%parallel_loop3A_591] : memref<16xf32, #tpu.memory_space<vmem>>[vector<16xi32>], vector<16xf32>,
      %parallel_loop3A_627 = arith.constant 6 : i32
      %parallel_loop3A_628 = arith.constant 0 : i32
      %parallel_loop3A_629 = tpu.memref_slice %arg5[%parallel_loop3A_627, %parallel_loop3A_628] : memref<8x16xf32, #tpu.memory_space<vmem>> -> memref<1x16xf32, #tpu.memory_space<vmem>>
      %parallel_loop3A_630 = tpu.memref_squeeze %parallel_loop3A_629 : memref<1x16xf32, #tpu.memory_space<vmem>> -> memref<16xf32, #tpu.memory_space<vmem>>
      %parallel_loop3A_631 = tpu.vector_load_idx %parallel_loop3A_630[%parallel_loop3A_591] : memref<16xf32, #tpu.memory_space<vmem>>[vector<16xi32>], vector<16xf32>,
      %parallel_loop3A_632 = arith.constant 7 : i32
      %parallel_loop3A_633 = arith.constant 0 : i32
      %parallel_loop3A_634 = tpu.memref_slice %arg5[%parallel_loop3A_632, %parallel_loop3A_633] : memref<8x16xf32, #tpu.memory_space<vmem>> -> memref<1x16xf32, #tpu.memory_space<vmem>>
      %parallel_loop3A_635 = tpu.memref_squeeze %parallel_loop3A_634 : memref<1x16xf32, #tpu.memory_space<vmem>> -> memref<16xf32, #tpu.memory_space<vmem>>
      %parallel_loop3A_636 = tpu.vector_load_idx %parallel_loop3A_635[%parallel_loop3A_591] : memref<16xf32, #tpu.memory_space<vmem>>[vector<16xi32>], vector<16xf32>,
      %parallel_loop3A_637 = arith.constant 0 : i32
      %parallel_loop3A_638 = arith.addi %parallel_loop3A_596, %parallel_loop3A_637 : i32
      %parallel_loop3A_639 = arith.constant 0 : i32
      %parallel_loop3A_640 = arith.index_cast %parallel_loop3A_639 : i32 to index
      %parallel_loop3A_641 = arith.index_cast %parallel_loop3A_638 : i32 to index
      %parallel_loop3A_642 = tpu.vector_load %arg7[%parallel_loop3A_640, %parallel_loop3A_641] {strides = array<i32>} : memref<2x16384xf32, #tpu.memory_space<vmem>>, vector<16xf32>,
      tpu.vector_store %arg7[%parallel_loop3A_640, %parallel_loop3A_641], %parallel_loop3A_601 {strides = array<i32>} : memref<2x16384xf32, #tpu.memory_space<vmem>>, vector<16xf32>,
      %parallel_loop3A_643 = arith.constant 128 : i32
      %parallel_loop3A_644 = arith.addi %parallel_loop3A_596, %parallel_loop3A_643 : i32
      %parallel_loop3A_645 = arith.constant 0 : i32
      %parallel_loop3A_646 = arith.index_cast %parallel_loop3A_645 : i32 to index
      %parallel_loop3A_647 = arith.index_cast %parallel_loop3A_644 : i32 to index
      %parallel_loop3A_648 = tpu.vector_load %arg7[%parallel_loop3A_646, %parallel_loop3A_647] {strides = array<i32>} : memref<2x16384xf32, #tpu.memory_space<vmem>>, vector<16xf32>,
      tpu.vector_store %arg7[%parallel_loop3A_646, %parallel_loop3A_647], %parallel_loop3A_606 {strides = array<i32>} : memref<2x16384xf32, #tpu.memory_space<vmem>>, vector<16xf32>,
      %parallel_loop3A_649 = arith.constant 256 : i32
      %parallel_loop3A_650 = arith.addi %parallel_loop3A_596, %parallel_loop3A_649 : i32
      %parallel_loop3A_651 = arith.constant 0 : i32
      %parallel_loop3A_652 = arith.index_cast %parallel_loop3A_651 : i32 to index
      %parallel_loop3A_653 = arith.index_cast %parallel_loop3A_650 : i32 to index
      %parallel_loop3A_654 = tpu.vector_load %arg7[%parallel_loop3A_652, %parallel_loop3A_653] {strides = array<i32>} : memref<2x16384xf32, #tpu.memory_space<vmem>>, vector<16xf32>,
      tpu.vector_store %arg7[%parallel_loop3A_652, %parallel_loop3A_653], %parallel_loop3A_611 {strides = array<i32>} : memref<2x16384xf32, #tpu.memory_space<vmem>>, vector<16xf32>,
      %parallel_loop3A_655 = arith.constant 384 : i32
      %parallel_loop3A_656 = arith.addi %parallel_loop3A_596, %parallel_loop3A_655 : i32
      %parallel_loop3A_657 = arith.constant 0 : i32
      %parallel_loop3A_658 = arith.index_cast %parallel_loop3A_657 : i32 to index
      %parallel_loop3A_659 = arith.index_cast %parallel_loop3A_656 : i32 to index
      %parallel_loop3A_660 = tpu.vector_load %arg7[%parallel_loop3A_658, %parallel_loop3A_659] {strides = array<i32>} : memref<2x16384xf32, #tpu.memory_space<vmem>>, vector<16xf32>,
      tpu.vector_store %arg7[%parallel_loop3A_658, %parallel_loop3A_659], %parallel_loop3A_616 {strides = array<i32>} : memref<2x16384xf32, #tpu.memory_space<vmem>>, vector<16xf32>,
      %parallel_loop3A_661 = arith.constant 512 : i32
      %parallel_loop3A_662 = arith.addi %parallel_loop3A_596, %parallel_loop3A_661 : i32
      %parallel_loop3A_663 = arith.constant 0 : i32
      %parallel_loop3A_664 = arith.index_cast %parallel_loop3A_663 : i32 to index
      %parallel_loop3A_665 = arith.index_cast %parallel_loop3A_662 : i32 to index
      %parallel_loop3A_666 = tpu.vector_load %arg7[%parallel_loop3A_664, %parallel_loop3A_665] {strides = array<i32>} : memref<2x16384xf32, #tpu.memory_space<vmem>>, vector<16xf32>,
      tpu.vector_store %arg7[%parallel_loop3A_664, %parallel_loop3A_665], %parallel_loop3A_621 {strides = array<i32>} : memref<2x16384xf32, #tpu.memory_space<vmem>>, vector<16xf32>,
      %parallel_loop3A_667 = arith.constant 640 : i32
      %parallel_loop3A_668 = arith.addi %parallel_loop3A_596, %parallel_loop3A_667 : i32
      %parallel_loop3A_669 = arith.constant 0 : i32
      %parallel_loop3A_670 = arith.index_cast %parallel_loop3A_669 : i32 to index
      %parallel_loop3A_671 = arith.index_cast %parallel_loop3A_668 : i32 to index
      %parallel_loop3A_672 = tpu.vector_load %arg7[%parallel_loop3A_670, %parallel_loop3A_671] {strides = array<i32>} : memref<2x16384xf32, #tpu.memory_space<vmem>>, vector<16xf32>,
      tpu.vector_store %arg7[%parallel_loop3A_670, %parallel_loop3A_671], %parallel_loop3A_626 {strides = array<i32>} : memref<2x16384xf32, #tpu.memory_space<vmem>>, vector<16xf32>,
      %parallel_loop3A_673 = arith.constant 768 : i32
      %parallel_loop3A_674 = arith.addi %parallel_loop3A_596, %parallel_loop3A_673 : i32
      %parallel_loop3A_675 = arith.constant 0 : i32
      %parallel_loop3A_676 = arith.index_cast %parallel_loop3A_675 : i32 to index
      %parallel_loop3A_677 = arith.index_cast %parallel_loop3A_674 : i32 to index
      %parallel_loop3A_678 = tpu.vector_load %arg7[%parallel_loop3A_676, %parallel_loop3A_677] {strides = array<i32>} : memref<2x16384xf32, #tpu.memory_space<vmem>>, vector<16xf32>,
      tpu.vector_store %arg7[%parallel_loop3A_676, %parallel_loop3A_677], %parallel_loop3A_631 {strides = array<i32>} : memref<2x16384xf32, #tpu.memory_space<vmem>>, vector<16xf32>,
      %parallel_loop3A_679 = arith.constant 896 : i32
      %parallel_loop3A_680 = arith.addi %parallel_loop3A_596, %parallel_loop3A_679 : i32
      %parallel_loop3A_681 = arith.constant 0 : i32
      %parallel_loop3A_682 = arith.index_cast %parallel_loop3A_681 : i32 to index
      %parallel_loop3A_683 = arith.index_cast %parallel_loop3A_680 : i32 to index
      %parallel_loop3A_684 = tpu.vector_load %arg7[%parallel_loop3A_682, %parallel_loop3A_683] {strides = array<i32>} : memref<2x16384xf32, #tpu.memory_space<vmem>>, vector<16xf32>,
      tpu.vector_store %arg7[%parallel_loop3A_682, %parallel_loop3A_683], %parallel_loop3A_636 {strides = array<i32>} : memref<2x16384xf32, #tpu.memory_space<vmem>>, vector<16xf32>,
    } {sc.loop_unroll_factor = 8 : i64, sc.parallel_access}
    %mul3A_292 = arith.constant 16384 : i32
    %mul3A_293 = arith.muli %add3A_191, %mul3A_292 : i32
    %dma_start3A_294 = arith.constant 0 : i32
    %dma_start3A_295 = arith.constant 0 : i32
    %dma_start3A_296 = tpu.memref_slice %arg7[%dma_start3A_294, %dma_start3A_295] : memref<2x16384xf32, #tpu.memory_space<vmem>> -> memref<1x16384xf32, #tpu.memory_space<vmem>>
    %dma_start3A_297 = tpu.memref_squeeze %dma_start3A_296 : memref<1x16384xf32, #tpu.memory_space<vmem>> -> memref<16384xf32, #tpu.memory_space<vmem>>
    %dma_start3A_298 = tpu.memref_slice %arg4[%mul3A_293] : memref<26214400xf32, #tpu.memory_space<hbm>> -> memref<16384xf32, #tpu.memory_space<hbm>>
    %dma_start3A_299 = tpu.memref_slice %arg4[%mul3A_293] : memref<26214400xf32, #tpu.memory_space<hbm>> -> memref<16384xf32, #tpu.memory_space<hbm>>
    %dma_start3A_300 = arith.constant 0 : i32
    %dma_start3A_301 = tpu.memref_slice %arg7[%dma_start3A_294, %dma_start3A_300] : memref<2x16384xf32, #tpu.memory_space<vmem>> -> memref<1x16384xf32, #tpu.memory_space<vmem>>
    %dma_start3A_302 = tpu.memref_squeeze %dma_start3A_301 : memref<1x16384xf32, #tpu.memory_space<vmem>> -> memref<16384xf32, #tpu.memory_space<vmem>>
    tpu.enqueue_dma source(%dma_start3A_302 : memref<16384xf32, #tpu.memory_space<vmem>>) target(%dma_start3A_299 : memref<16384xf32, #tpu.memory_space<hbm>>) target_semaphore(%arg8 : memref<!tpu.dma_semaphore, #tpu.memory_space<semaphore_mem>>)
    %add3A_303 = arith.constant 1 : i32
    %add3A_304 = arith.addi %mul3A_2, %add3A_303 : i32
    %add3A_305 = arith.constant 1 : i32
    %add3A_306 = arith.addi %mul3A_2, %add3A_305 : i32
    %jit3A_307 = arith.constant 8 : i32
    %div3A_308 = arith.divsi %add3A_306, %jit3A_307 : i32
    %sign3A_309 = arith.constant 0 : i32
    %sign3A_310 = arith.cmpi sgt, %add3A_306, %sign3A_309 : i32
    %sign3A_311 = arith.extui %sign3A_310 : i1 to i32
    %sign3A_312 = arith.constant 0 : i32
    %sign3A_313 = arith.cmpi slt, %add3A_306, %sign3A_312 : i32
    %sign3A_314 = arith.extui %sign3A_313 : i1 to i32
    %sign3A_315 = arith.subi %sign3A_311, %sign3A_314 : i32
    %sign3A_316 = arith.constant 0 : i32
    %sign3A_317 = arith.cmpi sgt, %jit3A_307, %sign3A_316 : i32
    %sign3A_318 = arith.extui %sign3A_317 : i1 to i32
    %sign3A_319 = arith.constant 0 : i32
    %sign3A_320 = arith.cmpi slt, %jit3A_307, %sign3A_319 : i32
    %sign3A_321 = arith.extui %sign3A_320 : i1 to i32
    %sign3A_322 = arith.subi %sign3A_318, %sign3A_321 : i32
    %ne3A_323 = arith.cmpi ne, %sign3A_315, %sign3A_322 : i32
    %rem3A_324 = arith.remsi %add3A_306, %jit3A_307 : i32
    %ne3A_325 = arith.constant 0 : i32
    %ne3A_326 = arith.cmpi ne, %rem3A_324, %ne3A_325 : i32
    %and3A_327 = arith.andi %ne3A_323, %ne3A_326 : i1
    %sub3A_328 = arith.constant 1 : i32
    %sub3A_329 = arith.subi %div3A_308, %sub3A_328 : i32
    %select_n3A_330 = arith.select %and3A_327, %sub3A_329, %div3A_308 : i32
    %jit3A_331 = arith.constant 8 : i32
    %eq3A_332 = arith.constant 0 : i32
    %eq3A_333 = arith.cmpi eq, %jit3A_331, %eq3A_332 : i32
    %jit3A_334 = arith.constant 1 : i32
    %select_n3A_335 = arith.select %eq3A_333, %jit3A_334, %jit3A_331 : i32
    %rem3A_336 = arith.remsi %add3A_306, %select_n3A_335 : i32
    %ne3A_337 = arith.constant 0 : i32
    %ne3A_338 = arith.cmpi ne, %rem3A_336, %ne3A_337 : i32
    %lt3A_339 = arith.constant 0 : i32
    %lt3A_340 = arith.cmpi slt, %rem3A_336, %lt3A_339 : i32
    %lt3A_341 = arith.constant 0 : i32
    %lt3A_342 = arith.cmpi slt, %select_n3A_335, %lt3A_341 : i32
    %ne3A_343 = arith.xori %lt3A_340, %lt3A_342 : i1
    %and3A_344 = arith.andi %ne3A_343, %ne3A_338 : i1
    %add3A_345 = arith.addi %rem3A_336, %select_n3A_335 : i32
    %select_n3A_346 = arith.select %and3A_344, %add3A_345, %rem3A_336 : i32
    %jit3A_347 = arith.constant 8 : i32
    %div3A_348 = arith.divsi %select_n3A_330, %jit3A_347 : i32
    %sign3A_349 = arith.constant 0 : i32
    %sign3A_350 = arith.cmpi sgt, %select_n3A_330, %sign3A_349 : i32
    %sign3A_351 = arith.extui %sign3A_350 : i1 to i32
    %sign3A_352 = arith.constant 0 : i32
    %sign3A_353 = arith.cmpi slt, %select_n3A_330, %sign3A_352 : i32
    %sign3A_354 = arith.extui %sign3A_353 : i1 to i32
    %sign3A_355 = arith.subi %sign3A_351, %sign3A_354 : i32
    %sign3A_356 = arith.constant 0 : i32
    %sign3A_357 = arith.cmpi sgt, %jit3A_347, %sign3A_356 : i32
    %sign3A_358 = arith.extui %sign3A_357 : i1 to i32
    %sign3A_359 = arith.constant 0 : i32
    %sign3A_360 = arith.cmpi slt, %jit3A_347, %sign3A_359 : i32
    %sign3A_361 = arith.extui %sign3A_360 : i1 to i32
    %sign3A_362 = arith.subi %sign3A_358, %sign3A_361 : i32
    %ne3A_363 = arith.cmpi ne, %sign3A_355, %sign3A_362 : i32
    %rem3A_364 = arith.remsi %select_n3A_330, %jit3A_347 : i32
    %ne3A_365 = arith.constant 0 : i32
    %ne3A_366 = arith.cmpi ne, %rem3A_364, %ne3A_365 : i32
    %and3A_367 = arith.andi %ne3A_363, %ne3A_366 : i1
    %sub3A_368 = arith.constant 1 : i32
    %sub3A_369 = arith.subi %div3A_348, %sub3A_368 : i32
    %select_n3A_370 = arith.select %and3A_367, %sub3A_369, %div3A_348 : i32
    %mul3A_371 = arith.constant 16 : i32
    %mul3A_372 = arith.muli %select_n3A_346, %mul3A_371 : i32
    %jit3A_373 = arith.constant 8 : i32
    %eq3A_374 = arith.constant 0 : i32
    %eq3A_375 = arith.cmpi eq, %jit3A_373, %eq3A_374 : i32
    %jit3A_376 = arith.constant 1 : i32
    %select_n3A_377 = arith.select %eq3A_375, %jit3A_376, %jit3A_373 : i32
    %rem3A_378 = arith.remsi %select_n3A_330, %select_n3A_377 : i32
    %ne3A_379 = arith.constant 0 : i32
    %ne3A_380 = arith.cmpi ne, %rem3A_378, %ne3A_379 : i32
    %lt3A_381 = arith.constant 0 : i32
    %lt3A_382 = arith.cmpi slt, %rem3A_378, %lt3A_381 : i32
    %lt3A_383 = arith.constant 0 : i32
    %lt3A_384 = arith.cmpi slt, %select_n3A_377, %lt3A_383 : i32
    %ne3A_385 = arith.xori %lt3A_382, %lt3A_384 : i1
    %and3A_386 = arith.andi %ne3A_385, %ne3A_380 : i1
    %add3A_387 = arith.addi %rem3A_378, %select_n3A_377 : i32
    %select_n3A_388 = arith.select %and3A_386, %add3A_387, %rem3A_378 : i32
    %dma_wait3A_389 = arith.constant 1 : i32
    %dma_wait3A_390 = arith.constant 0 : i32
    %dma_wait3A_391 = arith.constant 0 : i32
    %dma_wait3A_392 = tpu.memref_slice %arg6[%dma_wait3A_389, %dma_wait3A_390, %dma_wait3A_391] : memref<2x16x128xi32, #tpu.memory_space<vmem>> -> memref<1x16x128xi32, #tpu.memory_space<vmem>>
    %dma_wait3A_393 = tpu.memref_squeeze %dma_wait3A_392 : memref<1x16x128xi32, #tpu.memory_space<vmem>> -> memref<16x128xi32, #tpu.memory_space<vmem>>
    %dma_wait3A_394 = arith.constant 0 : i32
    %dma_wait3A_395 = tpu.memref_slice %arg2[%select_n3A_370, %mul3A_372, %select_n3A_388, %dma_wait3A_394] : memref<25x128x8x128xi32, #tpu.memory_space<hbm>> -> memref<1x16x1x128xi32, #tpu.memory_space<hbm>>
    %dma_wait3A_396 = tpu.memref_squeeze %dma_wait3A_395 : memref<1x16x1x128xi32, #tpu.memory_space<hbm>> -> memref<16x128xi32, #tpu.memory_space<hbm>>
    %dma_wait3A_397 = arith.constant 0 : i32
    %dma_wait3A_398 = arith.constant 0 : i32
    %dma_wait3A_399 = tpu.memref_slice %arg6[%dma_wait3A_389, %dma_wait3A_397, %dma_wait3A_398] : memref<2x16x128xi32, #tpu.memory_space<vmem>> -> memref<1x16x128xi32, #tpu.memory_space<vmem>>
    %dma_wait3A_400 = tpu.memref_squeeze %dma_wait3A_399 : memref<1x16x128xi32, #tpu.memory_space<vmem>> -> memref<16x128xi32, #tpu.memory_space<vmem>>
    %dma_wait3A_401 = arith.constant 0 : i32
    %dma_wait3A_402 = tpu.memref_slice %arg2[%select_n3A_370, %mul3A_372, %select_n3A_388, %dma_wait3A_401] : memref<25x128x8x128xi32, #tpu.memory_space<hbm>> -> memref<1x16x1x128xi32, #tpu.memory_space<hbm>>
    %dma_wait3A_403 = tpu.memref_squeeze %dma_wait3A_402 : memref<1x16x1x128xi32, #tpu.memory_space<hbm>> -> memref<16x128xi32, #tpu.memory_space<hbm>>
    tpu.wait_dma2 semaphore(%arg11 : memref<!tpu.dma_semaphore, #tpu.memory_space<semaphore_mem>>) src(%dma_wait3A_403 : memref<16x128xi32, #tpu.memory_space<hbm>>) dst(%dma_wait3A_400 : memref<16x128xi32, #tpu.memory_space<vmem>>)
    %add3A_404 = arith.constant 2 : i32
    %add3A_405 = arith.addi %mul3A_2, %add3A_404 : i32
    %jit3A_406 = arith.constant 8 : i32
    %div3A_407 = arith.divsi %add3A_405, %jit3A_406 : i32
    %sign3A_408 = arith.constant 0 : i32
    %sign3A_409 = arith.cmpi sgt, %add3A_405, %sign3A_408 : i32
    %sign3A_410 = arith.extui %sign3A_409 : i1 to i32
    %sign3A_411 = arith.constant 0 : i32
    %sign3A_412 = arith.cmpi slt, %add3A_405, %sign3A_411 : i32
    %sign3A_413 = arith.extui %sign3A_412 : i1 to i32
    %sign3A_414 = arith.subi %sign3A_410, %sign3A_413 : i32
    %sign3A_415 = arith.constant 0 : i32
    %sign3A_416 = arith.cmpi sgt, %jit3A_406, %sign3A_415 : i32
    %sign3A_417 = arith.extui %sign3A_416 : i1 to i32
    %sign3A_418 = arith.constant 0 : i32
    %sign3A_419 = arith.cmpi slt, %jit3A_406, %sign3A_418 : i32
    %sign3A_420 = arith.extui %sign3A_419 : i1 to i32
    %sign3A_421 = arith.subi %sign3A_417, %sign3A_420 : i32
    %ne3A_422 = arith.cmpi ne, %sign3A_414, %sign3A_421 : i32
    %rem3A_423 = arith.remsi %add3A_405, %jit3A_406 : i32
    %ne3A_424 = arith.constant 0 : i32
    %ne3A_425 = arith.cmpi ne, %rem3A_423, %ne3A_424 : i32
    %and3A_426 = arith.andi %ne3A_422, %ne3A_425 : i1
    %sub3A_427 = arith.constant 1 : i32
    %sub3A_428 = arith.subi %div3A_407, %sub3A_427 : i32
    %select_n3A_429 = arith.select %and3A_426, %sub3A_428, %div3A_407 : i32
    %jit3A_430 = arith.constant 8 : i32
    %eq3A_431 = arith.constant 0 : i32
    %eq3A_432 = arith.cmpi eq, %jit3A_430, %eq3A_431 : i32
    %jit3A_433 = arith.constant 1 : i32
    %select_n3A_434 = arith.select %eq3A_432, %jit3A_433, %jit3A_430 : i32
    %rem3A_435 = arith.remsi %add3A_405, %select_n3A_434 : i32
    %ne3A_436 = arith.constant 0 : i32
    %ne3A_437 = arith.cmpi ne, %rem3A_435, %ne3A_436 : i32
    %lt3A_438 = arith.constant 0 : i32
    %lt3A_439 = arith.cmpi slt, %rem3A_435, %lt3A_438 : i32
    %lt3A_440 = arith.constant 0 : i32
    %lt3A_441 = arith.cmpi slt, %select_n3A_434, %lt3A_440 : i32
    %ne3A_442 = arith.xori %lt3A_439, %lt3A_441 : i1
    %and3A_443 = arith.andi %ne3A_442, %ne3A_437 : i1
    %add3A_444 = arith.addi %rem3A_435, %select_n3A_434 : i32
    %select_n3A_445 = arith.select %and3A_443, %add3A_444, %rem3A_435 : i32
    %jit3A_446 = arith.constant 8 : i32
    %div3A_447 = arith.divsi %select_n3A_429, %jit3A_446 : i32
    %sign3A_448 = arith.constant 0 : i32
    %sign3A_449 = arith.cmpi sgt, %select_n3A_429, %sign3A_448 : i32
    %sign3A_450 = arith.extui %sign3A_449 : i1 to i32
    %sign3A_451 = arith.constant 0 : i32
    %sign3A_452 = arith.cmpi slt, %select_n3A_429, %sign3A_451 : i32
    %sign3A_453 = arith.extui %sign3A_452 : i1 to i32
    %sign3A_454 = arith.subi %sign3A_450, %sign3A_453 : i32
    %sign3A_455 = arith.constant 0 : i32
    %sign3A_456 = arith.cmpi sgt, %jit3A_446, %sign3A_455 : i32
    %sign3A_457 = arith.extui %sign3A_456 : i1 to i32
    %sign3A_458 = arith.constant 0 : i32
    %sign3A_459 = arith.cmpi slt, %jit3A_446, %sign3A_458 : i32
    %sign3A_460 = arith.extui %sign3A_459 : i1 to i32
    %sign3A_461 = arith.subi %sign3A_457, %sign3A_460 : i32
    %ne3A_462 = arith.cmpi ne, %sign3A_454, %sign3A_461 : i32
    %rem3A_463 = arith.remsi %select_n3A_429, %jit3A_446 : i32
    %ne3A_464 = arith.constant 0 : i32
    %ne3A_465 = arith.cmpi ne, %rem3A_463, %ne3A_464 : i32
    %and3A_466 = arith.andi %ne3A_462, %ne3A_465 : i1
    %sub3A_467 = arith.constant 1 : i32
    %sub3A_468 = arith.subi %div3A_447, %sub3A_467 : i32
    %select_n3A_469 = arith.select %and3A_466, %sub3A_468, %div3A_447 : i32
    %mul3A_470 = arith.constant 16 : i32
    %mul3A_471 = arith.muli %select_n3A_445, %mul3A_470 : i32
    %jit3A_472 = arith.constant 8 : i32
    %eq3A_473 = arith.constant 0 : i32
    %eq3A_474 = arith.cmpi eq, %jit3A_472, %eq3A_473 : i32
    %jit3A_475 = arith.constant 1 : i32
    %select_n3A_476 = arith.select %eq3A_474, %jit3A_475, %jit3A_472 : i32
    %rem3A_477 = arith.remsi %select_n3A_429, %select_n3A_476 : i32
    %ne3A_478 = arith.constant 0 : i32
    %ne3A_479 = arith.cmpi ne, %rem3A_477, %ne3A_478 : i32
    %lt3A_480 = arith.constant 0 : i32
    %lt3A_481 = arith.cmpi slt, %rem3A_477, %lt3A_480 : i32
    %lt3A_482 = arith.constant 0 : i32
    %lt3A_483 = arith.cmpi slt, %select_n3A_476, %lt3A_482 : i32
    %ne3A_484 = arith.xori %lt3A_481, %lt3A_483 : i1
    %and3A_485 = arith.andi %ne3A_484, %ne3A_479 : i1
    %add3A_486 = arith.addi %rem3A_477, %select_n3A_476 : i32
    %select_n3A_487 = arith.select %and3A_485, %add3A_486, %rem3A_477 : i32
    %dma_start3A_488 = arith.constant 0 : i32
    %dma_start3A_489 = arith.constant 0 : i32
    %dma_start3A_490 = arith.constant 0 : i32
    %dma_start3A_491 = tpu.memref_slice %arg6[%dma_start3A_488, %dma_start3A_489, %dma_start3A_490] : memref<2x16x128xi32, #tpu.memory_space<vmem>> -> memref<1x16x128xi32, #tpu.memory_space<vmem>>
    %dma_start3A_492 = tpu.memref_squeeze %dma_start3A_491 : memref<1x16x128xi32, #tpu.memory_space<vmem>> -> memref<16x128xi32, #tpu.memory_space<vmem>>
    %dma_start3A_493 = arith.constant 0 : i32
    %dma_start3A_494 = tpu.memref_slice %arg2[%select_n3A_469, %mul3A_471, %select_n3A_487, %dma_start3A_493] : memref<25x128x8x128xi32, #tpu.memory_space<hbm>> -> memref<1x16x1x128xi32, #tpu.memory_space<hbm>>
    %dma_start3A_495 = tpu.memref_squeeze %dma_start3A_494 : memref<1x16x1x128xi32, #tpu.memory_space<hbm>> -> memref<16x128xi32, #tpu.memory_space<hbm>>
    %dma_start3A_496 = arith.constant 0 : i32
    %dma_start3A_497 = arith.constant 0 : i32
    %dma_start3A_498 = tpu.memref_slice %arg6[%dma_start3A_488, %dma_start3A_496, %dma_start3A_497] : memref<2x16x128xi32, #tpu.memory_space<vmem>> -> memref<1x16x128xi32, #tpu.memory_space<vmem>>
    %dma_start3A_499 = tpu.memref_squeeze %dma_start3A_498 : memref<1x16x128xi32, #tpu.memory_space<vmem>> -> memref<16x128xi32, #tpu.memory_space<vmem>>
    %dma_start3A_500 = arith.constant 0 : i32
    %dma_start3A_501 = tpu.memref_slice %arg2[%select_n3A_469, %mul3A_471, %select_n3A_487, %dma_start3A_500] : memref<25x128x8x128xi32, #tpu.memory_space<hbm>> -> memref<1x16x1x128xi32, #tpu.memory_space<hbm>>
    %dma_start3A_502 = tpu.memref_squeeze %dma_start3A_501 : memref<1x16x1x128xi32, #tpu.memory_space<hbm>> -> memref<16x128xi32, #tpu.memory_space<hbm>>
    tpu.enqueue_dma source(%dma_start3A_502 : memref<16x128xi32, #tpu.memory_space<hbm>>) target(%dma_start3A_499 : memref<16x128xi32, #tpu.memory_space<vmem>>) target_semaphore(%arg10 : memref<!tpu.dma_semaphore, #tpu.memory_space<semaphore_mem>>)
    %parallel_loop3A_503 = arith.constant 0 : i32
    %parallel_loop3A_504 = arith.constant 128 : i32
    %parallel_loop3A_505 = arith.constant 1 : i32
    scf.for %parallel_loop3A_544 = %parallel_loop3A_503 to %parallel_loop3A_504 step %parallel_loop3A_505  : i32 {
      %parallel_loop3A_545 = arith.constant 8 : i32
      %parallel_loop3A_546 = arith.divsi %parallel_loop3A_544, %parallel_loop3A_545 : i32
      %parallel_loop3A_547 = arith.constant 0 : i32
      %parallel_loop3A_548 = arith.cmpi sgt, %parallel_loop3A_544, %parallel_loop3A_547 : i32
      %parallel_loop3A_549 = arith.extui %parallel_loop3A_548 : i1 to i32
      %parallel_loop3A_550 = arith.constant 0 : i32
      %parallel_loop3A_551 = arith.cmpi slt, %parallel_loop3A_544, %parallel_loop3A_550 : i32
      %parallel_loop3A_552 = arith.extui %parallel_loop3A_551 : i1 to i32
      %parallel_loop3A_553 = arith.subi %parallel_loop3A_549, %parallel_loop3A_552 : i32
      %parallel_loop3A_554 = arith.constant 0 : i32
      %parallel_loop3A_555 = arith.cmpi sgt, %parallel_loop3A_545, %parallel_loop3A_554 : i32
      %parallel_loop3A_556 = arith.extui %parallel_loop3A_555 : i1 to i32
      %parallel_loop3A_557 = arith.constant 0 : i32
      %parallel_loop3A_558 = arith.cmpi slt, %parallel_loop3A_545, %parallel_loop3A_557 : i32
      %parallel_loop3A_559 = arith.extui %parallel_loop3A_558 : i1 to i32
      %parallel_loop3A_560 = arith.subi %parallel_loop3A_556, %parallel_loop3A_559 : i32
      %parallel_loop3A_561 = arith.cmpi ne, %parallel_loop3A_553, %parallel_loop3A_560 : i32
      %parallel_loop3A_562 = arith.remsi %parallel_loop3A_544, %parallel_loop3A_545 : i32
      %parallel_loop3A_563 = arith.constant 0 : i32
      %parallel_loop3A_564 = arith.cmpi ne, %parallel_loop3A_562, %parallel_loop3A_563 : i32
      %parallel_loop3A_565 = arith.andi %parallel_loop3A_561, %parallel_loop3A_564 : i1
      %parallel_loop3A_566 = arith.constant 1 : i32
      %parallel_loop3A_567 = arith.subi %parallel_loop3A_546, %parallel_loop3A_566 : i32
      %parallel_loop3A_568 = arith.select %parallel_loop3A_565, %parallel_loop3A_567, %parallel_loop3A_546 : i32
      %parallel_loop3A_569 = arith.constant 8 : i32
      %parallel_loop3A_570 = arith.constant 0 : i32
      %parallel_loop3A_571 = arith.cmpi eq, %parallel_loop3A_569, %parallel_loop3A_570 : i32
      %parallel_loop3A_572 = arith.constant 1 : i32
      %parallel_loop3A_573 = arith.select %parallel_loop3A_571, %parallel_loop3A_572, %parallel_loop3A_569 : i32
      %parallel_loop3A_574 = arith.remsi %parallel_loop3A_544, %parallel_loop3A_573 : i32
      %parallel_loop3A_575 = arith.constant 0 : i32
      %parallel_loop3A_576 = arith.cmpi ne, %parallel_loop3A_574, %parallel_loop3A_575 : i32
      %parallel_loop3A_577 = arith.constant 0 : i32
      %parallel_loop3A_578 = arith.cmpi slt, %parallel_loop3A_574, %parallel_loop3A_577 : i32
      %parallel_loop3A_579 = arith.constant 0 : i32
      %parallel_loop3A_580 = arith.cmpi slt, %parallel_loop3A_573, %parallel_loop3A_579 : i32
      %parallel_loop3A_581 = arith.xori %parallel_loop3A_578, %parallel_loop3A_580 : i1
      %parallel_loop3A_582 = arith.andi %parallel_loop3A_581, %parallel_loop3A_576 : i1
      %parallel_loop3A_583 = arith.addi %parallel_loop3A_574, %parallel_loop3A_573 : i32
      %parallel_loop3A_584 = arith.select %parallel_loop3A_582, %parallel_loop3A_583, %parallel_loop3A_574 : i32
      %parallel_loop3A_585 = arith.constant 16 : i32
      %parallel_loop3A_586 = arith.muli %parallel_loop3A_584, %parallel_loop3A_585 : i32
      %parallel_loop3A_587 = arith.constant 1 : i32
      %parallel_loop3A_588 = arith.index_cast %parallel_loop3A_587 : i32 to index
      %parallel_loop3A_589 = arith.index_cast %parallel_loop3A_568 : i32 to index
      %parallel_loop3A_590 = arith.index_cast %parallel_loop3A_586 : i32 to index
      %parallel_loop3A_591 = tpu.vector_load %arg6[%parallel_loop3A_588, %parallel_loop3A_589, %parallel_loop3A_590] {strides = array<i32>} : memref<2x16x128xi32, #tpu.memory_space<vmem>>, vector<16xi32>,
      %parallel_loop3A_592 = arith.constant 1024 : i32
      %parallel_loop3A_593 = arith.muli %parallel_loop3A_568, %parallel_loop3A_592 : i32
      %parallel_loop3A_594 = arith.constant 16 : i32
      %parallel_loop3A_595 = arith.muli %parallel_loop3A_584, %parallel_loop3A_594 : i32
      %parallel_loop3A_596 = arith.addi %parallel_loop3A_593, %parallel_loop3A_595 : i32
      %parallel_loop3A_597 = arith.constant 0 : i32
      %parallel_loop3A_598 = arith.constant 0 : i32
      %parallel_loop3A_599 = tpu.memref_slice %arg5[%parallel_loop3A_597, %parallel_loop3A_598] : memref<8x16xf32, #tpu.memory_space<vmem>> -> memref<1x16xf32, #tpu.memory_space<vmem>>
      %parallel_loop3A_600 = tpu.memref_squeeze %parallel_loop3A_599 : memref<1x16xf32, #tpu.memory_space<vmem>> -> memref<16xf32, #tpu.memory_space<vmem>>
      %parallel_loop3A_601 = tpu.vector_load_idx %parallel_loop3A_600[%parallel_loop3A_591] : memref<16xf32, #tpu.memory_space<vmem>>[vector<16xi32>], vector<16xf32>,
      %parallel_loop3A_602 = arith.constant 1 : i32
      %parallel_loop3A_603 = arith.constant 0 : i32
      %parallel_loop3A_604 = tpu.memref_slice %arg5[%parallel_loop3A_602, %parallel_loop3A_603] : memref<8x16xf32, #tpu.memory_space<vmem>> -> memref<1x16xf32, #tpu.memory_space<vmem>>
      %parallel_loop3A_605 = tpu.memref_squeeze %parallel_loop3A_604 : memref<1x16xf32, #tpu.memory_space<vmem>> -> memref<16xf32, #tpu.memory_space<vmem>>
      %parallel_loop3A_606 = tpu.vector_load_idx %parallel_loop3A_605[%parallel_loop3A_591] : memref<16xf32, #tpu.memory_space<vmem>>[vector<16xi32>], vector<16xf32>,
      %parallel_loop3A_607 = arith.constant 2 : i32
      %parallel_loop3A_608 = arith.constant 0 : i32
      %parallel_loop3A_609 = tpu.memref_slice %arg5[%parallel_loop3A_607, %parallel_loop3A_608] : memref<8x16xf32, #tpu.memory_space<vmem>> -> memref<1x16xf32, #tpu.memory_space<vmem>>
      %parallel_loop3A_610 = tpu.memref_squeeze %parallel_loop3A_609 : memref<1x16xf32, #tpu.memory_space<vmem>> -> memref<16xf32, #tpu.memory_space<vmem>>
      %parallel_loop3A_611 = tpu.vector_load_idx %parallel_loop3A_610[%parallel_loop3A_591] : memref<16xf32, #tpu.memory_space<vmem>>[vector<16xi32>], vector<16xf32>,
      %parallel_loop3A_612 = arith.constant 3 : i32
      %parallel_loop3A_613 = arith.constant 0 : i32
      %parallel_loop3A_614 = tpu.memref_slice %arg5[%parallel_loop3A_612, %parallel_loop3A_613] : memref<8x16xf32, #tpu.memory_space<vmem>> -> memref<1x16xf32, #tpu.memory_space<vmem>>
      %parallel_loop3A_615 = tpu.memref_squeeze %parallel_loop3A_614 : memref<1x16xf32, #tpu.memory_space<vmem>> -> memref<16xf32, #tpu.memory_space<vmem>>
      %parallel_loop3A_616 = tpu.vector_load_idx %parallel_loop3A_615[%parallel_loop3A_591] : memref<16xf32, #tpu.memory_space<vmem>>[vector<16xi32>], vector<16xf32>,
      %parallel_loop3A_617 = arith.constant 4 : i32
      %parallel_loop3A_618 = arith.constant 0 : i32
      %parallel_loop3A_619 = tpu.memref_slice %arg5[%parallel_loop3A_617, %parallel_loop3A_618] : memref<8x16xf32, #tpu.memory_space<vmem>> -> memref<1x16xf32, #tpu.memory_space<vmem>>
      %parallel_loop3A_620 = tpu.memref_squeeze %parallel_loop3A_619 : memref<1x16xf32, #tpu.memory_space<vmem>> -> memref<16xf32, #tpu.memory_space<vmem>>
      %parallel_loop3A_621 = tpu.vector_load_idx %parallel_loop3A_620[%parallel_loop3A_591] : memref<16xf32, #tpu.memory_space<vmem>>[vector<16xi32>], vector<16xf32>,
      %parallel_loop3A_622 = arith.constant 5 : i32
      %parallel_loop3A_623 = arith.constant 0 : i32
      %parallel_loop3A_624 = tpu.memref_slice %arg5[%parallel_loop3A_622, %parallel_loop3A_623] : memref<8x16xf32, #tpu.memory_space<vmem>> -> memref<1x16xf32, #tpu.memory_space<vmem>>
      %parallel_loop3A_625 = tpu.memref_squeeze %parallel_loop3A_624 : memref<1x16xf32, #tpu.memory_space<vmem>> -> memref<16xf32, #tpu.memory_space<vmem>>
      %parallel_loop3A_626 = tpu.vector_load_idx %parallel_loop3A_625[%parallel_loop3A_591] : memref<16xf32, #tpu.memory_space<vmem>>[vector<16xi32>], vector<16xf32>,
      %parallel_loop3A_627 = arith.constant 6 : i32
      %parallel_loop3A_628 = arith.constant 0 : i32
      %parallel_loop3A_629 = tpu.memref_slice %arg5[%parallel_loop3A_627, %parallel_loop3A_628] : memref<8x16xf32, #tpu.memory_space<vmem>> -> memref<1x16xf32, #tpu.memory_space<vmem>>
      %parallel_loop3A_630 = tpu.memref_squeeze %parallel_loop3A_629 : memref<1x16xf32, #tpu.memory_space<vmem>> -> memref<16xf32, #tpu.memory_space<vmem>>
      %parallel_loop3A_631 = tpu.vector_load_idx %parallel_loop3A_630[%parallel_loop3A_591] : memref<16xf32, #tpu.memory_space<vmem>>[vector<16xi32>], vector<16xf32>,
      %parallel_loop3A_632 = arith.constant 7 : i32
      %parallel_loop3A_633 = arith.constant 0 : i32
      %parallel_loop3A_634 = tpu.memref_slice %arg5[%parallel_loop3A_632, %parallel_loop3A_633] : memref<8x16xf32, #tpu.memory_space<vmem>> -> memref<1x16xf32, #tpu.memory_space<vmem>>
      %parallel_loop3A_635 = tpu.memref_squeeze %parallel_loop3A_634 : memref<1x16xf32, #tpu.memory_space<vmem>> -> memref<16xf32, #tpu.memory_space<vmem>>
      %parallel_loop3A_636 = tpu.vector_load_idx %parallel_loop3A_635[%parallel_loop3A_591] : memref<16xf32, #tpu.memory_space<vmem>>[vector<16xi32>], vector<16xf32>,
      %parallel_loop3A_637 = arith.constant 0 : i32
      %parallel_loop3A_638 = arith.addi %parallel_loop3A_596, %parallel_loop3A_637 : i32
      %parallel_loop3A_639 = arith.constant 1 : i32
      %parallel_loop3A_640 = arith.index_cast %parallel_loop3A_639 : i32 to index
      %parallel_loop3A_641 = arith.index_cast %parallel_loop3A_638 : i32 to index
      %parallel_loop3A_642 = tpu.vector_load %arg7[%parallel_loop3A_640, %parallel_loop3A_641] {strides = array<i32>} : memref<2x16384xf32, #tpu.memory_space<vmem>>, vector<16xf32>,
      tpu.vector_store %arg7[%parallel_loop3A_640, %parallel_loop3A_641], %parallel_loop3A_601 {strides = array<i32>} : memref<2x16384xf32, #tpu.memory_space<vmem>>, vector<16xf32>,
      %parallel_loop3A_643 = arith.constant 128 : i32
      %parallel_loop3A_644 = arith.addi %parallel_loop3A_596, %parallel_loop3A_643 : i32
      %parallel_loop3A_645 = arith.constant 1 : i32
      %parallel_loop3A_646 = arith.index_cast %parallel_loop3A_645 : i32 to index
      %parallel_loop3A_647 = arith.index_cast %parallel_loop3A_644 : i32 to index
      %parallel_loop3A_648 = tpu.vector_load %arg7[%parallel_loop3A_646, %parallel_loop3A_647] {strides = array<i32>} : memref<2x16384xf32, #tpu.memory_space<vmem>>, vector<16xf32>,
      tpu.vector_store %arg7[%parallel_loop3A_646, %parallel_loop3A_647], %parallel_loop3A_606 {strides = array<i32>} : memref<2x16384xf32, #tpu.memory_space<vmem>>, vector<16xf32>,
      %parallel_loop3A_649 = arith.constant 256 : i32
      %parallel_loop3A_650 = arith.addi %parallel_loop3A_596, %parallel_loop3A_649 : i32
      %parallel_loop3A_651 = arith.constant 1 : i32
      %parallel_loop3A_652 = arith.index_cast %parallel_loop3A_651 : i32 to index
      %parallel_loop3A_653 = arith.index_cast %parallel_loop3A_650 : i32 to index
      %parallel_loop3A_654 = tpu.vector_load %arg7[%parallel_loop3A_652, %parallel_loop3A_653] {strides = array<i32>} : memref<2x16384xf32, #tpu.memory_space<vmem>>, vector<16xf32>,
      tpu.vector_store %arg7[%parallel_loop3A_652, %parallel_loop3A_653], %parallel_loop3A_611 {strides = array<i32>} : memref<2x16384xf32, #tpu.memory_space<vmem>>, vector<16xf32>,
      %parallel_loop3A_655 = arith.constant 384 : i32
      %parallel_loop3A_656 = arith.addi %parallel_loop3A_596, %parallel_loop3A_655 : i32
      %parallel_loop3A_657 = arith.constant 1 : i32
      %parallel_loop3A_658 = arith.index_cast %parallel_loop3A_657 : i32 to index
      %parallel_loop3A_659 = arith.index_cast %parallel_loop3A_656 : i32 to index
      %parallel_loop3A_660 = tpu.vector_load %arg7[%parallel_loop3A_658, %parallel_loop3A_659] {strides = array<i32>} : memref<2x16384xf32, #tpu.memory_space<vmem>>, vector<16xf32>,
      tpu.vector_store %arg7[%parallel_loop3A_658, %parallel_loop3A_659], %parallel_loop3A_616 {strides = array<i32>} : memref<2x16384xf32, #tpu.memory_space<vmem>>, vector<16xf32>,
      %parallel_loop3A_661 = arith.constant 512 : i32
      %parallel_loop3A_662 = arith.addi %parallel_loop3A_596, %parallel_loop3A_661 : i32
      %parallel_loop3A_663 = arith.constant 1 : i32
      %parallel_loop3A_664 = arith.index_cast %parallel_loop3A_663 : i32 to index
      %parallel_loop3A_665 = arith.index_cast %parallel_loop3A_662 : i32 to index
      %parallel_loop3A_666 = tpu.vector_load %arg7[%parallel_loop3A_664, %parallel_loop3A_665] {strides = array<i32>} : memref<2x16384xf32, #tpu.memory_space<vmem>>, vector<16xf32>,
      tpu.vector_store %arg7[%parallel_loop3A_664, %parallel_loop3A_665], %parallel_loop3A_621 {strides = array<i32>} : memref<2x16384xf32, #tpu.memory_space<vmem>>, vector<16xf32>,
      %parallel_loop3A_667 = arith.constant 640 : i32
      %parallel_loop3A_668 = arith.addi %parallel_loop3A_596, %parallel_loop3A_667 : i32
      %parallel_loop3A_669 = arith.constant 1 : i32
      %parallel_loop3A_670 = arith.index_cast %parallel_loop3A_669 : i32 to index
      %parallel_loop3A_671 = arith.index_cast %parallel_loop3A_668 : i32 to index
      %parallel_loop3A_672 = tpu.vector_load %arg7[%parallel_loop3A_670, %parallel_loop3A_671] {strides = array<i32>} : memref<2x16384xf32, #tpu.memory_space<vmem>>, vector<16xf32>,
      tpu.vector_store %arg7[%parallel_loop3A_670, %parallel_loop3A_671], %parallel_loop3A_626 {strides = array<i32>} : memref<2x16384xf32, #tpu.memory_space<vmem>>, vector<16xf32>,
      %parallel_loop3A_673 = arith.constant 768 : i32
      %parallel_loop3A_674 = arith.addi %parallel_loop3A_596, %parallel_loop3A_673 : i32
      %parallel_loop3A_675 = arith.constant 1 : i32
      %parallel_loop3A_676 = arith.index_cast %parallel_loop3A_675 : i32 to index
      %parallel_loop3A_677 = arith.index_cast %parallel_loop3A_674 : i32 to index
      %parallel_loop3A_678 = tpu.vector_load %arg7[%parallel_loop3A_676, %parallel_loop3A_677] {strides = array<i32>} : memref<2x16384xf32, #tpu.memory_space<vmem>>, vector<16xf32>,
      tpu.vector_store %arg7[%parallel_loop3A_676, %parallel_loop3A_677], %parallel_loop3A_631 {strides = array<i32>} : memref<2x16384xf32, #tpu.memory_space<vmem>>, vector<16xf32>,
      %parallel_loop3A_679 = arith.constant 896 : i32
      %parallel_loop3A_680 = arith.addi %parallel_loop3A_596, %parallel_loop3A_679 : i32
      %parallel_loop3A_681 = arith.constant 1 : i32
      %parallel_loop3A_682 = arith.index_cast %parallel_loop3A_681 : i32 to index
      %parallel_loop3A_683 = arith.index_cast %parallel_loop3A_680 : i32 to index
      %parallel_loop3A_684 = tpu.vector_load %arg7[%parallel_loop3A_682, %parallel_loop3A_683] {strides = array<i32>} : memref<2x16384xf32, #tpu.memory_space<vmem>>, vector<16xf32>,
      tpu.vector_store %arg7[%parallel_loop3A_682, %parallel_loop3A_683], %parallel_loop3A_636 {strides = array<i32>} : memref<2x16384xf32, #tpu.memory_space<vmem>>, vector<16xf32>,
    } {sc.loop_unroll_factor = 8 : i64, sc.parallel_access}
    %mul3A_506 = arith.constant 16384 : i32
    %mul3A_507 = arith.muli %add3A_304, %mul3A_506 : i32
    %dma_start3A_508 = arith.constant 1 : i32
    %dma_start3A_509 = arith.constant 0 : i32
    %dma_start3A_510 = tpu.memref_slice %arg7[%dma_start3A_508, %dma_start3A_509] : memref<2x16384xf32, #tpu.memory_space<vmem>> -> memref<1x16384xf32, #tpu.memory_space<vmem>>
    %dma_start3A_511 = tpu.memref_squeeze %dma_start3A_510 : memref<1x16384xf32, #tpu.memory_space<vmem>> -> memref<16384xf32, #tpu.memory_space<vmem>>
    %dma_start3A_512 = tpu.memref_slice %arg4[%mul3A_507] : memref<26214400xf32, #tpu.memory_space<hbm>> -> memref<16384xf32, #tpu.memory_space<hbm>>
    %dma_start3A_513 = tpu.memref_slice %arg4[%mul3A_507] : memref<26214400xf32, #tpu.memory_space<hbm>> -> memref<16384xf32, #tpu.memory_space<hbm>>
    %dma_start3A_514 = arith.constant 0 : i32
    %dma_start3A_515 = tpu.memref_slice %arg7[%dma_start3A_508, %dma_start3A_514] : memref<2x16384xf32, #tpu.memory_space<vmem>> -> memref<1x16384xf32, #tpu.memory_space<vmem>>
    %dma_start3A_516 = tpu.memref_squeeze %dma_start3A_515 : memref<1x16384xf32, #tpu.memory_space<vmem>> -> memref<16384xf32, #tpu.memory_space<vmem>>
    tpu.enqueue_dma source(%dma_start3A_516 : memref<16384xf32, #tpu.memory_space<vmem>>) target(%dma_start3A_513 : memref<16384xf32, #tpu.memory_space<hbm>>) target_semaphore(%arg9 : memref<!tpu.dma_semaphore, #tpu.memory_space<semaphore_mem>>)
    %scan3A = arith.constant 0 : i32
    %scan3A_517 = arith.constant 1 : i32
    %scan3A_518 = arith.constant 24 : i32
    %scan3A_519 = arith.addi %scan3A_517, %scan3A_518 : i32
    %scan3A_520 = arith.constant 1 : i32
    scf.for %scan3A_544 = %scan3A_517 to %scan3A_519 step %scan3A_520  : i32 {
      %mul3A_545 = arith.constant 2 : i32
      %mul3A_546 = arith.muli %mul3A_545, %scan3A_544 : i32
      %add3A_547 = arith.addi %mul3A_2, %mul3A_546 : i32
      %add3A_548 = arith.addi %mul3A_2, %mul3A_546 : i32
      %jit3A_549 = arith.constant 8 : i32
      %div3A_550 = arith.divsi %add3A_548, %jit3A_549 : i32
      %sign3A_551 = arith.constant 0 : i32
      %sign3A_552 = arith.cmpi sgt, %add3A_548, %sign3A_551 : i32
      %sign3A_553 = arith.extui %sign3A_552 : i1 to i32
      %sign3A_554 = arith.constant 0 : i32
      %sign3A_555 = arith.cmpi slt, %add3A_548, %sign3A_554 : i32
      %sign3A_556 = arith.extui %sign3A_555 : i1 to i32
      %sign3A_557 = arith.subi %sign3A_553, %sign3A_556 : i32
      %sign3A_558 = arith.constant 0 : i32
      %sign3A_559 = arith.cmpi sgt, %jit3A_549, %sign3A_558 : i32
      %sign3A_560 = arith.extui %sign3A_559 : i1 to i32
      %sign3A_561 = arith.constant 0 : i32
      %sign3A_562 = arith.cmpi slt, %jit3A_549, %sign3A_561 : i32
      %sign3A_563 = arith.extui %sign3A_562 : i1 to i32
      %sign3A_564 = arith.subi %sign3A_560, %sign3A_563 : i32
      %ne3A_565 = arith.cmpi ne, %sign3A_557, %sign3A_564 : i32
      %rem3A_566 = arith.remsi %add3A_548, %jit3A_549 : i32
      %ne3A_567 = arith.constant 0 : i32
      %ne3A_568 = arith.cmpi ne, %rem3A_566, %ne3A_567 : i32
      %and3A_569 = arith.andi %ne3A_565, %ne3A_568 : i1
      %sub3A_570 = arith.constant 1 : i32
      %sub3A_571 = arith.subi %div3A_550, %sub3A_570 : i32
      %select_n3A_572 = arith.select %and3A_569, %sub3A_571, %div3A_550 : i32
      %jit3A_573 = arith.constant 8 : i32
      %eq3A_574 = arith.constant 0 : i32
      %eq3A_575 = arith.cmpi eq, %jit3A_573, %eq3A_574 : i32
      %jit3A_576 = arith.constant 1 : i32
      %select_n3A_577 = arith.select %eq3A_575, %jit3A_576, %jit3A_573 : i32
      %rem3A_578 = arith.remsi %add3A_548, %select_n3A_577 : i32
      %ne3A_579 = arith.constant 0 : i32
      %ne3A_580 = arith.cmpi ne, %rem3A_578, %ne3A_579 : i32
      %lt3A_581 = arith.constant 0 : i32
      %lt3A_582 = arith.cmpi slt, %rem3A_578, %lt3A_581 : i32
      %lt3A_583 = arith.constant 0 : i32
      %lt3A_584 = arith.cmpi slt, %select_n3A_577, %lt3A_583 : i32
      %ne3A_585 = arith.xori %lt3A_582, %lt3A_584 : i1
      %and3A_586 = arith.andi %ne3A_585, %ne3A_580 : i1
      %add3A_587 = arith.addi %rem3A_578, %select_n3A_577 : i32
      %select_n3A_588 = arith.select %and3A_586, %add3A_587, %rem3A_578 : i32
      %jit3A_589 = arith.constant 8 : i32
      %div3A_590 = arith.divsi %select_n3A_572, %jit3A_589 : i32
      %sign3A_591 = arith.constant 0 : i32
      %sign3A_592 = arith.cmpi sgt, %select_n3A_572, %sign3A_591 : i32
      %sign3A_593 = arith.extui %sign3A_592 : i1 to i32
      %sign3A_594 = arith.constant 0 : i32
      %sign3A_595 = arith.cmpi slt, %select_n3A_572, %sign3A_594 : i32
      %sign3A_596 = arith.extui %sign3A_595 : i1 to i32
      %sign3A_597 = arith.subi %sign3A_593, %sign3A_596 : i32
      %sign3A_598 = arith.constant 0 : i32
      %sign3A_599 = arith.cmpi sgt, %jit3A_589, %sign3A_598 : i32
      %sign3A_600 = arith.extui %sign3A_599 : i1 to i32
      %sign3A_601 = arith.constant 0 : i32
      %sign3A_602 = arith.cmpi slt, %jit3A_589, %sign3A_601 : i32
      %sign3A_603 = arith.extui %sign3A_602 : i1 to i32
      %sign3A_604 = arith.subi %sign3A_600, %sign3A_603 : i32
      %ne3A_605 = arith.cmpi ne, %sign3A_597, %sign3A_604 : i32
      %rem3A_606 = arith.remsi %select_n3A_572, %jit3A_589 : i32
      %ne3A_607 = arith.constant 0 : i32
      %ne3A_608 = arith.cmpi ne, %rem3A_606, %ne3A_607 : i32
      %and3A_609 = arith.andi %ne3A_605, %ne3A_608 : i1
      %sub3A_610 = arith.constant 1 : i32
      %sub3A_611 = arith.subi %div3A_590, %sub3A_610 : i32
      %select_n3A_612 = arith.select %and3A_609, %sub3A_611, %div3A_590 : i32
      %mul3A_613 = arith.constant 16 : i32
      %mul3A_614 = arith.muli %select_n3A_588, %mul3A_613 : i32
      %jit3A_615 = arith.constant 8 : i32
      %eq3A_616 = arith.constant 0 : i32
      %eq3A_617 = arith.cmpi eq, %jit3A_615, %eq3A_616 : i32
      %jit3A_618 = arith.constant 1 : i32
      %select_n3A_619 = arith.select %eq3A_617, %jit3A_618, %jit3A_615 : i32
      %rem3A_620 = arith.remsi %select_n3A_572, %select_n3A_619 : i32
      %ne3A_621 = arith.constant 0 : i32
      %ne3A_622 = arith.cmpi ne, %rem3A_620, %ne3A_621 : i32
      %lt3A_623 = arith.constant 0 : i32
      %lt3A_624 = arith.cmpi slt, %rem3A_620, %lt3A_623 : i32
      %lt3A_625 = arith.constant 0 : i32
      %lt3A_626 = arith.cmpi slt, %select_n3A_619, %lt3A_625 : i32
      %ne3A_627 = arith.xori %lt3A_624, %lt3A_626 : i1
      %and3A_628 = arith.andi %ne3A_627, %ne3A_622 : i1
      %add3A_629 = arith.addi %rem3A_620, %select_n3A_619 : i32
      %select_n3A_630 = arith.select %and3A_628, %add3A_629, %rem3A_620 : i32
      %dma_wait3A_631 = arith.constant 0 : i32
      %dma_wait3A_632 = arith.constant 0 : i32
      %dma_wait3A_633 = arith.constant 0 : i32
      %dma_wait3A_634 = tpu.memref_slice %arg6[%dma_wait3A_631, %dma_wait3A_632, %dma_wait3A_633] : memref<2x16x128xi32, #tpu.memory_space<vmem>> -> memref<1x16x128xi32, #tpu.memory_space<vmem>>
      %dma_wait3A_635 = tpu.memref_squeeze %dma_wait3A_634 : memref<1x16x128xi32, #tpu.memory_space<vmem>> -> memref<16x128xi32, #tpu.memory_space<vmem>>
      %dma_wait3A_636 = arith.constant 0 : i32
      %dma_wait3A_637 = tpu.memref_slice %arg2[%select_n3A_612, %mul3A_614, %select_n3A_630, %dma_wait3A_636] : memref<25x128x8x128xi32, #tpu.memory_space<hbm>> -> memref<1x16x1x128xi32, #tpu.memory_space<hbm>>
      %dma_wait3A_638 = tpu.memref_squeeze %dma_wait3A_637 : memref<1x16x1x128xi32, #tpu.memory_space<hbm>> -> memref<16x128xi32, #tpu.memory_space<hbm>>
      %dma_wait3A_639 = arith.constant 0 : i32
      %dma_wait3A_640 = arith.constant 0 : i32
      %dma_wait3A_641 = tpu.memref_slice %arg6[%dma_wait3A_631, %dma_wait3A_639, %dma_wait3A_640] : memref<2x16x128xi32, #tpu.memory_space<vmem>> -> memref<1x16x128xi32, #tpu.memory_space<vmem>>
      %dma_wait3A_642 = tpu.memref_squeeze %dma_wait3A_641 : memref<1x16x128xi32, #tpu.memory_space<vmem>> -> memref<16x128xi32, #tpu.memory_space<vmem>>
      %dma_wait3A_643 = arith.constant 0 : i32
      %dma_wait3A_644 = tpu.memref_slice %arg2[%select_n3A_612, %mul3A_614, %select_n3A_630, %dma_wait3A_643] : memref<25x128x8x128xi32, #tpu.memory_space<hbm>> -> memref<1x16x1x128xi32, #tpu.memory_space<hbm>>
      %dma_wait3A_645 = tpu.memref_squeeze %dma_wait3A_644 : memref<1x16x1x128xi32, #tpu.memory_space<hbm>> -> memref<16x128xi32, #tpu.memory_space<hbm>>
      tpu.wait_dma2 semaphore(%arg10 : memref<!tpu.dma_semaphore, #tpu.memory_space<semaphore_mem>>) src(%dma_wait3A_645 : memref<16x128xi32, #tpu.memory_space<hbm>>) dst(%dma_wait3A_642 : memref<16x128xi32, #tpu.memory_space<vmem>>)
      %add3A_646 = arith.constant 1 : i32
      %add3A_647 = arith.addi %mul3A_546, %add3A_646 : i32
      %add3A_648 = arith.addi %mul3A_2, %add3A_647 : i32
      %jit3A_649 = arith.constant 8 : i32
      %div3A_650 = arith.divsi %add3A_648, %jit3A_649 : i32
      %sign3A_651 = arith.constant 0 : i32
      %sign3A_652 = arith.cmpi sgt, %add3A_648, %sign3A_651 : i32
      %sign3A_653 = arith.extui %sign3A_652 : i1 to i32
      %sign3A_654 = arith.constant 0 : i32
      %sign3A_655 = arith.cmpi slt, %add3A_648, %sign3A_654 : i32
      %sign3A_656 = arith.extui %sign3A_655 : i1 to i32
      %sign3A_657 = arith.subi %sign3A_653, %sign3A_656 : i32
      %sign3A_658 = arith.constant 0 : i32
      %sign3A_659 = arith.cmpi sgt, %jit3A_649, %sign3A_658 : i32
      %sign3A_660 = arith.extui %sign3A_659 : i1 to i32
      %sign3A_661 = arith.constant 0 : i32
      %sign3A_662 = arith.cmpi slt, %jit3A_649, %sign3A_661 : i32
      %sign3A_663 = arith.extui %sign3A_662 : i1 to i32
      %sign3A_664 = arith.subi %sign3A_660, %sign3A_663 : i32
      %ne3A_665 = arith.cmpi ne, %sign3A_657, %sign3A_664 : i32
      %rem3A_666 = arith.remsi %add3A_648, %jit3A_649 : i32
      %ne3A_667 = arith.constant 0 : i32
      %ne3A_668 = arith.cmpi ne, %rem3A_666, %ne3A_667 : i32
      %and3A_669 = arith.andi %ne3A_665, %ne3A_668 : i1
      %sub3A_670 = arith.constant 1 : i32
      %sub3A_671 = arith.subi %div3A_650, %sub3A_670 : i32
      %select_n3A_672 = arith.select %and3A_669, %sub3A_671, %div3A_650 : i32
      %jit3A_673 = arith.constant 8 : i32
      %eq3A_674 = arith.constant 0 : i32
      %eq3A_675 = arith.cmpi eq, %jit3A_673, %eq3A_674 : i32
      %jit3A_676 = arith.constant 1 : i32
      %select_n3A_677 = arith.select %eq3A_675, %jit3A_676, %jit3A_673 : i32
      %rem3A_678 = arith.remsi %add3A_648, %select_n3A_677 : i32
      %ne3A_679 = arith.constant 0 : i32
      %ne3A_680 = arith.cmpi ne, %rem3A_678, %ne3A_679 : i32
      %lt3A_681 = arith.constant 0 : i32
      %lt3A_682 = arith.cmpi slt, %rem3A_678, %lt3A_681 : i32
      %lt3A_683 = arith.constant 0 : i32
      %lt3A_684 = arith.cmpi slt, %select_n3A_677, %lt3A_683 : i32
      %ne3A_685 = arith.xori %lt3A_682, %lt3A_684 : i1
      %and3A_686 = arith.andi %ne3A_685, %ne3A_680 : i1
      %add3A_687 = arith.addi %rem3A_678, %select_n3A_677 : i32
      %select_n3A_688 = arith.select %and3A_686, %add3A_687, %rem3A_678 : i32
      %jit3A_689 = arith.constant 8 : i32
      %div3A_690 = arith.divsi %select_n3A_672, %jit3A_689 : i32
      %sign3A_691 = arith.constant 0 : i32
      %sign3A_692 = arith.cmpi sgt, %select_n3A_672, %sign3A_691 : i32
      %sign3A_693 = arith.extui %sign3A_692 : i1 to i32
      %sign3A_694 = arith.constant 0 : i32
      %sign3A_695 = arith.cmpi slt, %select_n3A_672, %sign3A_694 : i32
      %sign3A_696 = arith.extui %sign3A_695 : i1 to i32
      %sign3A_697 = arith.subi %sign3A_693, %sign3A_696 : i32
      %sign3A_698 = arith.constant 0 : i32
      %sign3A_699 = arith.cmpi sgt, %jit3A_689, %sign3A_698 : i32
      %sign3A_700 = arith.extui %sign3A_699 : i1 to i32
      %sign3A_701 = arith.constant 0 : i32
      %sign3A_702 = arith.cmpi slt, %jit3A_689, %sign3A_701 : i32
      %sign3A_703 = arith.extui %sign3A_702 : i1 to i32
      %sign3A_704 = arith.subi %sign3A_700, %sign3A_703 : i32
      %ne3A_705 = arith.cmpi ne, %sign3A_697, %sign3A_704 : i32
      %rem3A_706 = arith.remsi %select_n3A_672, %jit3A_689 : i32
      %ne3A_707 = arith.constant 0 : i32
      %ne3A_708 = arith.cmpi ne, %rem3A_706, %ne3A_707 : i32
      %and3A_709 = arith.andi %ne3A_705, %ne3A_708 : i1
      %sub3A_710 = arith.constant 1 : i32
      %sub3A_711 = arith.subi %div3A_690, %sub3A_710 : i32
      %select_n3A_712 = arith.select %and3A_709, %sub3A_711, %div3A_690 : i32
      %mul3A_713 = arith.constant 16 : i32
      %mul3A_714 = arith.muli %select_n3A_688, %mul3A_713 : i32
      %jit3A_715 = arith.constant 8 : i32
      %eq3A_716 = arith.constant 0 : i32
      %eq3A_717 = arith.cmpi eq, %jit3A_715, %eq3A_716 : i32
      %jit3A_718 = arith.constant 1 : i32
      %select_n3A_719 = arith.select %eq3A_717, %jit3A_718, %jit3A_715 : i32
      %rem3A_720 = arith.remsi %select_n3A_672, %select_n3A_719 : i32
      %ne3A_721 = arith.constant 0 : i32
      %ne3A_722 = arith.cmpi ne, %rem3A_720, %ne3A_721 : i32
      %lt3A_723 = arith.constant 0 : i32
      %lt3A_724 = arith.cmpi slt, %rem3A_720, %lt3A_723 : i32
      %lt3A_725 = arith.constant 0 : i32
      %lt3A_726 = arith.cmpi slt, %select_n3A_719, %lt3A_725 : i32
      %ne3A_727 = arith.xori %lt3A_724, %lt3A_726 : i1
      %and3A_728 = arith.andi %ne3A_727, %ne3A_722 : i1
      %add3A_729 = arith.addi %rem3A_720, %select_n3A_719 : i32
      %select_n3A_730 = arith.select %and3A_728, %add3A_729, %rem3A_720 : i32
      %dma_start3A_731 = arith.constant 1 : i32
      %dma_start3A_732 = arith.constant 0 : i32
      %dma_start3A_733 = arith.constant 0 : i32
      %dma_start3A_734 = tpu.memref_slice %arg6[%dma_start3A_731, %dma_start3A_732, %dma_start3A_733] : memref<2x16x128xi32, #tpu.memory_space<vmem>> -> memref<1x16x128xi32, #tpu.memory_space<vmem>>
      %dma_start3A_735 = tpu.memref_squeeze %dma_start3A_734 : memref<1x16x128xi32, #tpu.memory_space<vmem>> -> memref<16x128xi32, #tpu.memory_space<vmem>>
      %dma_start3A_736 = arith.constant 0 : i32
      %dma_start3A_737 = tpu.memref_slice %arg2[%select_n3A_712, %mul3A_714, %select_n3A_730, %dma_start3A_736] : memref<25x128x8x128xi32, #tpu.memory_space<hbm>> -> memref<1x16x1x128xi32, #tpu.memory_space<hbm>>
      %dma_start3A_738 = tpu.memref_squeeze %dma_start3A_737 : memref<1x16x1x128xi32, #tpu.memory_space<hbm>> -> memref<16x128xi32, #tpu.memory_space<hbm>>
      %dma_start3A_739 = arith.constant 0 : i32
      %dma_start3A_740 = arith.constant 0 : i32
      %dma_start3A_741 = tpu.memref_slice %arg6[%dma_start3A_731, %dma_start3A_739, %dma_start3A_740] : memref<2x16x128xi32, #tpu.memory_space<vmem>> -> memref<1x16x128xi32, #tpu.memory_space<vmem>>
      %dma_start3A_742 = tpu.memref_squeeze %dma_start3A_741 : memref<1x16x128xi32, #tpu.memory_space<vmem>> -> memref<16x128xi32, #tpu.memory_space<vmem>>
      %dma_start3A_743 = arith.constant 0 : i32
      %dma_start3A_744 = tpu.memref_slice %arg2[%select_n3A_712, %mul3A_714, %select_n3A_730, %dma_start3A_743] : memref<25x128x8x128xi32, #tpu.memory_space<hbm>> -> memref<1x16x1x128xi32, #tpu.memory_space<hbm>>
      %dma_start3A_745 = tpu.memref_squeeze %dma_start3A_744 : memref<1x16x1x128xi32, #tpu.memory_space<hbm>> -> memref<16x128xi32, #tpu.memory_space<hbm>>
      tpu.enqueue_dma source(%dma_start3A_745 : memref<16x128xi32, #tpu.memory_space<hbm>>) target(%dma_start3A_742 : memref<16x128xi32, #tpu.memory_space<vmem>>) target_semaphore(%arg11 : memref<!tpu.dma_semaphore, #tpu.memory_space<semaphore_mem>>)
      %mul3A_746 = arith.constant 16384 : i32
      %mul3A_747 = arith.muli %add3A_547, %mul3A_746 : i32
      %dma_wait3A_748 = arith.constant 0 : i32
      %dma_wait3A_749 = arith.constant 0 : i32
      %dma_wait3A_750 = tpu.memref_slice %arg7[%dma_wait3A_748, %dma_wait3A_749] : memref<2x16384xf32, #tpu.memory_space<vmem>> -> memref<1x16384xf32, #tpu.memory_space<vmem>>
      %dma_wait3A_751 = tpu.memref_squeeze %dma_wait3A_750 : memref<1x16384xf32, #tpu.memory_space<vmem>> -> memref<16384xf32, #tpu.memory_space<vmem>>
      %dma_wait3A_752 = tpu.memref_slice %arg4[%mul3A_747] : memref<26214400xf32, #tpu.memory_space<hbm>> -> memref<16384xf32, #tpu.memory_space<hbm>>
      %dma_wait3A_753 = tpu.memref_slice %arg4[%mul3A_747] : memref<26214400xf32, #tpu.memory_space<hbm>> -> memref<16384xf32, #tpu.memory_space<hbm>>
      %dma_wait3A_754 = arith.constant 0 : i32
      %dma_wait3A_755 = tpu.memref_slice %arg7[%dma_wait3A_748, %dma_wait3A_754] : memref<2x16384xf32, #tpu.memory_space<vmem>> -> memref<1x16384xf32, #tpu.memory_space<vmem>>
      %dma_wait3A_756 = tpu.memref_squeeze %dma_wait3A_755 : memref<1x16384xf32, #tpu.memory_space<vmem>> -> memref<16384xf32, #tpu.memory_space<vmem>>
      tpu.wait_dma2 semaphore(%arg8 : memref<!tpu.dma_semaphore, #tpu.memory_space<semaphore_mem>>) src(%dma_wait3A_756 : memref<16384xf32, #tpu.memory_space<vmem>>) dst(%dma_wait3A_753 : memref<16384xf32, #tpu.memory_space<hbm>>)
      %parallel_loop3A_757 = arith.constant 0 : i32
      %parallel_loop3A_758 = arith.constant 128 : i32
      %parallel_loop3A_759 = arith.constant 1 : i32
      scf.for %parallel_loop3A_902 = %parallel_loop3A_757 to %parallel_loop3A_758 step %parallel_loop3A_759  : i32 {
        %parallel_loop3A_903 = arith.constant 8 : i32
        %parallel_loop3A_904 = arith.divsi %parallel_loop3A_902, %parallel_loop3A_903 : i32
        %parallel_loop3A_905 = arith.constant 0 : i32
        %parallel_loop3A_906 = arith.cmpi sgt, %parallel_loop3A_902, %parallel_loop3A_905 : i32
        %parallel_loop3A_907 = arith.extui %parallel_loop3A_906 : i1 to i32
        %parallel_loop3A_908 = arith.constant 0 : i32
        %parallel_loop3A_909 = arith.cmpi slt, %parallel_loop3A_902, %parallel_loop3A_908 : i32
        %parallel_loop3A_910 = arith.extui %parallel_loop3A_909 : i1 to i32
        %parallel_loop3A_911 = arith.subi %parallel_loop3A_907, %parallel_loop3A_910 : i32
        %parallel_loop3A_912 = arith.constant 0 : i32
        %parallel_loop3A_913 = arith.cmpi sgt, %parallel_loop3A_903, %parallel_loop3A_912 : i32
        %parallel_loop3A_914 = arith.extui %parallel_loop3A_913 : i1 to i32
        %parallel_loop3A_915 = arith.constant 0 : i32
        %parallel_loop3A_916 = arith.cmpi slt, %parallel_loop3A_903, %parallel_loop3A_915 : i32
        %parallel_loop3A_917 = arith.extui %parallel_loop3A_916 : i1 to i32
        %parallel_loop3A_918 = arith.subi %parallel_loop3A_914, %parallel_loop3A_917 : i32
        %parallel_loop3A_919 = arith.cmpi ne, %parallel_loop3A_911, %parallel_loop3A_918 : i32
        %parallel_loop3A_920 = arith.remsi %parallel_loop3A_902, %parallel_loop3A_903 : i32
        %parallel_loop3A_921 = arith.constant 0 : i32
        %parallel_loop3A_922 = arith.cmpi ne, %parallel_loop3A_920, %parallel_loop3A_921 : i32
        %parallel_loop3A_923 = arith.andi %parallel_loop3A_919, %parallel_loop3A_922 : i1
        %parallel_loop3A_924 = arith.constant 1 : i32
        %parallel_loop3A_925 = arith.subi %parallel_loop3A_904, %parallel_loop3A_924 : i32
        %parallel_loop3A_926 = arith.select %parallel_loop3A_923, %parallel_loop3A_925, %parallel_loop3A_904 : i32
        %parallel_loop3A_927 = arith.constant 8 : i32
        %parallel_loop3A_928 = arith.constant 0 : i32
        %parallel_loop3A_929 = arith.cmpi eq, %parallel_loop3A_927, %parallel_loop3A_928 : i32
        %parallel_loop3A_930 = arith.constant 1 : i32
        %parallel_loop3A_931 = arith.select %parallel_loop3A_929, %parallel_loop3A_930, %parallel_loop3A_927 : i32
        %parallel_loop3A_932 = arith.remsi %parallel_loop3A_902, %parallel_loop3A_931 : i32
        %parallel_loop3A_933 = arith.constant 0 : i32
        %parallel_loop3A_934 = arith.cmpi ne, %parallel_loop3A_932, %parallel_loop3A_933 : i32
        %parallel_loop3A_935 = arith.constant 0 : i32
        %parallel_loop3A_936 = arith.cmpi slt, %parallel_loop3A_932, %parallel_loop3A_935 : i32
        %parallel_loop3A_937 = arith.constant 0 : i32
        %parallel_loop3A_938 = arith.cmpi slt, %parallel_loop3A_931, %parallel_loop3A_937 : i32
        %parallel_loop3A_939 = arith.xori %parallel_loop3A_936, %parallel_loop3A_938 : i1
        %parallel_loop3A_940 = arith.andi %parallel_loop3A_939, %parallel_loop3A_934 : i1
        %parallel_loop3A_941 = arith.addi %parallel_loop3A_932, %parallel_loop3A_931 : i32
        %parallel_loop3A_942 = arith.select %parallel_loop3A_940, %parallel_loop3A_941, %parallel_loop3A_932 : i32
        %parallel_loop3A_943 = arith.constant 16 : i32
        %parallel_loop3A_944 = arith.muli %parallel_loop3A_942, %parallel_loop3A_943 : i32
        %parallel_loop3A_945 = arith.constant 0 : i32
        %parallel_loop3A_946 = arith.index_cast %parallel_loop3A_945 : i32 to index
        %parallel_loop3A_947 = arith.index_cast %parallel_loop3A_926 : i32 to index
        %parallel_loop3A_948 = arith.index_cast %parallel_loop3A_944 : i32 to index
        %parallel_loop3A_949 = tpu.vector_load %arg6[%parallel_loop3A_946, %parallel_loop3A_947, %parallel_loop3A_948] {strides = array<i32>} : memref<2x16x128xi32, #tpu.memory_space<vmem>>, vector<16xi32>,
        %parallel_loop3A_950 = arith.constant 1024 : i32
        %parallel_loop3A_951 = arith.muli %parallel_loop3A_926, %parallel_loop3A_950 : i32
        %parallel_loop3A_952 = arith.constant 16 : i32
        %parallel_loop3A_953 = arith.muli %parallel_loop3A_942, %parallel_loop3A_952 : i32
        %parallel_loop3A_954 = arith.addi %parallel_loop3A_951, %parallel_loop3A_953 : i32
        %parallel_loop3A_955 = arith.constant 0 : i32
        %parallel_loop3A_956 = arith.constant 0 : i32
        %parallel_loop3A_957 = tpu.memref_slice %arg5[%parallel_loop3A_955, %parallel_loop3A_956] : memref<8x16xf32, #tpu.memory_space<vmem>> -> memref<1x16xf32, #tpu.memory_space<vmem>>
        %parallel_loop3A_958 = tpu.memref_squeeze %parallel_loop3A_957 : memref<1x16xf32, #tpu.memory_space<vmem>> -> memref<16xf32, #tpu.memory_space<vmem>>
        %parallel_loop3A_959 = tpu.vector_load_idx %parallel_loop3A_958[%parallel_loop3A_949] : memref<16xf32, #tpu.memory_space<vmem>>[vector<16xi32>], vector<16xf32>,
        %parallel_loop3A_960 = arith.constant 1 : i32
        %parallel_loop3A_961 = arith.constant 0 : i32
        %parallel_loop3A_962 = tpu.memref_slice %arg5[%parallel_loop3A_960, %parallel_loop3A_961] : memref<8x16xf32, #tpu.memory_space<vmem>> -> memref<1x16xf32, #tpu.memory_space<vmem>>
        %parallel_loop3A_963 = tpu.memref_squeeze %parallel_loop3A_962 : memref<1x16xf32, #tpu.memory_space<vmem>> -> memref<16xf32, #tpu.memory_space<vmem>>
        %parallel_loop3A_964 = tpu.vector_load_idx %parallel_loop3A_963[%parallel_loop3A_949] : memref<16xf32, #tpu.memory_space<vmem>>[vector<16xi32>], vector<16xf32>,
        %parallel_loop3A_965 = arith.constant 2 : i32
        %parallel_loop3A_966 = arith.constant 0 : i32
        %parallel_loop3A_967 = tpu.memref_slice %arg5[%parallel_loop3A_965, %parallel_loop3A_966] : memref<8x16xf32, #tpu.memory_space<vmem>> -> memref<1x16xf32, #tpu.memory_space<vmem>>
        %parallel_loop3A_968 = tpu.memref_squeeze %parallel_loop3A_967 : memref<1x16xf32, #tpu.memory_space<vmem>> -> memref<16xf32, #tpu.memory_space<vmem>>
        %parallel_loop3A_969 = tpu.vector_load_idx %parallel_loop3A_968[%parallel_loop3A_949] : memref<16xf32, #tpu.memory_space<vmem>>[vector<16xi32>], vector<16xf32>,
        %parallel_loop3A_970 = arith.constant 3 : i32
        %parallel_loop3A_971 = arith.constant 0 : i32
        %parallel_loop3A_972 = tpu.memref_slice %arg5[%parallel_loop3A_970, %parallel_loop3A_971] : memref<8x16xf32, #tpu.memory_space<vmem>> -> memref<1x16xf32, #tpu.memory_space<vmem>>
        %parallel_loop3A_973 = tpu.memref_squeeze %parallel_loop3A_972 : memref<1x16xf32, #tpu.memory_space<vmem>> -> memref<16xf32, #tpu.memory_space<vmem>>
        %parallel_loop3A_974 = tpu.vector_load_idx %parallel_loop3A_973[%parallel_loop3A_949] : memref<16xf32, #tpu.memory_space<vmem>>[vector<16xi32>], vector<16xf32>,
        %parallel_loop3A_975 = arith.constant 4 : i32
        %parallel_loop3A_976 = arith.constant 0 : i32
        %parallel_loop3A_977 = tpu.memref_slice %arg5[%parallel_loop3A_975, %parallel_loop3A_976] : memref<8x16xf32, #tpu.memory_space<vmem>> -> memref<1x16xf32, #tpu.memory_space<vmem>>
        %parallel_loop3A_978 = tpu.memref_squeeze %parallel_loop3A_977 : memref<1x16xf32, #tpu.memory_space<vmem>> -> memref<16xf32, #tpu.memory_space<vmem>>
        %parallel_loop3A_979 = tpu.vector_load_idx %parallel_loop3A_978[%parallel_loop3A_949] : memref<16xf32, #tpu.memory_space<vmem>>[vector<16xi32>], vector<16xf32>,
        %parallel_loop3A_980 = arith.constant 5 : i32
        %parallel_loop3A_981 = arith.constant 0 : i32
        %parallel_loop3A_982 = tpu.memref_slice %arg5[%parallel_loop3A_980, %parallel_loop3A_981] : memref<8x16xf32, #tpu.memory_space<vmem>> -> memref<1x16xf32, #tpu.memory_space<vmem>>
        %parallel_loop3A_983 = tpu.memref_squeeze %parallel_loop3A_982 : memref<1x16xf32, #tpu.memory_space<vmem>> -> memref<16xf32, #tpu.memory_space<vmem>>
        %parallel_loop3A_984 = tpu.vector_load_idx %parallel_loop3A_983[%parallel_loop3A_949] : memref<16xf32, #tpu.memory_space<vmem>>[vector<16xi32>], vector<16xf32>,
        %parallel_loop3A_985 = arith.constant 6 : i32
        %parallel_loop3A_986 = arith.constant 0 : i32
        %parallel_loop3A_987 = tpu.memref_slice %arg5[%parallel_loop3A_985, %parallel_loop3A_986] : memref<8x16xf32, #tpu.memory_space<vmem>> -> memref<1x16xf32, #tpu.memory_space<vmem>>
        %parallel_loop3A_988 = tpu.memref_squeeze %parallel_loop3A_987 : memref<1x16xf32, #tpu.memory_space<vmem>> -> memref<16xf32, #tpu.memory_space<vmem>>
        %parallel_loop3A_989 = tpu.vector_load_idx %parallel_loop3A_988[%parallel_loop3A_949] : memref<16xf32, #tpu.memory_space<vmem>>[vector<16xi32>], vector<16xf32>,
        %parallel_loop3A_990 = arith.constant 7 : i32
        %parallel_loop3A_991 = arith.constant 0 : i32
        %parallel_loop3A_992 = tpu.memref_slice %arg5[%parallel_loop3A_990, %parallel_loop3A_991] : memref<8x16xf32, #tpu.memory_space<vmem>> -> memref<1x16xf32, #tpu.memory_space<vmem>>
        %parallel_loop3A_993 = tpu.memref_squeeze %parallel_loop3A_992 : memref<1x16xf32, #tpu.memory_space<vmem>> -> memref<16xf32, #tpu.memory_space<vmem>>
        %parallel_loop3A_994 = tpu.vector_load_idx %parallel_loop3A_993[%parallel_loop3A_949] : memref<16xf32, #tpu.memory_space<vmem>>[vector<16xi32>], vector<16xf32>,
        %parallel_loop3A_995 = arith.constant 0 : i32
        %parallel_loop3A_996 = arith.addi %parallel_loop3A_954, %parallel_loop3A_995 : i32
        %parallel_loop3A_997 = arith.constant 0 : i32
        %parallel_loop3A_998 = arith.index_cast %parallel_loop3A_997 : i32 to index
        %parallel_loop3A_999 = arith.index_cast %parallel_loop3A_996 : i32 to index
        %parallel_loop3A_1000 = tpu.vector_load %arg7[%parallel_loop3A_998, %parallel_loop3A_999] {strides = array<i32>} : memref<2x16384xf32, #tpu.memory_space<vmem>>, vector<16xf32>,
        tpu.vector_store %arg7[%parallel_loop3A_998, %parallel_loop3A_999], %parallel_loop3A_959 {strides = array<i32>} : memref<2x16384xf32, #tpu.memory_space<vmem>>, vector<16xf32>,
        %parallel_loop3A_1001 = arith.constant 128 : i32
        %parallel_loop3A_1002 = arith.addi %parallel_loop3A_954, %parallel_loop3A_1001 : i32
        %parallel_loop3A_1003 = arith.constant 0 : i32
        %parallel_loop3A_1004 = arith.index_cast %parallel_loop3A_1003 : i32 to index
        %parallel_loop3A_1005 = arith.index_cast %parallel_loop3A_1002 : i32 to index
        %parallel_loop3A_1006 = tpu.vector_load %arg7[%parallel_loop3A_1004, %parallel_loop3A_1005] {strides = array<i32>} : memref<2x16384xf32, #tpu.memory_space<vmem>>, vector<16xf32>,
        tpu.vector_store %arg7[%parallel_loop3A_1004, %parallel_loop3A_1005], %parallel_loop3A_964 {strides = array<i32>} : memref<2x16384xf32, #tpu.memory_space<vmem>>, vector<16xf32>,
        %parallel_loop3A_1007 = arith.constant 256 : i32
        %parallel_loop3A_1008 = arith.addi %parallel_loop3A_954, %parallel_loop3A_1007 : i32
        %parallel_loop3A_1009 = arith.constant 0 : i32
        %parallel_loop3A_1010 = arith.index_cast %parallel_loop3A_1009 : i32 to index
        %parallel_loop3A_1011 = arith.index_cast %parallel_loop3A_1008 : i32 to index
        %parallel_loop3A_1012 = tpu.vector_load %arg7[%parallel_loop3A_1010, %parallel_loop3A_1011] {strides = array<i32>} : memref<2x16384xf32, #tpu.memory_space<vmem>>, vector<16xf32>,
        tpu.vector_store %arg7[%parallel_loop3A_1010, %parallel_loop3A_1011], %parallel_loop3A_969 {strides = array<i32>} : memref<2x16384xf32, #tpu.memory_space<vmem>>, vector<16xf32>,
        %parallel_loop3A_1013 = arith.constant 384 : i32
        %parallel_loop3A_1014 = arith.addi %parallel_loop3A_954, %parallel_loop3A_1013 : i32
        %parallel_loop3A_1015 = arith.constant 0 : i32
        %parallel_loop3A_1016 = arith.index_cast %parallel_loop3A_1015 : i32 to index
        %parallel_loop3A_1017 = arith.index_cast %parallel_loop3A_1014 : i32 to index
        %parallel_loop3A_1018 = tpu.vector_load %arg7[%parallel_loop3A_1016, %parallel_loop3A_1017] {strides = array<i32>} : memref<2x16384xf32, #tpu.memory_space<vmem>>, vector<16xf32>,
        tpu.vector_store %arg7[%parallel_loop3A_1016, %parallel_loop3A_1017], %parallel_loop3A_974 {strides = array<i32>} : memref<2x16384xf32, #tpu.memory_space<vmem>>, vector<16xf32>,
        %parallel_loop3A_1019 = arith.constant 512 : i32
        %parallel_loop3A_1020 = arith.addi %parallel_loop3A_954, %parallel_loop3A_1019 : i32
        %parallel_loop3A_1021 = arith.constant 0 : i32
        %parallel_loop3A_1022 = arith.index_cast %parallel_loop3A_1021 : i32 to index
        %parallel_loop3A_1023 = arith.index_cast %parallel_loop3A_1020 : i32 to index
        %parallel_loop3A_1024 = tpu.vector_load %arg7[%parallel_loop3A_1022, %parallel_loop3A_1023] {strides = array<i32>} : memref<2x16384xf32, #tpu.memory_space<vmem>>, vector<16xf32>,
        tpu.vector_store %arg7[%parallel_loop3A_1022, %parallel_loop3A_1023], %parallel_loop3A_979 {strides = array<i32>} : memref<2x16384xf32, #tpu.memory_space<vmem>>, vector<16xf32>,
        %parallel_loop3A_1025 = arith.constant 640 : i32
        %parallel_loop3A_1026 = arith.addi %parallel_loop3A_954, %parallel_loop3A_1025 : i32
        %parallel_loop3A_1027 = arith.constant 0 : i32
        %parallel_loop3A_1028 = arith.index_cast %parallel_loop3A_1027 : i32 to index
        %parallel_loop3A_1029 = arith.index_cast %parallel_loop3A_1026 : i32 to index
        %parallel_loop3A_1030 = tpu.vector_load %arg7[%parallel_loop3A_1028, %parallel_loop3A_1029] {strides = array<i32>} : memref<2x16384xf32, #tpu.memory_space<vmem>>, vector<16xf32>,
        tpu.vector_store %arg7[%parallel_loop3A_1028, %parallel_loop3A_1029], %parallel_loop3A_984 {strides = array<i32>} : memref<2x16384xf32, #tpu.memory_space<vmem>>, vector<16xf32>,
        %parallel_loop3A_1031 = arith.constant 768 : i32
        %parallel_loop3A_1032 = arith.addi %parallel_loop3A_954, %parallel_loop3A_1031 : i32
        %parallel_loop3A_1033 = arith.constant 0 : i32
        %parallel_loop3A_1034 = arith.index_cast %parallel_loop3A_1033 : i32 to index
        %parallel_loop3A_1035 = arith.index_cast %parallel_loop3A_1032 : i32 to index
        %parallel_loop3A_1036 = tpu.vector_load %arg7[%parallel_loop3A_1034, %parallel_loop3A_1035] {strides = array<i32>} : memref<2x16384xf32, #tpu.memory_space<vmem>>, vector<16xf32>,
        tpu.vector_store %arg7[%parallel_loop3A_1034, %parallel_loop3A_1035], %parallel_loop3A_989 {strides = array<i32>} : memref<2x16384xf32, #tpu.memory_space<vmem>>, vector<16xf32>,
        %parallel_loop3A_1037 = arith.constant 896 : i32
        %parallel_loop3A_1038 = arith.addi %parallel_loop3A_954, %parallel_loop3A_1037 : i32
        %parallel_loop3A_1039 = arith.constant 0 : i32
        %parallel_loop3A_1040 = arith.index_cast %parallel_loop3A_1039 : i32 to index
        %parallel_loop3A_1041 = arith.index_cast %parallel_loop3A_1038 : i32 to index
        %parallel_loop3A_1042 = tpu.vector_load %arg7[%parallel_loop3A_1040, %parallel_loop3A_1041] {strides = array<i32>} : memref<2x16384xf32, #tpu.memory_space<vmem>>, vector<16xf32>,
        tpu.vector_store %arg7[%parallel_loop3A_1040, %parallel_loop3A_1041], %parallel_loop3A_994 {strides = array<i32>} : memref<2x16384xf32, #tpu.memory_space<vmem>>, vector<16xf32>,
      } {sc.loop_unroll_factor = 8 : i64, sc.parallel_access}
      %mul3A_760 = arith.constant 16384 : i32
      %mul3A_761 = arith.muli %add3A_547, %mul3A_760 : i32
      %dma_start3A_762 = arith.constant 0 : i32
      %dma_start3A_763 = arith.constant 0 : i32
      %dma_start3A_764 = tpu.memref_slice %arg7[%dma_start3A_762, %dma_start3A_763] : memref<2x16384xf32, #tpu.memory_space<vmem>> -> memref<1x16384xf32, #tpu.memory_space<vmem>>
      %dma_start3A_765 = tpu.memref_squeeze %dma_start3A_764 : memref<1x16384xf32, #tpu.memory_space<vmem>> -> memref<16384xf32, #tpu.memory_space<vmem>>
      %dma_start3A_766 = tpu.memref_slice %arg4[%mul3A_761] : memref<26214400xf32, #tpu.memory_space<hbm>> -> memref<16384xf32, #tpu.memory_space<hbm>>
      %dma_start3A_767 = tpu.memref_slice %arg4[%mul3A_761] : memref<26214400xf32, #tpu.memory_space<hbm>> -> memref<16384xf32, #tpu.memory_space<hbm>>
      %dma_start3A_768 = arith.constant 0 : i32
      %dma_start3A_769 = tpu.memref_slice %arg7[%dma_start3A_762, %dma_start3A_768] : memref<2x16384xf32, #tpu.memory_space<vmem>> -> memref<1x16384xf32, #tpu.memory_space<vmem>>
      %dma_start3A_770 = tpu.memref_squeeze %dma_start3A_769 : memref<1x16384xf32, #tpu.memory_space<vmem>> -> memref<16384xf32, #tpu.memory_space<vmem>>
      tpu.enqueue_dma source(%dma_start3A_770 : memref<16384xf32, #tpu.memory_space<vmem>>) target(%dma_start3A_767 : memref<16384xf32, #tpu.memory_space<hbm>>) target_semaphore(%arg8 : memref<!tpu.dma_semaphore, #tpu.memory_space<semaphore_mem>>)
      %mul3A_771 = arith.constant 2 : i32
      %mul3A_772 = arith.muli %mul3A_771, %scan3A_544 : i32
      %add3A_773 = arith.constant 1 : i32
      %add3A_774 = arith.addi %mul3A_772, %add3A_773 : i32
      %lt3A_775 = arith.constant 24 : i32
      %lt3A_776 = arith.cmpi slt, %scan3A_544, %lt3A_775 : i32
      %add3A_777 = arith.addi %mul3A_2, %add3A_774 : i32
      %add3A_778 = arith.addi %mul3A_2, %add3A_774 : i32
      %jit3A_779 = arith.constant 8 : i32
      %div3A_780 = arith.divsi %add3A_778, %jit3A_779 : i32
      %sign3A_781 = arith.constant 0 : i32
      %sign3A_782 = arith.cmpi sgt, %add3A_778, %sign3A_781 : i32
      %sign3A_783 = arith.extui %sign3A_782 : i1 to i32
      %sign3A_784 = arith.constant 0 : i32
      %sign3A_785 = arith.cmpi slt, %add3A_778, %sign3A_784 : i32
      %sign3A_786 = arith.extui %sign3A_785 : i1 to i32
      %sign3A_787 = arith.subi %sign3A_783, %sign3A_786 : i32
      %sign3A_788 = arith.constant 0 : i32
      %sign3A_789 = arith.cmpi sgt, %jit3A_779, %sign3A_788 : i32
      %sign3A_790 = arith.extui %sign3A_789 : i1 to i32
      %sign3A_791 = arith.constant 0 : i32
      %sign3A_792 = arith.cmpi slt, %jit3A_779, %sign3A_791 : i32
      %sign3A_793 = arith.extui %sign3A_792 : i1 to i32
      %sign3A_794 = arith.subi %sign3A_790, %sign3A_793 : i32
      %ne3A_795 = arith.cmpi ne, %sign3A_787, %sign3A_794 : i32
      %rem3A_796 = arith.remsi %add3A_778, %jit3A_779 : i32
      %ne3A_797 = arith.constant 0 : i32
      %ne3A_798 = arith.cmpi ne, %rem3A_796, %ne3A_797 : i32
      %and3A_799 = arith.andi %ne3A_795, %ne3A_798 : i1
      %sub3A_800 = arith.constant 1 : i32
      %sub3A_801 = arith.subi %div3A_780, %sub3A_800 : i32
      %select_n3A_802 = arith.select %and3A_799, %sub3A_801, %div3A_780 : i32
      %jit3A_803 = arith.constant 8 : i32
      %eq3A_804 = arith.constant 0 : i32
      %eq3A_805 = arith.cmpi eq, %jit3A_803, %eq3A_804 : i32
      %jit3A_806 = arith.constant 1 : i32
      %select_n3A_807 = arith.select %eq3A_805, %jit3A_806, %jit3A_803 : i32
      %rem3A_808 = arith.remsi %add3A_778, %select_n3A_807 : i32
      %ne3A_809 = arith.constant 0 : i32
      %ne3A_810 = arith.cmpi ne, %rem3A_808, %ne3A_809 : i32
      %lt3A_811 = arith.constant 0 : i32
      %lt3A_812 = arith.cmpi slt, %rem3A_808, %lt3A_811 : i32
      %lt3A_813 = arith.constant 0 : i32
      %lt3A_814 = arith.cmpi slt, %select_n3A_807, %lt3A_813 : i32
      %ne3A_815 = arith.xori %lt3A_812, %lt3A_814 : i1
      %and3A_816 = arith.andi %ne3A_815, %ne3A_810 : i1
      %add3A_817 = arith.addi %rem3A_808, %select_n3A_807 : i32
      %select_n3A_818 = arith.select %and3A_816, %add3A_817, %rem3A_808 : i32
      %jit3A_819 = arith.constant 8 : i32
      %div3A_820 = arith.divsi %select_n3A_802, %jit3A_819 : i32
      %sign3A_821 = arith.constant 0 : i32
      %sign3A_822 = arith.cmpi sgt, %select_n3A_802, %sign3A_821 : i32
      %sign3A_823 = arith.extui %sign3A_822 : i1 to i32
      %sign3A_824 = arith.constant 0 : i32
      %sign3A_825 = arith.cmpi slt, %select_n3A_802, %sign3A_824 : i32
      %sign3A_826 = arith.extui %sign3A_825 : i1 to i32
      %sign3A_827 = arith.subi %sign3A_823, %sign3A_826 : i32
      %sign3A_828 = arith.constant 0 : i32
      %sign3A_829 = arith.cmpi sgt, %jit3A_819, %sign3A_828 : i32
      %sign3A_830 = arith.extui %sign3A_829 : i1 to i32
      %sign3A_831 = arith.constant 0 : i32
      %sign3A_832 = arith.cmpi slt, %jit3A_819, %sign3A_831 : i32
      %sign3A_833 = arith.extui %sign3A_832 : i1 to i32
      %sign3A_834 = arith.subi %sign3A_830, %sign3A_833 : i32
      %ne3A_835 = arith.cmpi ne, %sign3A_827, %sign3A_834 : i32
      %rem3A_836 = arith.remsi %select_n3A_802, %jit3A_819 : i32
      %ne3A_837 = arith.constant 0 : i32
      %ne3A_838 = arith.cmpi ne, %rem3A_836, %ne3A_837 : i32
      %and3A_839 = arith.andi %ne3A_835, %ne3A_838 : i1
      %sub3A_840 = arith.constant 1 : i32
      %sub3A_841 = arith.subi %div3A_820, %sub3A_840 : i32
      %select_n3A_842 = arith.select %and3A_839, %sub3A_841, %div3A_820 : i32
      %mul3A_843 = arith.constant 16 : i32
      %mul3A_844 = arith.muli %select_n3A_818, %mul3A_843 : i32
      %jit3A_845 = arith.constant 8 : i32
      %eq3A_846 = arith.constant 0 : i32
      %eq3A_847 = arith.cmpi eq, %jit3A_845, %eq3A_846 : i32
      %jit3A_848 = arith.constant 1 : i32
      %select_n3A_849 = arith.select %eq3A_847, %jit3A_848, %jit3A_845 : i32
      %rem3A_850 = arith.remsi %select_n3A_802, %select_n3A_849 : i32
      %ne3A_851 = arith.constant 0 : i32
      %ne3A_852 = arith.cmpi ne, %rem3A_850, %ne3A_851 : i32
      %lt3A_853 = arith.constant 0 : i32
      %lt3A_854 = arith.cmpi slt, %rem3A_850, %lt3A_853 : i32
      %lt3A_855 = arith.constant 0 : i32
      %lt3A_856 = arith.cmpi slt, %select_n3A_849, %lt3A_855 : i32
      %ne3A_857 = arith.xori %lt3A_854, %lt3A_856 : i1
      %and3A_858 = arith.andi %ne3A_857, %ne3A_852 : i1
      %add3A_859 = arith.addi %rem3A_850, %select_n3A_849 : i32
      %select_n3A_860 = arith.select %and3A_858, %add3A_859, %rem3A_850 : i32
      %dma_wait3A_861 = arith.constant 1 : i32
      %dma_wait3A_862 = arith.constant 0 : i32
      %dma_wait3A_863 = arith.constant 0 : i32
      %dma_wait3A_864 = tpu.memref_slice %arg6[%dma_wait3A_861, %dma_wait3A_862, %dma_wait3A_863] : memref<2x16x128xi32, #tpu.memory_space<vmem>> -> memref<1x16x128xi32, #tpu.memory_space<vmem>>
      %dma_wait3A_865 = tpu.memref_squeeze %dma_wait3A_864 : memref<1x16x128xi32, #tpu.memory_space<vmem>> -> memref<16x128xi32, #tpu.memory_space<vmem>>
      %dma_wait3A_866 = arith.constant 0 : i32
      %dma_wait3A_867 = tpu.memref_slice %arg2[%select_n3A_842, %mul3A_844, %select_n3A_860, %dma_wait3A_866] : memref<25x128x8x128xi32, #tpu.memory_space<hbm>> -> memref<1x16x1x128xi32, #tpu.memory_space<hbm>>
      %dma_wait3A_868 = tpu.memref_squeeze %dma_wait3A_867 : memref<1x16x1x128xi32, #tpu.memory_space<hbm>> -> memref<16x128xi32, #tpu.memory_space<hbm>>
      %dma_wait3A_869 = arith.constant 0 : i32
      %dma_wait3A_870 = arith.constant 0 : i32
      %dma_wait3A_871 = tpu.memref_slice %arg6[%dma_wait3A_861, %dma_wait3A_869, %dma_wait3A_870] : memref<2x16x128xi32, #tpu.memory_space<vmem>> -> memref<1x16x128xi32, #tpu.memory_space<vmem>>
      %dma_wait3A_872 = tpu.memref_squeeze %dma_wait3A_871 : memref<1x16x128xi32, #tpu.memory_space<vmem>> -> memref<16x128xi32, #tpu.memory_space<vmem>>
      %dma_wait3A_873 = arith.constant 0 : i32
      %dma_wait3A_874 = tpu.memref_slice %arg2[%select_n3A_842, %mul3A_844, %select_n3A_860, %dma_wait3A_873] : memref<25x128x8x128xi32, #tpu.memory_space<hbm>> -> memref<1x16x1x128xi32, #tpu.memory_space<hbm>>
      %dma_wait3A_875 = tpu.memref_squeeze %dma_wait3A_874 : memref<1x16x1x128xi32, #tpu.memory_space<hbm>> -> memref<16x128xi32, #tpu.memory_space<hbm>>
      tpu.wait_dma2 semaphore(%arg11 : memref<!tpu.dma_semaphore, #tpu.memory_space<semaphore_mem>>) src(%dma_wait3A_875 : memref<16x128xi32, #tpu.memory_space<hbm>>) dst(%dma_wait3A_872 : memref<16x128xi32, #tpu.memory_space<vmem>>)
      %convert_element_type3A = arith.extui %lt3A_776 : i1 to i32
      %cond3A = arith.constant 0 : i32
      %cond3A_876 = arith.cmpi ne, %convert_element_type3A, %cond3A : i32
      scf.if %cond3A_876 {
        %add3A_902 = arith.constant 1 : i32
        %add3A_903 = arith.addi %add3A_774, %add3A_902 : i32
        %add3A_904 = arith.addi %mul3A_2, %add3A_903 : i32
        %jit3A_905 = arith.constant 8 : i32
        %div3A_906 = arith.divsi %add3A_904, %jit3A_905 : i32
        %sign3A_907 = arith.constant 0 : i32
        %sign3A_908 = arith.cmpi sgt, %add3A_904, %sign3A_907 : i32
        %sign3A_909 = arith.extui %sign3A_908 : i1 to i32
        %sign3A_910 = arith.constant 0 : i32
        %sign3A_911 = arith.cmpi slt, %add3A_904, %sign3A_910 : i32
        %sign3A_912 = arith.extui %sign3A_911 : i1 to i32
        %sign3A_913 = arith.subi %sign3A_909, %sign3A_912 : i32
        %sign3A_914 = arith.constant 0 : i32
        %sign3A_915 = arith.cmpi sgt, %jit3A_905, %sign3A_914 : i32
        %sign3A_916 = arith.extui %sign3A_915 : i1 to i32
        %sign3A_917 = arith.constant 0 : i32
        %sign3A_918 = arith.cmpi slt, %jit3A_905, %sign3A_917 : i32
        %sign3A_919 = arith.extui %sign3A_918 : i1 to i32
        %sign3A_920 = arith.subi %sign3A_916, %sign3A_919 : i32
        %ne3A_921 = arith.cmpi ne, %sign3A_913, %sign3A_920 : i32
        %rem3A_922 = arith.remsi %add3A_904, %jit3A_905 : i32
        %ne3A_923 = arith.constant 0 : i32
        %ne3A_924 = arith.cmpi ne, %rem3A_922, %ne3A_923 : i32
        %and3A_925 = arith.andi %ne3A_921, %ne3A_924 : i1
        %sub3A_926 = arith.constant 1 : i32
        %sub3A_927 = arith.subi %div3A_906, %sub3A_926 : i32
        %select_n3A_928 = arith.select %and3A_925, %sub3A_927, %div3A_906 : i32
        %jit3A_929 = arith.constant 8 : i32
        %eq3A_930 = arith.constant 0 : i32
        %eq3A_931 = arith.cmpi eq, %jit3A_929, %eq3A_930 : i32
        %jit3A_932 = arith.constant 1 : i32
        %select_n3A_933 = arith.select %eq3A_931, %jit3A_932, %jit3A_929 : i32
        %rem3A_934 = arith.remsi %add3A_904, %select_n3A_933 : i32
        %ne3A_935 = arith.constant 0 : i32
        %ne3A_936 = arith.cmpi ne, %rem3A_934, %ne3A_935 : i32
        %lt3A_937 = arith.constant 0 : i32
        %lt3A_938 = arith.cmpi slt, %rem3A_934, %lt3A_937 : i32
        %lt3A_939 = arith.constant 0 : i32
        %lt3A_940 = arith.cmpi slt, %select_n3A_933, %lt3A_939 : i32
        %ne3A_941 = arith.xori %lt3A_938, %lt3A_940 : i1
        %and3A_942 = arith.andi %ne3A_941, %ne3A_936 : i1
        %add3A_943 = arith.addi %rem3A_934, %select_n3A_933 : i32
        %select_n3A_944 = arith.select %and3A_942, %add3A_943, %rem3A_934 : i32
        %jit3A_945 = arith.constant 8 : i32
        %div3A_946 = arith.divsi %select_n3A_928, %jit3A_945 : i32
        %sign3A_947 = arith.constant 0 : i32
        %sign3A_948 = arith.cmpi sgt, %select_n3A_928, %sign3A_947 : i32
        %sign3A_949 = arith.extui %sign3A_948 : i1 to i32
        %sign3A_950 = arith.constant 0 : i32
        %sign3A_951 = arith.cmpi slt, %select_n3A_928, %sign3A_950 : i32
        %sign3A_952 = arith.extui %sign3A_951 : i1 to i32
        %sign3A_953 = arith.subi %sign3A_949, %sign3A_952 : i32
        %sign3A_954 = arith.constant 0 : i32
        %sign3A_955 = arith.cmpi sgt, %jit3A_945, %sign3A_954 : i32
        %sign3A_956 = arith.extui %sign3A_955 : i1 to i32
        %sign3A_957 = arith.constant 0 : i32
        %sign3A_958 = arith.cmpi slt, %jit3A_945, %sign3A_957 : i32
        %sign3A_959 = arith.extui %sign3A_958 : i1 to i32
        %sign3A_960 = arith.subi %sign3A_956, %sign3A_959 : i32
        %ne3A_961 = arith.cmpi ne, %sign3A_953, %sign3A_960 : i32
        %rem3A_962 = arith.remsi %select_n3A_928, %jit3A_945 : i32
        %ne3A_963 = arith.constant 0 : i32
        %ne3A_964 = arith.cmpi ne, %rem3A_962, %ne3A_963 : i32
        %and3A_965 = arith.andi %ne3A_961, %ne3A_964 : i1
        %sub3A_966 = arith.constant 1 : i32
        %sub3A_967 = arith.subi %div3A_946, %sub3A_966 : i32
        %select_n3A_968 = arith.select %and3A_965, %sub3A_967, %div3A_946 : i32
        %mul3A_969 = arith.constant 16 : i32
        %mul3A_970 = arith.muli %select_n3A_944, %mul3A_969 : i32
        %jit3A_971 = arith.constant 8 : i32
        %eq3A_972 = arith.constant 0 : i32
        %eq3A_973 = arith.cmpi eq, %jit3A_971, %eq3A_972 : i32
        %jit3A_974 = arith.constant 1 : i32
        %select_n3A_975 = arith.select %eq3A_973, %jit3A_974, %jit3A_971 : i32
        %rem3A_976 = arith.remsi %select_n3A_928, %select_n3A_975 : i32
        %ne3A_977 = arith.constant 0 : i32
        %ne3A_978 = arith.cmpi ne, %rem3A_976, %ne3A_977 : i32
        %lt3A_979 = arith.constant 0 : i32
        %lt3A_980 = arith.cmpi slt, %rem3A_976, %lt3A_979 : i32
        %lt3A_981 = arith.constant 0 : i32
        %lt3A_982 = arith.cmpi slt, %select_n3A_975, %lt3A_981 : i32
        %ne3A_983 = arith.xori %lt3A_980, %lt3A_982 : i1
        %and3A_984 = arith.andi %ne3A_983, %ne3A_978 : i1
        %add3A_985 = arith.addi %rem3A_976, %select_n3A_975 : i32
        %select_n3A_986 = arith.select %and3A_984, %add3A_985, %rem3A_976 : i32
        %dma_start3A_987 = arith.constant 0 : i32
        %dma_start3A_988 = arith.constant 0 : i32
        %dma_start3A_989 = arith.constant 0 : i32
        %dma_start3A_990 = tpu.memref_slice %arg6[%dma_start3A_987, %dma_start3A_988, %dma_start3A_989] : memref<2x16x128xi32, #tpu.memory_space<vmem>> -> memref<1x16x128xi32, #tpu.memory_space<vmem>>
        %dma_start3A_991 = tpu.memref_squeeze %dma_start3A_990 : memref<1x16x128xi32, #tpu.memory_space<vmem>> -> memref<16x128xi32, #tpu.memory_space<vmem>>
        %dma_start3A_992 = arith.constant 0 : i32
        %dma_start3A_993 = tpu.memref_slice %arg2[%select_n3A_968, %mul3A_970, %select_n3A_986, %dma_start3A_992] : memref<25x128x8x128xi32, #tpu.memory_space<hbm>> -> memref<1x16x1x128xi32, #tpu.memory_space<hbm>>
        %dma_start3A_994 = tpu.memref_squeeze %dma_start3A_993 : memref<1x16x1x128xi32, #tpu.memory_space<hbm>> -> memref<16x128xi32, #tpu.memory_space<hbm>>
        %dma_start3A_995 = arith.constant 0 : i32
        %dma_start3A_996 = arith.constant 0 : i32
        %dma_start3A_997 = tpu.memref_slice %arg6[%dma_start3A_987, %dma_start3A_995, %dma_start3A_996] : memref<2x16x128xi32, #tpu.memory_space<vmem>> -> memref<1x16x128xi32, #tpu.memory_space<vmem>>
        %dma_start3A_998 = tpu.memref_squeeze %dma_start3A_997 : memref<1x16x128xi32, #tpu.memory_space<vmem>> -> memref<16x128xi32, #tpu.memory_space<vmem>>
        %dma_start3A_999 = arith.constant 0 : i32
        %dma_start3A_1000 = tpu.memref_slice %arg2[%select_n3A_968, %mul3A_970, %select_n3A_986, %dma_start3A_999] : memref<25x128x8x128xi32, #tpu.memory_space<hbm>> -> memref<1x16x1x128xi32, #tpu.memory_space<hbm>>
        %dma_start3A_1001 = tpu.memref_squeeze %dma_start3A_1000 : memref<1x16x1x128xi32, #tpu.memory_space<hbm>> -> memref<16x128xi32, #tpu.memory_space<hbm>>
        tpu.enqueue_dma source(%dma_start3A_1001 : memref<16x128xi32, #tpu.memory_space<hbm>>) target(%dma_start3A_998 : memref<16x128xi32, #tpu.memory_space<vmem>>) target_semaphore(%arg10 : memref<!tpu.dma_semaphore, #tpu.memory_space<semaphore_mem>>)
      } else {
      }
      %mul3A_877 = arith.constant 16384 : i32
      %mul3A_878 = arith.muli %add3A_777, %mul3A_877 : i32
      %dma_wait3A_879 = arith.constant 1 : i32
      %dma_wait3A_880 = arith.constant 0 : i32
      %dma_wait3A_881 = tpu.memref_slice %arg7[%dma_wait3A_879, %dma_wait3A_880] : memref<2x16384xf32, #tpu.memory_space<vmem>> -> memref<1x16384xf32, #tpu.memory_space<vmem>>
      %dma_wait3A_882 = tpu.memref_squeeze %dma_wait3A_881 : memref<1x16384xf32, #tpu.memory_space<vmem>> -> memref<16384xf32, #tpu.memory_space<vmem>>
      %dma_wait3A_883 = tpu.memref_slice %arg4[%mul3A_878] : memref<26214400xf32, #tpu.memory_space<hbm>> -> memref<16384xf32, #tpu.memory_space<hbm>>
      %dma_wait3A_884 = tpu.memref_slice %arg4[%mul3A_878] : memref<26214400xf32, #tpu.memory_space<hbm>> -> memref<16384xf32, #tpu.memory_space<hbm>>
      %dma_wait3A_885 = arith.constant 0 : i32
      %dma_wait3A_886 = tpu.memref_slice %arg7[%dma_wait3A_879, %dma_wait3A_885] : memref<2x16384xf32, #tpu.memory_space<vmem>> -> memref<1x16384xf32, #tpu.memory_space<vmem>>
      %dma_wait3A_887 = tpu.memref_squeeze %dma_wait3A_886 : memref<1x16384xf32, #tpu.memory_space<vmem>> -> memref<16384xf32, #tpu.memory_space<vmem>>
      tpu.wait_dma2 semaphore(%arg9 : memref<!tpu.dma_semaphore, #tpu.memory_space<semaphore_mem>>) src(%dma_wait3A_887 : memref<16384xf32, #tpu.memory_space<vmem>>) dst(%dma_wait3A_884 : memref<16384xf32, #tpu.memory_space<hbm>>)
      %parallel_loop3A_888 = arith.constant 0 : i32
      %parallel_loop3A_889 = arith.constant 128 : i32
      %parallel_loop3A_890 = arith.constant 1 : i32
      scf.for %parallel_loop3A_902 = %parallel_loop3A_888 to %parallel_loop3A_889 step %parallel_loop3A_890  : i32 {
        %parallel_loop3A_903 = arith.constant 8 : i32
        %parallel_loop3A_904 = arith.divsi %parallel_loop3A_902, %parallel_loop3A_903 : i32
        %parallel_loop3A_905 = arith.constant 0 : i32
        %parallel_loop3A_906 = arith.cmpi sgt, %parallel_loop3A_902, %parallel_loop3A_905 : i32
        %parallel_loop3A_907 = arith.extui %parallel_loop3A_906 : i1 to i32
        %parallel_loop3A_908 = arith.constant 0 : i32
        %parallel_loop3A_909 = arith.cmpi slt, %parallel_loop3A_902, %parallel_loop3A_908 : i32
        %parallel_loop3A_910 = arith.extui %parallel_loop3A_909 : i1 to i32
        %parallel_loop3A_911 = arith.subi %parallel_loop3A_907, %parallel_loop3A_910 : i32
        %parallel_loop3A_912 = arith.constant 0 : i32
        %parallel_loop3A_913 = arith.cmpi sgt, %parallel_loop3A_903, %parallel_loop3A_912 : i32
        %parallel_loop3A_914 = arith.extui %parallel_loop3A_913 : i1 to i32
        %parallel_loop3A_915 = arith.constant 0 : i32
        %parallel_loop3A_916 = arith.cmpi slt, %parallel_loop3A_903, %parallel_loop3A_915 : i32
        %parallel_loop3A_917 = arith.extui %parallel_loop3A_916 : i1 to i32
        %parallel_loop3A_918 = arith.subi %parallel_loop3A_914, %parallel_loop3A_917 : i32
        %parallel_loop3A_919 = arith.cmpi ne, %parallel_loop3A_911, %parallel_loop3A_918 : i32
        %parallel_loop3A_920 = arith.remsi %parallel_loop3A_902, %parallel_loop3A_903 : i32
        %parallel_loop3A_921 = arith.constant 0 : i32
        %parallel_loop3A_922 = arith.cmpi ne, %parallel_loop3A_920, %parallel_loop3A_921 : i32
        %parallel_loop3A_923 = arith.andi %parallel_loop3A_919, %parallel_loop3A_922 : i1
        %parallel_loop3A_924 = arith.constant 1 : i32
        %parallel_loop3A_925 = arith.subi %parallel_loop3A_904, %parallel_loop3A_924 : i32
        %parallel_loop3A_926 = arith.select %parallel_loop3A_923, %parallel_loop3A_925, %parallel_loop3A_904 : i32
        %parallel_loop3A_927 = arith.constant 8 : i32
        %parallel_loop3A_928 = arith.constant 0 : i32
        %parallel_loop3A_929 = arith.cmpi eq, %parallel_loop3A_927, %parallel_loop3A_928 : i32
        %parallel_loop3A_930 = arith.constant 1 : i32
        %parallel_loop3A_931 = arith.select %parallel_loop3A_929, %parallel_loop3A_930, %parallel_loop3A_927 : i32
        %parallel_loop3A_932 = arith.remsi %parallel_loop3A_902, %parallel_loop3A_931 : i32
        %parallel_loop3A_933 = arith.constant 0 : i32
        %parallel_loop3A_934 = arith.cmpi ne, %parallel_loop3A_932, %parallel_loop3A_933 : i32
        %parallel_loop3A_935 = arith.constant 0 : i32
        %parallel_loop3A_936 = arith.cmpi slt, %parallel_loop3A_932, %parallel_loop3A_935 : i32
        %parallel_loop3A_937 = arith.constant 0 : i32
        %parallel_loop3A_938 = arith.cmpi slt, %parallel_loop3A_931, %parallel_loop3A_937 : i32
        %parallel_loop3A_939 = arith.xori %parallel_loop3A_936, %parallel_loop3A_938 : i1
        %parallel_loop3A_940 = arith.andi %parallel_loop3A_939, %parallel_loop3A_934 : i1
        %parallel_loop3A_941 = arith.addi %parallel_loop3A_932, %parallel_loop3A_931 : i32
        %parallel_loop3A_942 = arith.select %parallel_loop3A_940, %parallel_loop3A_941, %parallel_loop3A_932 : i32
        %parallel_loop3A_943 = arith.constant 16 : i32
        %parallel_loop3A_944 = arith.muli %parallel_loop3A_942, %parallel_loop3A_943 : i32
        %parallel_loop3A_945 = arith.constant 1 : i32
        %parallel_loop3A_946 = arith.index_cast %parallel_loop3A_945 : i32 to index
        %parallel_loop3A_947 = arith.index_cast %parallel_loop3A_926 : i32 to index
        %parallel_loop3A_948 = arith.index_cast %parallel_loop3A_944 : i32 to index
        %parallel_loop3A_949 = tpu.vector_load %arg6[%parallel_loop3A_946, %parallel_loop3A_947, %parallel_loop3A_948] {strides = array<i32>} : memref<2x16x128xi32, #tpu.memory_space<vmem>>, vector<16xi32>,
        %parallel_loop3A_950 = arith.constant 1024 : i32
        %parallel_loop3A_951 = arith.muli %parallel_loop3A_926, %parallel_loop3A_950 : i32
        %parallel_loop3A_952 = arith.constant 16 : i32
        %parallel_loop3A_953 = arith.muli %parallel_loop3A_942, %parallel_loop3A_952 : i32
        %parallel_loop3A_954 = arith.addi %parallel_loop3A_951, %parallel_loop3A_953 : i32
        %parallel_loop3A_955 = arith.constant 0 : i32
        %parallel_loop3A_956 = arith.constant 0 : i32
        %parallel_loop3A_957 = tpu.memref_slice %arg5[%parallel_loop3A_955, %parallel_loop3A_956] : memref<8x16xf32, #tpu.memory_space<vmem>> -> memref<1x16xf32, #tpu.memory_space<vmem>>
        %parallel_loop3A_958 = tpu.memref_squeeze %parallel_loop3A_957 : memref<1x16xf32, #tpu.memory_space<vmem>> -> memref<16xf32, #tpu.memory_space<vmem>>
        %parallel_loop3A_959 = tpu.vector_load_idx %parallel_loop3A_958[%parallel_loop3A_949] : memref<16xf32, #tpu.memory_space<vmem>>[vector<16xi32>], vector<16xf32>,
        %parallel_loop3A_960 = arith.constant 1 : i32
        %parallel_loop3A_961 = arith.constant 0 : i32
        %parallel_loop3A_962 = tpu.memref_slice %arg5[%parallel_loop3A_960, %parallel_loop3A_961] : memref<8x16xf32, #tpu.memory_space<vmem>> -> memref<1x16xf32, #tpu.memory_space<vmem>>
        %parallel_loop3A_963 = tpu.memref_squeeze %parallel_loop3A_962 : memref<1x16xf32, #tpu.memory_space<vmem>> -> memref<16xf32, #tpu.memory_space<vmem>>
        %parallel_loop3A_964 = tpu.vector_load_idx %parallel_loop3A_963[%parallel_loop3A_949] : memref<16xf32, #tpu.memory_space<vmem>>[vector<16xi32>], vector<16xf32>,
        %parallel_loop3A_965 = arith.constant 2 : i32
        %parallel_loop3A_966 = arith.constant 0 : i32
        %parallel_loop3A_967 = tpu.memref_slice %arg5[%parallel_loop3A_965, %parallel_loop3A_966] : memref<8x16xf32, #tpu.memory_space<vmem>> -> memref<1x16xf32, #tpu.memory_space<vmem>>
        %parallel_loop3A_968 = tpu.memref_squeeze %parallel_loop3A_967 : memref<1x16xf32, #tpu.memory_space<vmem>> -> memref<16xf32, #tpu.memory_space<vmem>>
        %parallel_loop3A_969 = tpu.vector_load_idx %parallel_loop3A_968[%parallel_loop3A_949] : memref<16xf32, #tpu.memory_space<vmem>>[vector<16xi32>], vector<16xf32>,
        %parallel_loop3A_970 = arith.constant 3 : i32
        %parallel_loop3A_971 = arith.constant 0 : i32
        %parallel_loop3A_972 = tpu.memref_slice %arg5[%parallel_loop3A_970, %parallel_loop3A_971] : memref<8x16xf32, #tpu.memory_space<vmem>> -> memref<1x16xf32, #tpu.memory_space<vmem>>
        %parallel_loop3A_973 = tpu.memref_squeeze %parallel_loop3A_972 : memref<1x16xf32, #tpu.memory_space<vmem>> -> memref<16xf32, #tpu.memory_space<vmem>>
        %parallel_loop3A_974 = tpu.vector_load_idx %parallel_loop3A_973[%parallel_loop3A_949] : memref<16xf32, #tpu.memory_space<vmem>>[vector<16xi32>], vector<16xf32>,
        %parallel_loop3A_975 = arith.constant 4 : i32
        %parallel_loop3A_976 = arith.constant 0 : i32
        %parallel_loop3A_977 = tpu.memref_slice %arg5[%parallel_loop3A_975, %parallel_loop3A_976] : memref<8x16xf32, #tpu.memory_space<vmem>> -> memref<1x16xf32, #tpu.memory_space<vmem>>
        %parallel_loop3A_978 = tpu.memref_squeeze %parallel_loop3A_977 : memref<1x16xf32, #tpu.memory_space<vmem>> -> memref<16xf32, #tpu.memory_space<vmem>>
        %parallel_loop3A_979 = tpu.vector_load_idx %parallel_loop3A_978[%parallel_loop3A_949] : memref<16xf32, #tpu.memory_space<vmem>>[vector<16xi32>], vector<16xf32>,
        %parallel_loop3A_980 = arith.constant 5 : i32
        %parallel_loop3A_981 = arith.constant 0 : i32
        %parallel_loop3A_982 = tpu.memref_slice %arg5[%parallel_loop3A_980, %parallel_loop3A_981] : memref<8x16xf32, #tpu.memory_space<vmem>> -> memref<1x16xf32, #tpu.memory_space<vmem>>
        %parallel_loop3A_983 = tpu.memref_squeeze %parallel_loop3A_982 : memref<1x16xf32, #tpu.memory_space<vmem>> -> memref<16xf32, #tpu.memory_space<vmem>>
        %parallel_loop3A_984 = tpu.vector_load_idx %parallel_loop3A_983[%parallel_loop3A_949] : memref<16xf32, #tpu.memory_space<vmem>>[vector<16xi32>], vector<16xf32>,
        %parallel_loop3A_985 = arith.constant 6 : i32
        %parallel_loop3A_986 = arith.constant 0 : i32
        %parallel_loop3A_987 = tpu.memref_slice %arg5[%parallel_loop3A_985, %parallel_loop3A_986] : memref<8x16xf32, #tpu.memory_space<vmem>> -> memref<1x16xf32, #tpu.memory_space<vmem>>
        %parallel_loop3A_988 = tpu.memref_squeeze %parallel_loop3A_987 : memref<1x16xf32, #tpu.memory_space<vmem>> -> memref<16xf32, #tpu.memory_space<vmem>>
        %parallel_loop3A_989 = tpu.vector_load_idx %parallel_loop3A_988[%parallel_loop3A_949] : memref<16xf32, #tpu.memory_space<vmem>>[vector<16xi32>], vector<16xf32>,
        %parallel_loop3A_990 = arith.constant 7 : i32
        %parallel_loop3A_991 = arith.constant 0 : i32
        %parallel_loop3A_992 = tpu.memref_slice %arg5[%parallel_loop3A_990, %parallel_loop3A_991] : memref<8x16xf32, #tpu.memory_space<vmem>> -> memref<1x16xf32, #tpu.memory_space<vmem>>
        %parallel_loop3A_993 = tpu.memref_squeeze %parallel_loop3A_992 : memref<1x16xf32, #tpu.memory_space<vmem>> -> memref<16xf32, #tpu.memory_space<vmem>>
        %parallel_loop3A_994 = tpu.vector_load_idx %parallel_loop3A_993[%parallel_loop3A_949] : memref<16xf32, #tpu.memory_space<vmem>>[vector<16xi32>], vector<16xf32>,
        %parallel_loop3A_995 = arith.constant 0 : i32
        %parallel_loop3A_996 = arith.addi %parallel_loop3A_954, %parallel_loop3A_995 : i32
        %parallel_loop3A_997 = arith.constant 1 : i32
        %parallel_loop3A_998 = arith.index_cast %parallel_loop3A_997 : i32 to index
        %parallel_loop3A_999 = arith.index_cast %parallel_loop3A_996 : i32 to index
        %parallel_loop3A_1000 = tpu.vector_load %arg7[%parallel_loop3A_998, %parallel_loop3A_999] {strides = array<i32>} : memref<2x16384xf32, #tpu.memory_space<vmem>>, vector<16xf32>,
        tpu.vector_store %arg7[%parallel_loop3A_998, %parallel_loop3A_999], %parallel_loop3A_959 {strides = array<i32>} : memref<2x16384xf32, #tpu.memory_space<vmem>>, vector<16xf32>,
        %parallel_loop3A_1001 = arith.constant 128 : i32
        %parallel_loop3A_1002 = arith.addi %parallel_loop3A_954, %parallel_loop3A_1001 : i32
        %parallel_loop3A_1003 = arith.constant 1 : i32
        %parallel_loop3A_1004 = arith.index_cast %parallel_loop3A_1003 : i32 to index
        %parallel_loop3A_1005 = arith.index_cast %parallel_loop3A_1002 : i32 to index
        %parallel_loop3A_1006 = tpu.vector_load %arg7[%parallel_loop3A_1004, %parallel_loop3A_1005] {strides = array<i32>} : memref<2x16384xf32, #tpu.memory_space<vmem>>, vector<16xf32>,
        tpu.vector_store %arg7[%parallel_loop3A_1004, %parallel_loop3A_1005], %parallel_loop3A_964 {strides = array<i32>} : memref<2x16384xf32, #tpu.memory_space<vmem>>, vector<16xf32>,
        %parallel_loop3A_1007 = arith.constant 256 : i32
        %parallel_loop3A_1008 = arith.addi %parallel_loop3A_954, %parallel_loop3A_1007 : i32
        %parallel_loop3A_1009 = arith.constant 1 : i32
        %parallel_loop3A_1010 = arith.index_cast %parallel_loop3A_1009 : i32 to index
        %parallel_loop3A_1011 = arith.index_cast %parallel_loop3A_1008 : i32 to index
        %parallel_loop3A_1012 = tpu.vector_load %arg7[%parallel_loop3A_1010, %parallel_loop3A_1011] {strides = array<i32>} : memref<2x16384xf32, #tpu.memory_space<vmem>>, vector<16xf32>,
        tpu.vector_store %arg7[%parallel_loop3A_1010, %parallel_loop3A_1011], %parallel_loop3A_969 {strides = array<i32>} : memref<2x16384xf32, #tpu.memory_space<vmem>>, vector<16xf32>,
        %parallel_loop3A_1013 = arith.constant 384 : i32
        %parallel_loop3A_1014 = arith.addi %parallel_loop3A_954, %parallel_loop3A_1013 : i32
        %parallel_loop3A_1015 = arith.constant 1 : i32
        %parallel_loop3A_1016 = arith.index_cast %parallel_loop3A_1015 : i32 to index
        %parallel_loop3A_1017 = arith.index_cast %parallel_loop3A_1014 : i32 to index
        %parallel_loop3A_1018 = tpu.vector_load %arg7[%parallel_loop3A_1016, %parallel_loop3A_1017] {strides = array<i32>} : memref<2x16384xf32, #tpu.memory_space<vmem>>, vector<16xf32>,
        tpu.vector_store %arg7[%parallel_loop3A_1016, %parallel_loop3A_1017], %parallel_loop3A_974 {strides = array<i32>} : memref<2x16384xf32, #tpu.memory_space<vmem>>, vector<16xf32>,
        %parallel_loop3A_1019 = arith.constant 512 : i32
        %parallel_loop3A_1020 = arith.addi %parallel_loop3A_954, %parallel_loop3A_1019 : i32
        %parallel_loop3A_1021 = arith.constant 1 : i32
        %parallel_loop3A_1022 = arith.index_cast %parallel_loop3A_1021 : i32 to index
        %parallel_loop3A_1023 = arith.index_cast %parallel_loop3A_1020 : i32 to index
        %parallel_loop3A_1024 = tpu.vector_load %arg7[%parallel_loop3A_1022, %parallel_loop3A_1023] {strides = array<i32>} : memref<2x16384xf32, #tpu.memory_space<vmem>>, vector<16xf32>,
        tpu.vector_store %arg7[%parallel_loop3A_1022, %parallel_loop3A_1023], %parallel_loop3A_979 {strides = array<i32>} : memref<2x16384xf32, #tpu.memory_space<vmem>>, vector<16xf32>,
        %parallel_loop3A_1025 = arith.constant 640 : i32
        %parallel_loop3A_1026 = arith.addi %parallel_loop3A_954, %parallel_loop3A_1025 : i32
        %parallel_loop3A_1027 = arith.constant 1 : i32
        %parallel_loop3A_1028 = arith.index_cast %parallel_loop3A_1027 : i32 to index
        %parallel_loop3A_1029 = arith.index_cast %parallel_loop3A_1026 : i32 to index
        %parallel_loop3A_1030 = tpu.vector_load %arg7[%parallel_loop3A_1028, %parallel_loop3A_1029] {strides = array<i32>} : memref<2x16384xf32, #tpu.memory_space<vmem>>, vector<16xf32>,
        tpu.vector_store %arg7[%parallel_loop3A_1028, %parallel_loop3A_1029], %parallel_loop3A_984 {strides = array<i32>} : memref<2x16384xf32, #tpu.memory_space<vmem>>, vector<16xf32>,
        %parallel_loop3A_1031 = arith.constant 768 : i32
        %parallel_loop3A_1032 = arith.addi %parallel_loop3A_954, %parallel_loop3A_1031 : i32
        %parallel_loop3A_1033 = arith.constant 1 : i32
        %parallel_loop3A_1034 = arith.index_cast %parallel_loop3A_1033 : i32 to index
        %parallel_loop3A_1035 = arith.index_cast %parallel_loop3A_1032 : i32 to index
        %parallel_loop3A_1036 = tpu.vector_load %arg7[%parallel_loop3A_1034, %parallel_loop3A_1035] {strides = array<i32>} : memref<2x16384xf32, #tpu.memory_space<vmem>>, vector<16xf32>,
        tpu.vector_store %arg7[%parallel_loop3A_1034, %parallel_loop3A_1035], %parallel_loop3A_989 {strides = array<i32>} : memref<2x16384xf32, #tpu.memory_space<vmem>>, vector<16xf32>,
        %parallel_loop3A_1037 = arith.constant 896 : i32
        %parallel_loop3A_1038 = arith.addi %parallel_loop3A_954, %parallel_loop3A_1037 : i32
        %parallel_loop3A_1039 = arith.constant 1 : i32
        %parallel_loop3A_1040 = arith.index_cast %parallel_loop3A_1039 : i32 to index
        %parallel_loop3A_1041 = arith.index_cast %parallel_loop3A_1038 : i32 to index
        %parallel_loop3A_1042 = tpu.vector_load %arg7[%parallel_loop3A_1040, %parallel_loop3A_1041] {strides = array<i32>} : memref<2x16384xf32, #tpu.memory_space<vmem>>, vector<16xf32>,
        tpu.vector_store %arg7[%parallel_loop3A_1040, %parallel_loop3A_1041], %parallel_loop3A_994 {strides = array<i32>} : memref<2x16384xf32, #tpu.memory_space<vmem>>, vector<16xf32>,
      } {sc.loop_unroll_factor = 8 : i64, sc.parallel_access}
      %mul3A_891 = arith.constant 16384 : i32
      %mul3A_892 = arith.muli %add3A_777, %mul3A_891 : i32
      %dma_start3A_893 = arith.constant 1 : i32
      %dma_start3A_894 = arith.constant 0 : i32
      %dma_start3A_895 = tpu.memref_slice %arg7[%dma_start3A_893, %dma_start3A_894] : memref<2x16384xf32, #tpu.memory_space<vmem>> -> memref<1x16384xf32, #tpu.memory_space<vmem>>
      %dma_start3A_896 = tpu.memref_squeeze %dma_start3A_895 : memref<1x16384xf32, #tpu.memory_space<vmem>> -> memref<16384xf32, #tpu.memory_space<vmem>>
      %dma_start3A_897 = tpu.memref_slice %arg4[%mul3A_892] : memref<26214400xf32, #tpu.memory_space<hbm>> -> memref<16384xf32, #tpu.memory_space<hbm>>
      %dma_start3A_898 = tpu.memref_slice %arg4[%mul3A_892] : memref<26214400xf32, #tpu.memory_space<hbm>> -> memref<16384xf32, #tpu.memory_space<hbm>>
      %dma_start3A_899 = arith.constant 0 : i32
      %dma_start3A_900 = tpu.memref_slice %arg7[%dma_start3A_893, %dma_start3A_899] : memref<2x16384xf32, #tpu.memory_space<vmem>> -> memref<1x16384xf32, #tpu.memory_space<vmem>>
      %dma_start3A_901 = tpu.memref_squeeze %dma_start3A_900 : memref<1x16384xf32, #tpu.memory_space<vmem>> -> memref<16384xf32, #tpu.memory_space<vmem>>
      tpu.enqueue_dma source(%dma_start3A_901 : memref<16384xf32, #tpu.memory_space<vmem>>) target(%dma_start3A_898 : memref<16384xf32, #tpu.memory_space<hbm>>) target_semaphore(%arg9 : memref<!tpu.dma_semaphore, #tpu.memory_space<semaphore_mem>>)
    }
    %scan3A_521 = arith.constant 24 : i32
    %mul3A_522 = arith.constant 16384 : i32
    %mul3A_523 = arith.muli %mul3A_2, %mul3A_522 : i32
    %dma_wait3A_524 = arith.constant 0 : i32
    %dma_wait3A_525 = arith.constant 0 : i32
    %dma_wait3A_526 = tpu.memref_slice %arg7[%dma_wait3A_524, %dma_wait3A_525] : memref<2x16384xf32, #tpu.memory_space<vmem>> -> memref<1x16384xf32, #tpu.memory_space<vmem>>
    %dma_wait3A_527 = tpu.memref_squeeze %dma_wait3A_526 : memref<1x16384xf32, #tpu.memory_space<vmem>> -> memref<16384xf32, #tpu.memory_space<vmem>>
    %dma_wait3A_528 = tpu.memref_slice %arg4[%mul3A_523] : memref<26214400xf32, #tpu.memory_space<hbm>> -> memref<16384xf32, #tpu.memory_space<hbm>>
    %dma_wait3A_529 = tpu.memref_slice %arg4[%mul3A_523] : memref<26214400xf32, #tpu.memory_space<hbm>> -> memref<16384xf32, #tpu.memory_space<hbm>>
    %dma_wait3A_530 = arith.constant 0 : i32
    %dma_wait3A_531 = tpu.memref_slice %arg7[%dma_wait3A_524, %dma_wait3A_530] : memref<2x16384xf32, #tpu.memory_space<vmem>> -> memref<1x16384xf32, #tpu.memory_space<vmem>>
    %dma_wait3A_532 = tpu.memref_squeeze %dma_wait3A_531 : memref<1x16384xf32, #tpu.memory_space<vmem>> -> memref<16384xf32, #tpu.memory_space<vmem>>
    tpu.wait_dma2 semaphore(%arg8 : memref<!tpu.dma_semaphore, #tpu.memory_space<semaphore_mem>>) src(%dma_wait3A_532 : memref<16384xf32, #tpu.memory_space<vmem>>) dst(%dma_wait3A_529 : memref<16384xf32, #tpu.memory_space<hbm>>)
    %mul3A_533 = arith.constant 16384 : i32
    %mul3A_534 = arith.muli %mul3A_2, %mul3A_533 : i32
    %dma_wait3A_535 = arith.constant 1 : i32
    %dma_wait3A_536 = arith.constant 0 : i32
    %dma_wait3A_537 = tpu.memref_slice %arg7[%dma_wait3A_535, %dma_wait3A_536] : memref<2x16384xf32, #tpu.memory_space<vmem>> -> memref<1x16384xf32, #tpu.memory_space<vmem>>
    %dma_wait3A_538 = tpu.memref_squeeze %dma_wait3A_537 : memref<1x16384xf32, #tpu.memory_space<vmem>> -> memref<16384xf32, #tpu.memory_space<vmem>>
    %dma_wait3A_539 = tpu.memref_slice %arg4[%mul3A_534] : memref<26214400xf32, #tpu.memory_space<hbm>> -> memref<16384xf32, #tpu.memory_space<hbm>>
    %dma_wait3A_540 = tpu.memref_slice %arg4[%mul3A_534] : memref<26214400xf32, #tpu.memory_space<hbm>> -> memref<16384xf32, #tpu.memory_space<hbm>>
    %dma_wait3A_541 = arith.constant 0 : i32
    %dma_wait3A_542 = tpu.memref_slice %arg7[%dma_wait3A_535, %dma_wait3A_541] : memref<2x16384xf32, #tpu.memory_space<vmem>> -> memref<1x16384xf32, #tpu.memory_space<vmem>>
    %dma_wait3A_543 = tpu.memref_squeeze %dma_wait3A_542 : memref<1x16384xf32, #tpu.memory_space<vmem>> -> memref<16384xf32, #tpu.memory_space<vmem>>
    tpu.wait_dma2 semaphore(%arg9 : memref<!tpu.dma_semaphore, #tpu.memory_space<semaphore_mem>>) src(%dma_wait3A_543 : memref<16384xf32, #tpu.memory_space<vmem>>) dst(%dma_wait3A_540 : memref<16384xf32, #tpu.memory_space<hbm>>)
    return
  }
}

</mosaic_0001>

<sc_bundles>
// kernel: kernel.3.cloned.1.call-start
scs
__scs_entry_jumppad:
0x0: {  	(pc) =	sbr.rel $0x88, $3  }
0x1: {  	(tag) =	ssettag $0x0;
	lr =	simm.s32 $0x1  }
0x2: {  	[smem:$0x3F9F] =	sst lr;
	_ =	strace $0xD0000000  }
0x3: {  	_ = 	snop  }
0x4: {  	_ = 	snop  }
0x5: {  	_ = 	snop  }
0x6: {  	_ = 	snop  }
0x7: {  	_ = 	snop  }
__scs_overlays_trampoline_lowered:
0x8: {  	[smem:$0x3FAE] =	sst s0  }
0x9: {  	[smem:$0x3FAF] =	sst s1  }
0xa: {  	[smem:$0x3FB0] =	sst s2  }
0xb: {  	[smem:$0x3FB1] =	sst s3  }
0xc: {  	[smem:$0x3FB2] =	sst s4  }
0xd: {  	[smem:$0x3FB3] =	sst s5  }
0xe: {  	[smem:$0x3FB4] =	sst s6  }
0xf: {  	[smem:$0x3FB5] =	sst s7  }
0x10: {  	[smem:$0x3FB6] =	sst s8  }
0x11: {  	[smem:$0x3FB7] =	sst s9;
	s0 =	simm.s32 @!p0 $0x0  }
0x12: {  	s1 =	sld [smem:$0x3F9D];
	s0 =	simm.s32 @p0 $0x1  }
0x13: {  	[smem:$0x3FB8] =	sst s0;
	s0 =	simm.s32 @!p1 $0x0  }
0x14: {  	s2 =	sld [smem:$0x3F9C];
	s0 =	simm.s32 @p1 $0x1  }
0x15: {  	[smem:$0x3FB9] =	sst s0;
	s0 =	simm.s32 @!p2 $0x0  }
0x16: {  	s3 =	sld [smem:$0x3FDB];
	s0 =	simm.s32 @p2 $0x1  }
0x17: {  	s4 =	simm.s32 $0x1BF5;
	[smem:$0x3FBB] =	sst s0  }
0x18: {  	s0 =	sld [smem:$0x3F9E];
	_ =	swait.ge [sflag:s4], $0x0  }
0x19: {  	s7 =	sld [smem:$0x3F9F]  }
0x1a: {  	s8 =	sadd.s32 $0xFFFFE003, lr  }
0x1b: {  	s9 =	sadd.s32 $0xFFFFFEF7, lr;
	s5 =	simm.s32 $0xFFFFFFFF;
	p2 =	slt.u32 s8, $0xFFFFF086  }
0x1c: {  	p1 =	slt.u32 s9, $0xF7A;
	s5 =	simm.s32 @!p2 $0x0  }
0x1d: {  	s5 =	simm.s32 @p1 $0x1;
	p0 =	seq.s32 s7, s2  }
0x1e: {  	s7 =	smul.u32 @!p0 $0xF7A, s2;
	p2 =	seq.s32 @!p0 s5, $0x0  }
0x1f: {  	s9 =	smul.u32 $0xF7A, s1;
	s8 =	simm.s32 @!p0 $0x1BF5;
	p2 =	por !p2, p0  }
0x20: {  	[sflag:s8] =	ssyncset.s32 @!p0 $0xFFFFF086;
	s6 =	sadd.s32 @!p0 s3, s7;
	s7 =	simm.s32 @!p0 $0x108  }
0x21: {  	s3 =	sadd.s32 s3, s9;
	s6 =	sadd.s32 @!p0 $0x88, s6;
	s7 =	simm.s32 @p2 $0x1082  }
0x22: {  	[simem:s7], [sflag:s8] =	dma.local @!p0 [hbm:s6], $0xF7A  }
0x23: {  	s9 =	sor.u32 $0xD0000000, s2;
	s6 =	simm.s32 $0x108;
	_ =	swait.ge @!p0 [sflag:s8], $0x0  }
0x24: {  	s3 =	sadd.s32 $0x88, s3;
	s6 =	simm.s32 @!p1 $0x1082;
	[sflag:s4] =	ssyncset.s32 $0xFFFFF086  }
0x25: {  	[simem:s6], [sflag:s4] =	dma.local [hbm:s3], $0xF7A  }
0x26: {  	[smem:$0x3F9F] =	sst s1;
	(tag) =	ssettag s2;
	_ =	strace s9  }
0x27: {  	s1 =	sld [smem:$0x3FAF]  }
0x28: {  	s2 =	sld [smem:$0x3FB0]  }
0x29: {  	s4 =	sld [smem:$0x3FB2]  }
0x2a: {  	p0 =	seq.s32 s5, $0x0;
	s5 =	sld [smem:$0x3FB3]  }
0x2b: {  	s6 =	sld [smem:$0x3FB4]  }
0x2c: {  	s7 =	sld [smem:$0x3FB5]  }
0x2d: {  	s3 =	simm.s32 $0x108;
	s8 =	sld [smem:$0x3FB6]  }
0x2e: {  	s3 =	simm.s32 @!p0 $0x1082;
	s9 =	sld [smem:$0x3FB7]  }
0x2f: {  	lr =	sadd.s32 s0, s3;
	s0 =	sld [smem:$0x3FAE]  }
0x30: {  	s3 =	sld [smem:$0x3FB1]  }
0x31: {  	[smem:$0x3FBA] =	sst s10  }
0x32: {  	s10 =	sld [smem:$0x3FB8];
	_ =	sdelay $0x3  }
0x33: {  	p0 =	seq.s32 s10, $0x1;
	s10 =	sld [smem:$0x3FBA];
	_ =	sdelay $0x3  }
0x34: {  	[smem:$0x3FBA] =	sst s10  }
0x35: {  	s10 =	sld [smem:$0x3FB9];
	_ =	sdelay $0x3  }
0x36: {  	p1 =	seq.s32 s10, $0x1;
	s10 =	sld [smem:$0x3FBA];
	_ =	sdelay $0x3  }
0x37: {  	[smem:$0x3FBA] =	sst s10  }
0x38: {  	s10 =	sld [smem:$0x3FBB]  }
0x39: {  	_ = 	snop;
	(pc) =	sbr.ind lr, $3  }
0x3a: {  	_ = 	snop  }
0x3b: {  	_ = 	snop  }
0x3c: {  	p2 =	seq.s32 s10, $0x1;
	s10 =	sld [smem:$0x3FBA]  }
0x3d: {  	_ =	shalt  }
0x3e: {  	_ =	shalt  }
0x3f: {  	_ =	shalt  }
0x40: {  	_ =	shalt  }
0x41: {  	_ =	shalt  }
0x42: {  	_ =	shalt  }
0x43: {  	_ =	shalt  }
0x44: {  	_ =	shalt  }
0x45: {  	_ =	shalt  }
0x46: {  	_ =	shalt  }
0x47: {  	_ =	shalt  }
0x48: {  	_ =	shalt  }
0x49: {  	_ =	shalt  }
0x4a: {  	_ =	shalt  }
0x4b: {  	_ =	shalt  }
0x4c: {  	_ =	shalt  }
0x4d: {  	_ =	shalt  }
0x4e: {  	_ =	shalt  }
0x4f: {  	_ =	shalt  }
0x50: {  	_ =	shalt  }
0x51: {  	_ =	shalt  }
0x52: {  	_ =	shalt  }
0x53: {  	_ =	shalt  }
0x54: {  	_ =	shalt  }
0x55: {  	_ =	shalt  }
0x56: {  	_ =	shalt  }
0x57: {  	_ =	shalt  }
0x58: {  	_ =	shalt  }
0x59: {  	_ =	shalt  }
0x5a: {  	_ =	shalt  }
0x5b: {  	_ =	shalt  }
0x5c: {  	_ =	shalt  }
0x5d: {  	_ =	shalt  }
0x5e: {  	_ =	shalt  }
0x5f: {  	_ =	shalt  }
0x60: {  	_ =	shalt  }
0x61: {  	_ =	shalt  }
0x62: {  	_ =	shalt  }
0x63: {  	_ =	shalt  }
0x64: {  	_ =	shalt  }
0x65: {  	_ =	shalt  }
0x66: {  	_ =	shalt  }
0x67: {  	_ =	shalt  }
0x68: {  	_ =	shalt  }
0x69: {  	_ =	shalt  }
0x6a: {  	_ =	shalt  }
0x6b: {  	_ =	shalt  }
0x6c: {  	_ =	shalt  }
0x6d: {  	_ =	shalt  }
0x6e: {  	_ =	shalt  }
0x6f: {  	_ =	shalt  }
0x70: {  	_ =	shalt  }
0x71: {  	_ =	shalt  }
0x72: {  	_ =	shalt  }
0x73: {  	_ =	shalt  }
0x74: {  	_ =	shalt  }
0x75: {  	_ =	shalt  }
0x76: {  	_ =	shalt  }
0x77: {  	_ =	shalt  }
0x78: {  	_ =	shalt  }
0x79: {  	_ =	shalt  }
0x7a: {  	_ =	shalt  }
0x7b: {  	_ =	shalt  }
0x7c: {  	_ =	shalt  }
0x7d: {  	_ =	shalt  }
0x7e: {  	_ =	shalt  }
0x7f: {  	_ =	shalt  }
0x80: {  	_ =	shalt  }
0x81: {  	_ =	shalt  }
0x82: {  	_ =	shalt  }
0x83: {  	_ =	shalt  }
0x84: {  	_ =	shalt  }
0x85: {  	_ =	shalt  }
0x86: {  	_ =	shalt  }
0x87: {  	_ =	shalt  }
.Lfunc_end0:
.L_simem_size_0:
called_computation_lowered:
.L_overlay_start_0:
0x88: {  	s2 =	sld [smem:$0x3FD9]  }
0x89: {  	s3 =	sld [smem:$0x3FFE];
	_ =	sdelay $0x1  }
0x8a: {  	s1 =	srdreg.scid  }
0x8b: {  	s0 =	sand.u32 $0x1, s1  }
0x8c: {  	s17 =	sshll.u32 s0, $0xA;
	s2 =	sadd.s32 s3, s2  }
0x8d: {  	s2 =	sadd.s32 s2, s17  }
0x8e: {  	[smem:$0x3FC6] =	sst s2  }
0x8f: {  	_ = 	snop  }
0x90: {  	s2 =	sld [smem:$0x3FC9]  }
0x91: {  	s18 =	sld [smem:$0x3FD0];
	(tm) =	ssettm $0x1  }
0x92: {  	s4 =	sld [smem:$0x3FFB];
	_ =	sdelay $0x3  }
0x93: {  	_ =	strace s4  }
0x94: {  	s4 =	sld [smem:$0x3FFC];
	_ =	sdelay $0x3  }
0x95: {  	_ =	strace s4  }
0x96: {  	s4 =	sld [smem:$0x3FFD];
	_ =	sdelay $0x3  }
0x97: {  	_ =	strace s4  }
0x98: {  	_ =	strace $0x8FFFFFFF  }
0x99: {  	s19 =	sld [smem:$0x3FDB];
	_ =	sdelay $0x1  }
0x9a: {  	s5 =	simm.s32 $_scs_section_size  }
0x9b: {  	s6 =	simm.s32 $_size__tile_overlayer_lowered;
	s7 =	simm.s32 $_tile_overlayer_lowered  }
0x9c: {  	s22 =	simm.s32 $0x1BFF;
	s21 =	sshll.u32 s7, $0x1;
	s4 =	sadd.s32 s5, s19  }
0x9d: {  	s8 =	simm.s32 $0x0;
	s20 =	sshll.u32 s6, $0x1;
	s6 =	sadd.s32 s21, s4  }
0x9e: {  	[timem:s8], [sflag:s22] =	dma.local [hbm:s6], s20  }
0x9f: {  	_ =	swait.ge [sflag:s22], s20  }
0xa0: {  	s5 =	ssub.s32 $0x0, s20;
	[sflag:s22] =	ssyncset.done $0x0  }
0xa1: {  	[sflag:s22] =	ssyncadd.s32 s5;
	_ =	sdelay $0x1  }
0xa2: {  	s23 =	simm.s32 $0x1B8B  }
0xa3: {  	_ =	swait.ge [sflag:s23], $0x1  }
0xa4: {  	[sflag:s23] =	ssyncset.done $0x0  }
0xa5: {  	s25 =	simm.s32 $0x1B8E;
	s24 =	sld [smem:$0x3FFE];
	[sflag:s23] =	ssyncadd.s32 $0xFFFFFFFF  }
0xa6: {  	s26 =	simm.s32 $execute0_lowered;
	[smem:$0x3FD2] =	sst s25  }
0xa7: {  	s6 =	sshll.u32 s26, $0x1;
	_ =	strace $0x80000046;
	[dreg:$0x1] =	wrdreg $0xFFFFFFFF  }
0xa8: {  	s28 =	simm.s32 $_size_execute0_lowered;
	s4 =	sadd.s32 s4, s6;
	[dreg:$0x0] =	wrdreg $0x0  }
0xa9: {  	s6 =	sshll.u32 s28, $0x1;
	[dreg:$0x2] =	wrdreg s4  }
0xaa: {  	[dreg:$0x3] =	wrdreg s6  }
0xab: {  	[dreg:$0x4] =	wrdreg $0xC0  }
0xac: {  	_ =	task [dreg:s8], $0x5FFFF  }
0xad: {  	[dreg:$0x1] =	wrdreg $0xFFFFFFFF  }
0xae: {  	[dreg:$0x0] =	wrdreg $0x60  }
0xaf: {  	[dreg:$0x2] =	wrdreg s2  }
0xb0: {  	[dreg:$0x3] =	wrdreg s24  }
0xb1: {  	[dreg:$0x4] =	wrdreg s18  }
0xb2: {  	[dreg:$0x5] =	wrdreg $0x9  }
0xb3: {  	_ =	task.clear_ibuf [dreg:s8], $0x6FFFF;
	_ =	strace $0x90000046  }
0xb4: {  	s29 =	simm.s32 $0x9;
	_ =	strace $0x80000048  }
0xb5: {  	_ =	swait.ge [sflag:s29], $0x1  }
0xb6: {  	[sflag:s29] =	ssyncadd.s32 $0xFFFFFFFF  }
0xb7: {  	_ =	strace $0x90000048  }
0xb8: {  	_ =	sfence  }
0xb9: {  	s30 =	sld [smem:$0x0];
	_ =	sdelay $0x2  }
0xba: {  	s31 =	sshll.u32 s1, $0xD;
	s1 =	sshrl.u32 s1, $0x2  }
0xbb: {  	s3 =	sand.u32 $0x4000, s31;
	s1 =	sadd.s32 s1, s30  }
0xbc: {  	s0 =	sor.u32 s3, s0;
	s1 =	sshll.u32 s1, $0x11  }
0xbd: {  	s0 =	sor.u32 s1, s0  }
0xbe: {  	s0 =	sadd.s32 $0x8F2B, s0  }
0xbf: {  	[sflag:s0] =	ssyncadd.remote.s32 $0x1  }
0xc0: {  	_ =	sfence.sel $0xFFFF  }
0xc1: {  	[dreg:$0x0] =	wrdreg $0xFFFFFFFF;
	(pc) =	sbr.abs _section_cstart, $3  }
0xc2: {  	[dreg:$0x1] =	wrdreg $0xFFFFFFFF  }
0xc3: {  	_ =	task.clear_ibuf [dreg:s8], $0x2FFFF;
	_ =	strace $0x9FFFFFFF  }
0xc4: {  	(tm) =	ssettm $0x7FFFFFFF  }
0xc5: {  	_ =	shalt  }
tec
execute0_lowered:
.L_overlay_start_1:
0x0: {  	(tag) =	ssettag $0x1  }
0x1: {  	s1 =	rddreg [dreg:$0x0]  }
0x2: {  	s0 =	rddreg [dreg:$0x1];
	s2 =	srdreg.scid  }
0x3: {  	s4 =	stileid.u32;
	s3 =	rddreg [dreg:$0x2]  }
0x4: {  	s14 =	simm.s32 $0x5;
	s15 =	simm.s32 $0x400;
	s16 =	simm.s32 $0x80  }
0x5: {  	s17 =	simm.s32 $0x880;
	s18 =	simm.s32 $0x3;
	s28 =	simm.s32 $0x4  }
0x6: {  	s29 =	simm.s32 $0x5080;
	s30 =	simm.s32 $0x1;
	s31 =	simm.s32 $0x2  }
0x7: {  	s2 =	sand.u32 $0x1, s2;
	s5 =	sshll.u32 s4, $0x1;
	s4 =	simm.s32 $0x0  }
0x8: {  	s0 =	sadd.s32 $0x400, s0;
	s6 =	sor.u32 s2, s5;
	[smem:$0x7FF] =	sst s4  }
0x9: {  	s2 =	ssub.s32 $0x2, s2;
	s5 =	smul.u32 $0x32, s6;
	_ =	strace $0x80000047  }
0xa: {  	[dreg:$0x4] =	wrdreg s0;
	s19 =	smul.u32 $0x19000, s6;
	s7 =	sshll.u32 s6, $0xF  }
0xb: {  	s6 =	smul.u32 $0x320, s6;
	s20 =	sshrl.u32 s2, $0x1;
	s7 =	sand.u32 $0x18000, s7  }
0xc: {  	s2 =	ssub.s32 s2, s20;
	s20 =	simm.s32 $0x20;
	s8 =	sor.u32 $0x1, s5  }
0xd: {  	s9 =	sand.u32 $0x3E0000, s19;
	s6 =	sand.u32 $0x380, s6;
	s0 =	sadd.s32 s3, s19  }
0xe: {  	s13 =	smax.u32 s2, $0x1;
	s19 =	simm.s32 $0x10;
	s2 =	simm.s32 $0x0  }
0xf: {  	s10 =	sshll.u32 s8, $0xE;
	s7 =	sor.u32 s7, s9;
	[dreg:$0x7] =	wrdreg s0  }
0x10: {  	s25 =	sshll.u32 s8, $0xB;
	s10 =	sand.u32 $0x1C000, s10;
	s7 =	sor.u32 s6, s7  }
0x11: {  	s26 =	sadd.s32 s3, s25;
	s25 =	simm.s32 $0x70;
	s9 =	sor.u32 s10, s9  }
0x12: {  	s7 =	sshrl.u32 s7, $0x3;
	s10 =	sadd.s32 $0x2, s5;
	[dreg:$0x9] =	wrdreg s26  }
0x13: {  	s6 =	sor.u32 s6, s9;
	s7 =	sadd.s32 s1, s7;
	s21 =	sshll.u32 s10, $0x8  }
0x14: {  	s22 =	sshll.u32 s10, $0xB;
	s23 =	sshll.u32 s10, $0x1;
	s6 =	sshrl.u32 s6, $0x3  }
0x15: {  	[dreg:$0x5] =	wrdreg s7;
	s0 =	sand.u32 $0xFC000, s21;
	s6 =	sadd.s32 s1, s6  }
0x16: {  	s7 =	sand.u32 $0x70, s23;
	[dreg:$0x6] =	wrdreg s6;
	s6 =	sand.u32 $0x3000, s22  }
0x17: {  	s26 =	simm.s32 $0x1080;
	s24 =	sadd.s32 s1, s7;
	s0 =	sor.u32 s6, s0  }
0x18: {  	s21 =	simm.s32 $0x30;
	s23 =	simm.s32 $0x50;
	s0 =	sadd.s32 s0, s24  }
0x19: {  	s22 =	simm.s32 $0x40;
	s24 =	simm.s32 $0x60;
	[dreg:$0x8] =	wrdreg s0  }
.LBB2_1:
0x1a: {  	s0 =	rddreg [dreg:$0x4]  }
0x1b: {  	[tilespmem:s4], [sflag:$0x5] =	stream.linear.gather [hbm4b:s0+s4], $0x80, $0x38;
	[tilespmem:$0x9080] =	vst v63  }
0x1c: {  	_ =	swait.ge [sflag:s14], $0x80  }
0x1d: {  	[sflag:s14] =	ssyncset.done $0x0  }
0x1e: {  	s9 =	rddreg [dreg:$0x5];
	[sflag:s14] =	ssyncadd.s32 $0xFFFFFF80  }
0x1f: {  	[tilespmem:s16], [sflag:$0x3] =	stream.strided.gather [hbm4b:s9+s16], $0x800, s15, s16, $0x38;
	[tilespmem:$0x9080] =	vst v63  }
0x20: {  	s11 =	rddreg [dreg:$0x6]  }
0x21: {  	[tilespmem:s17], [sflag:$0x4] =	stream.strided.gather [hbm4b:s11+s16], $0x800, s15, s16, $0x38;
	[tilespmem:$0x9080] =	vst v63  }
0x22: {  	_ =	swait.ge [sflag:s18], $0x800  }
0x23: {  	[sflag:s18] =	ssyncset.done $0x0  }
0x24: {  	s12 =	simm.s32 $0xC0;
	[sflag:s18] =	ssyncadd.s32 $0xFFFFF800  }
0x25: {  	v0 =	vld [tilespmem:s12+$0x30]  }
0x26: {  	v1 =	vld [tilespmem:s12+$0xFFFFFFD0]  }
0x27: {  	v2 =	vld [tilespmem:s12+$0xFFFFFFE0]  }
0x28: {  	v3 =	vld [tilespmem:s12+$0xFFFFFFF0]  }
0x29: {  	v4 =	vld [tilespmem:s12+$0x0]  }
0x2a: {  	v5 =	vld [tilespmem:s12+$0x10]  }
0x2b: {  	v7 =	vld [tilespmem:s12+$0x20]  }
0x2c: {  	v6 =	vld [tilespmem:s12+$0xFFFFFFC0]  }
0x2d: {  	v8 =	vld.idx.msk [tilespmem:v0+s4+$0x0], $0xffff  }
0x2e: {  	v9 =	vld.idx.msk [tilespmem:v0+s25+$0x0], $0xffff  }
0x2f: {  	v10 =	vld.idx.msk [tilespmem:v0+s19+$0x0], $0xffff  }
0x30: {  	v11 =	vld.idx.msk [tilespmem:v0+s20+$0x0], $0xffff  }
0x31: {  	v12 =	vld.idx.msk [tilespmem:v0+s21+$0x0], $0xffff  }
0x32: {  	v13 =	vld.idx.msk [tilespmem:v0+s22+$0x0], $0xffff  }
0x33: {  	v14 =	vld.idx.msk [tilespmem:v0+s23+$0x0], $0xffff  }
0x34: {  	v0 =	vld.idx.msk [tilespmem:v0+s24+$0x0], $0xffff  }
0x35: {  	s0 =	simm.s32 $0x1280;
	v42 =	vld.idx.msk [tilespmem:v6+s4+$0x0], $0xffff  }
0x36: {  	v43 =	vld.idx.msk [tilespmem:v6+s20+$0x0], $0xffff;
	[tilespmem:s0+$0x1F0] =	vst v9  }
0x37: {  	v44 =	vld.idx.msk [tilespmem:v6+s21+$0x0], $0xffff;
	[tilespmem:s0+$0xFFFFFE70] =	vst v8  }
0x38: {  	v45 =	vld.idx.msk [tilespmem:v6+s22+$0x0], $0xffff;
	[tilespmem:s0+$0xFFFFFEF0] =	vst v10  }
0x39: {  	v46 =	vld.idx.msk [tilespmem:v6+s23+$0x0], $0xffff;
	[tilespmem:s0+$0xFFFFFF70] =	vst v11  }
0x3a: {  	v47 =	vld.idx.msk [tilespmem:v6+s24+$0x0], $0xffff;
	[tilespmem:s0+$0xFFFFFFF0] =	vst v12  }
0x3b: {  	v48 =	vld.idx.msk [tilespmem:v1+s20+$0x0], $0xffff;
	[tilespmem:s0+$0x70] =	vst v13  }
0x3c: {  	v49 =	vld.idx.msk [tilespmem:v1+s21+$0x0], $0xffff;
	[tilespmem:s0+$0xF0] =	vst v14  }
0x3d: {  	v8 =	vld.idx.msk [tilespmem:v6+s19+$0x0], $0xffff;
	[tilespmem:s0+$0x170] =	vst v0  }
0x3e: {  	v0 =	vld.idx.msk [tilespmem:v6+s25+$0x0], $0xffff;
	[tilespmem:s0+$0xFFFFFE00] =	vst v42  }
0x3f: {  	v50 =	vld.idx.msk [tilespmem:v1+s22+$0x0], $0xffff;
	[tilespmem:s0+$0xFFFFFF00] =	vst v43  }
0x40: {  	v51 =	vld.idx.msk [tilespmem:v1+s23+$0x0], $0xffff;
	[tilespmem:s0+$0xFFFFFF80] =	vst v44  }
0x41: {  	v6 =	vld.idx.msk [tilespmem:v1+s4+$0x0], $0xffff;
	[tilespmem:s0+$0x0] =	vst v45  }
0x42: {  	v52 =	vld.idx.msk [tilespmem:v1+s24+$0x0], $0xffff;
	[tilespmem:s0+$0x80] =	vst v46  }
0x43: {  	v53 =	vld.idx.msk [tilespmem:v2+s21+$0x0], $0xffff;
	[tilespmem:s0+$0x100] =	vst v47  }
0x44: {  	v54 =	vld.idx.msk [tilespmem:v2+s22+$0x0], $0xffff;
	[tilespmem:s0+$0xFFFFFE80] =	vst v8  }
0x45: {  	v8 =	vld.idx.msk [tilespmem:v1+s19+$0x0], $0xffff;
	[tilespmem:s0+$0x180] =	vst v0  }
0x46: {  	v0 =	vld.idx.msk [tilespmem:v1+s25+$0x0], $0xffff;
	[tilespmem:s0+$0xFFFFFE10] =	vst v6  }
0x47: {  	v55 =	vld.idx.msk [tilespmem:v2+s23+$0x0], $0xffff;
	[tilespmem:s0+$0xFFFFFF10] =	vst v48  }
0x48: {  	v56 =	vld.idx.msk [tilespmem:v2+s24+$0x0], $0xffff;
	[tilespmem:s0+$0xFFFFFF90] =	vst v49  }
0x49: {  	v1 =	vld.idx.msk [tilespmem:v2+s4+$0x0], $0xffff;
	[tilespmem:s0+$0x10] =	vst v50  }
0x4a: {  	v6 =	vld.idx.msk [tilespmem:v2+s19+$0x0], $0xffff;
	[tilespmem:s0+$0x90] =	vst v51  }
0x4b: {  	v57 =	vld.idx.msk [tilespmem:v3+s22+$0x0], $0xffff;
	[tilespmem:s0+$0x110] =	vst v52  }
0x4c: {  	v58 =	vld.idx.msk [tilespmem:v3+s23+$0x0], $0xffff;
	[tilespmem:s0+$0xFFFFFE90] =	vst v8  }
0x4d: {  	v8 =	vld.idx.msk [tilespmem:v2+s20+$0x0], $0xffff;
	[tilespmem:s0+$0x190] =	vst v0  }
0x4e: {  	v0 =	vld.idx.msk [tilespmem:v2+s25+$0x0], $0xffff;
	[tilespmem:s0+$0xFFFFFE20] =	vst v1  }
0x4f: {  	v59 =	vld.idx.msk [tilespmem:v3+s24+$0x0], $0xffff;
	[tilespmem:s0+$0xFFFFFEA0] =	vst v6  }
0x50: {  	v60 =	vld.idx.msk [tilespmem:v4+s23+$0x0], $0xffff;
	[tilespmem:s0+$0xFFFFFFA0] =	vst v53  }
0x51: {  	v1 =	vld.idx.msk [tilespmem:v3+s4+$0x0], $0xffff;
	[tilespmem:s0+$0x20] =	vst v54  }
0x52: {  	v2 =	vld.idx.msk [tilespmem:v3+s19+$0x0], $0xffff;
	[tilespmem:s0+$0xA0] =	vst v55  }
0x53: {  	v6 =	vld.idx.msk [tilespmem:v3+s20+$0x0], $0xffff;
	[tilespmem:s0+$0x120] =	vst v56  }
0x54: {  	v61 =	vld.idx.msk [tilespmem:v4+s24+$0x0], $0xffff;
	[tilespmem:s0+$0xFFFFFF20] =	vst v8  }
0x55: {  	v8 =	vld.idx.msk [tilespmem:v3+s21+$0x0], $0xffff;
	[tilespmem:s0+$0x1A0] =	vst v0  }
0x56: {  	v0 =	vld.idx.msk [tilespmem:v3+s25+$0x0], $0xffff;
	[tilespmem:s0+$0xFFFFFE30] =	vst v1  }
0x57: {  	v62 =	vld.idx.msk [tilespmem:v5+s24+$0x0], $0xffff;
	[tilespmem:s0+$0xFFFFFEB0] =	vst v2  }
0x58: {  	v63 =	vld.idx.msk [tilespmem:v7+s4+$0x0], $0xffff;
	[tilespmem:s0+$0xFFFFFF30] =	vst v6  }
0x59: {  	v1 =	vld.idx.msk [tilespmem:v4+s4+$0x0], $0xffff;
	[tilespmem:s0+$0x30] =	vst v57  }
0x5a: {  	v2 =	vld.idx.msk [tilespmem:v4+s19+$0x0], $0xffff;
	[tilespmem:s0+$0xB0] =	vst v58  }
0x5b: {  	v3 =	vld.idx.msk [tilespmem:v4+s20+$0x0], $0xffff;
	[tilespmem:s0+$0x130] =	vst v59  }
0x5c: {  	v6 =	vld.idx.msk [tilespmem:v4+s21+$0x0], $0xffff;
	[tilespmem:s0+$0xFFFFFFB0] =	vst v8  }
0x5d: {  	v8 =	vld.idx.msk [tilespmem:v4+s22+$0x0], $0xffff;
	[tilespmem:s0+$0x1B0] =	vst v0  }
0x5e: {  	v0 =	vld.idx.msk [tilespmem:v4+s25+$0x0], $0xffff;
	[tilespmem:s0+$0xFFFFFE40] =	vst v1  }
0x5f: {  	v1 =	vld.idx.msk [tilespmem:v5+s4+$0x0], $0xffff;
	[tilespmem:s0+$0xFFFFFEC0] =	vst v2  }
0x60: {  	v2 =	vld.idx.msk [tilespmem:v5+s19+$0x0], $0xffff;
	[tilespmem:s0+$0xFFFFFF40] =	vst v3  }
0x61: {  	v3 =	vld.idx.msk [tilespmem:v5+s20+$0x0], $0xffff;
	[tilespmem:s0+$0xFFFFFFC0] =	vst v6  }
0x62: {  	v4 =	vld.idx.msk [tilespmem:v5+s21+$0x0], $0xffff;
	[tilespmem:s0+$0xC0] =	vst v60  }
0x63: {  	v6 =	vld.idx.msk [tilespmem:v5+s22+$0x0], $0xffff;
	[tilespmem:s0+$0x140] =	vst v61  }
0x64: {  	[tilespmem:s0+$0x40] =	vst v8;
	v8 =	vld.idx.msk [tilespmem:v5+s23+$0x0], $0xffff  }
0x65: {  	[tilespmem:s0+$0x1C0] =	vst v0;
	v0 =	vld.idx.msk [tilespmem:v5+s25+$0x0], $0xffff  }
0x66: {  	[tilespmem:s0+$0xFFFFFE50] =	vst v1;
	v1 =	vld.idx.msk [tilespmem:v7+s19+$0x0], $0xffff  }
0x67: {  	[tilespmem:s0+$0xFFFFFED0] =	vst v2;
	v2 =	vld.idx.msk [tilespmem:v7+s20+$0x0], $0xffff  }
0x68: {  	[tilespmem:s0+$0xFFFFFF50] =	vst v3;
	v3 =	vld.idx.msk [tilespmem:v7+s21+$0x0], $0xffff  }
0x69: {  	[tilespmem:s0+$0xFFFFFFD0] =	vst v4;
	v4 =	vld.idx.msk [tilespmem:v7+s22+$0x0], $0xffff  }
0x6a: {  	[tilespmem:s0+$0x50] =	vst v6;
	v5 =	vld.idx.msk [tilespmem:v7+s23+$0x0], $0xffff  }
0x6b: {  	[tilespmem:s0+$0x150] =	vst v62;
	v6 =	vld.idx.msk [tilespmem:v7+s24+$0x0], $0xffff  }
0x6c: {  	v7 =	vld.idx.msk [tilespmem:v7+s25+$0x0], $0xffff;
	[tilespmem:s0+$0xFFFFFE60] =	vst v63  }
0x6d: {  	[tilespmem:s0+$0xD0] =	vst v8  }
0x6e: {  	s6 =	simm.s32 $0x0;
	s7 =	simm.s32 $0x140;
	[tilespmem:s0+$0x1D0] =	vst v0  }
.LBB2_2:
0x6f: {  	v8 =	vld [tilespmem:s7+$0x30];
	[tilespmem:s0+$0xFFFFFEE0] =	vst v1  }
0x70: {  	s6 =	sadd.s32 $0x8, s6;
	v9 =	vld [tilespmem:s7+$0xFFFFFFD0];
	[tilespmem:s0+$0xFFFFFF60] =	vst v2  }
0x71: {  	p0 =	slt.u32 s6, $0x78;
	v10 =	vld [tilespmem:s7+$0xFFFFFFE0];
	[tilespmem:s0+$0xFFFFFFE0] =	vst v3  }
0x72: {  	v3 =	vld [tilespmem:s7+$0xFFFFFFF0];
	[tilespmem:s0+$0x60] =	vst v4  }
0x73: {  	v2 =	vld [tilespmem:s7+$0x0];
	[tilespmem:s0+$0xE0] =	vst v5  }
0x74: {  	v1 =	vld [tilespmem:s7+$0x10];
	[tilespmem:s0+$0x160] =	vst v6  }
0x75: {  	v0 =	vld [tilespmem:s7+$0x20];
	[tilespmem:s0+$0x1E0] =	vst v7  }
0x76: {  	v4 =	vld [tilespmem:s7+$0xFFFFFFC0]  }
0x77: {  	v5 =	vld.idx.msk [tilespmem:v8+s4+$0x0], $0xffff  }
0x78: {  	v6 =	vld.idx.msk [tilespmem:v8+s25+$0x0], $0xffff  }
0x79: {  	v7 =	vld.idx.msk [tilespmem:v8+s19+$0x0], $0xffff  }
0x7a: {  	v11 =	vld.idx.msk [tilespmem:v8+s20+$0x0], $0xffff  }
0x7b: {  	v12 =	vld.idx.msk [tilespmem:v8+s21+$0x0], $0xffff  }
0x7c: {  	v13 =	vld.idx.msk [tilespmem:v8+s22+$0x0], $0xffff  }
0x7d: {  	s0 =	sadd.s32 $0x400, s0;
	v14 =	vld.idx.msk [tilespmem:v8+s23+$0x0], $0xffff  }
0x7e: {  	v8 =	vld.idx.msk [tilespmem:v8+s24+$0x0], $0xffff;
	[tilespmem:s0+$0x1F0] =	vst v6  }
0x7f: {  	v6 =	vld.idx.msk [tilespmem:v4+s4+$0x0], $0xffff;
	[tilespmem:s0+$0xFFFFFE70] =	vst v5  }
0x80: {  	v5 =	vld.idx.msk [tilespmem:v4+s19+$0x0], $0xffff;
	[tilespmem:s0+$0xFFFFFEF0] =	vst v7  }
0x81: {  	v7 =	vld.idx.msk [tilespmem:v4+s20+$0x0], $0xffff;
	[tilespmem:s0+$0xFFFFFF70] =	vst v11  }
0x82: {  	v11 =	vld.idx.msk [tilespmem:v4+s21+$0x0], $0xffff;
	[tilespmem:s0+$0xFFFFFFF0] =	vst v12  }
0x83: {  	v12 =	vld.idx.msk [tilespmem:v4+s22+$0x0], $0xffff;
	[tilespmem:s0+$0x70] =	vst v13  }
0x84: {  	v13 =	vld.idx.msk [tilespmem:v4+s23+$0x0], $0xffff;
	[tilespmem:s0+$0xF0] =	vst v14  }
0x85: {  	v14 =	vld.idx.msk [tilespmem:v4+s24+$0x0], $0xffff;
	[tilespmem:s0+$0x170] =	vst v8  }
0x86: {  	v4 =	vld.idx.msk [tilespmem:v4+s25+$0x0], $0xffff;
	[tilespmem:s0+$0xFFFFFE00] =	vst v6  }
0x87: {  	[tilespmem:s0+$0xFFFFFE80] =	vst v5;
	v5 =	vld.idx.msk [tilespmem:v9+s4+$0x0], $0xffff  }
0x88: {  	[tilespmem:s0+$0xFFFFFF00] =	vst v7;
	v6 =	vld.idx.msk [tilespmem:v9+s19+$0x0], $0xffff  }
0x89: {  	[tilespmem:s0+$0xFFFFFF80] =	vst v11;
	v7 =	vld.idx.msk [tilespmem:v9+s20+$0x0], $0xffff  }
0x8a: {  	[tilespmem:s0+$0x0] =	vst v12;
	v8 =	vld.idx.msk [tilespmem:v9+s21+$0x0], $0xffff  }
0x8b: {  	[tilespmem:s0+$0x80] =	vst v13;
	v11 =	vld.idx.msk [tilespmem:v9+s22+$0x0], $0xffff  }
0x8c: {  	[tilespmem:s0+$0x100] =	vst v14;
	v12 =	vld.idx.msk [tilespmem:v9+s23+$0x0], $0xffff  }
0x8d: {  	[tilespmem:s0+$0x180] =	vst v4;
	v4 =	vld.idx.msk [tilespmem:v9+s24+$0x0], $0xffff  }
0x8e: {  	v9 =	vld.idx.msk [tilespmem:v9+s25+$0x0], $0xffff;
	[tilespmem:s0+$0xFFFFFE10] =	vst v5  }
0x8f: {  	[tilespmem:s0+$0xFFFFFE90] =	vst v6;
	v5 =	vld.idx.msk [tilespmem:v10+s4+$0x0], $0xffff  }
0x90: {  	[tilespmem:s0+$0xFFFFFF10] =	vst v7;
	v6 =	vld.idx.msk [tilespmem:v10+s19+$0x0], $0xffff  }
0x91: {  	[tilespmem:s0+$0xFFFFFF90] =	vst v8;
	v7 =	vld.idx.msk [tilespmem:v10+s20+$0x0], $0xffff  }
0x92: {  	[tilespmem:s0+$0x10] =	vst v11;
	v8 =	vld.idx.msk [tilespmem:v10+s21+$0x0], $0xffff  }
0x93: {  	[tilespmem:s0+$0x90] =	vst v12;
	v11 =	vld.idx.msk [tilespmem:v10+s22+$0x0], $0xffff  }
0x94: {  	[tilespmem:s0+$0x110] =	vst v4;
	v4 =	vld.idx.msk [tilespmem:v10+s23+$0x0], $0xffff  }
0x95: {  	[tilespmem:s0+$0x190] =	vst v9;
	v9 =	vld.idx.msk [tilespmem:v10+s24+$0x0], $0xffff  }
0x96: {  	v10 =	vld.idx.msk [tilespmem:v10+s25+$0x0], $0xffff;
	[tilespmem:s0+$0xFFFFFE20] =	vst v5  }
0x97: {  	[tilespmem:s0+$0xFFFFFEA0] =	vst v6;
	v5 =	vld.idx.msk [tilespmem:v3+s4+$0x0], $0xffff  }
0x98: {  	[tilespmem:s0+$0xFFFFFF20] =	vst v7;
	v6 =	vld.idx.msk [tilespmem:v3+s19+$0x0], $0xffff  }
0x99: {  	[tilespmem:s0+$0xFFFFFFA0] =	vst v8;
	v7 =	vld.idx.msk [tilespmem:v3+s20+$0x0], $0xffff  }
0x9a: {  	[tilespmem:s0+$0x20] =	vst v11;
	v8 =	vld.idx.msk [tilespmem:v3+s21+$0x0], $0xffff  }
0x9b: {  	[tilespmem:s0+$0xA0] =	vst v4;
	v4 =	vld.idx.msk [tilespmem:v3+s22+$0x0], $0xffff  }
0x9c: {  	[tilespmem:s0+$0x120] =	vst v9;
	v9 =	vld.idx.msk [tilespmem:v3+s23+$0x0], $0xffff  }
0x9d: {  	[tilespmem:s0+$0x1A0] =	vst v10;
	v10 =	vld.idx.msk [tilespmem:v3+s24+$0x0], $0xffff  }
0x9e: {  	v3 =	vld.idx.msk [tilespmem:v3+s25+$0x0], $0xffff;
	[tilespmem:s0+$0xFFFFFE30] =	vst v5  }
0x9f: {  	[tilespmem:s0+$0xFFFFFEB0] =	vst v6;
	v5 =	vld.idx.msk [tilespmem:v2+s4+$0x0], $0xffff  }
0xa0: {  	[tilespmem:s0+$0xFFFFFF30] =	vst v7;
	v6 =	vld.idx.msk [tilespmem:v2+s19+$0x0], $0xffff  }
0xa1: {  	[tilespmem:s0+$0xFFFFFFB0] =	vst v8;
	v7 =	vld.idx.msk [tilespmem:v2+s20+$0x0], $0xffff  }
0xa2: {  	[tilespmem:s0+$0x30] =	vst v4;
	v4 =	vld.idx.msk [tilespmem:v2+s21+$0x0], $0xffff  }
0xa3: {  	[tilespmem:s0+$0xB0] =	vst v9;
	v8 =	vld.idx.msk [tilespmem:v2+s22+$0x0], $0xffff  }
0xa4: {  	[tilespmem:s0+$0x130] =	vst v10;
	v9 =	vld.idx.msk [tilespmem:v2+s23+$0x0], $0xffff  }
0xa5: {  	[tilespmem:s0+$0x1B0] =	vst v3;
	v3 =	vld.idx.msk [tilespmem:v2+s24+$0x0], $0xffff  }
0xa6: {  	v2 =	vld.idx.msk [tilespmem:v2+s25+$0x0], $0xffff;
	[tilespmem:s0+$0xFFFFFE40] =	vst v5  }
0xa7: {  	[tilespmem:s0+$0xFFFFFEC0] =	vst v6;
	v5 =	vld.idx.msk [tilespmem:v1+s4+$0x0], $0xffff  }
0xa8: {  	[tilespmem:s0+$0xFFFFFF40] =	vst v7;
	v6 =	vld.idx.msk [tilespmem:v1+s19+$0x0], $0xffff  }
0xa9: {  	[tilespmem:s0+$0xFFFFFFC0] =	vst v4;
	v4 =	vld.idx.msk [tilespmem:v1+s20+$0x0], $0xffff  }
0xaa: {  	[tilespmem:s0+$0x40] =	vst v8;
	v7 =	vld.idx.msk [tilespmem:v1+s21+$0x0], $0xffff  }
0xab: {  	[tilespmem:s0+$0xC0] =	vst v9;
	v8 =	vld.idx.msk [tilespmem:v1+s22+$0x0], $0xffff  }
0xac: {  	[tilespmem:s0+$0x140] =	vst v3;
	v9 =	vld.idx.msk [tilespmem:v1+s23+$0x0], $0xffff  }
0xad: {  	[tilespmem:s0+$0x1C0] =	vst v2;
	v10 =	vld.idx.msk [tilespmem:v1+s24+$0x0], $0xffff  }
0xae: {  	v11 =	vld.idx.msk [tilespmem:v1+s25+$0x0], $0xffff;
	[tilespmem:s0+$0xFFFFFE50] =	vst v5  }
0xaf: {  	[tilespmem:s0+$0xFFFFFED0] =	vst v6;
	v12 =	vld.idx.msk [tilespmem:v0+s4+$0x0], $0xffff  }
0xb0: {  	[tilespmem:s0+$0xFFFFFF50] =	vst v4;
	v1 =	vld.idx.msk [tilespmem:v0+s19+$0x0], $0xffff  }
0xb1: {  	[tilespmem:s0+$0xFFFFFFD0] =	vst v7;
	v2 =	vld.idx.msk [tilespmem:v0+s20+$0x0], $0xffff  }
.Ltmp0:
0xb2: {  	[tilespmem:s0+$0x50] =	vst v8;
	v3 =	vld.idx.msk [tilespmem:v0+s21+$0x0], $0xffff;
	(pc) =	sbr.rel @p0 .LBB2_2-.Ltmp0, $4  }
0xb3: {  	[tilespmem:s0+$0xD0] =	vst v9;
	v4 =	vld.idx.msk [tilespmem:v0+s22+$0x0], $0xffff  }
0xb4: {  	[tilespmem:s0+$0x150] =	vst v10;
	v5 =	vld.idx.msk [tilespmem:v0+s23+$0x0], $0xffff  }
0xb5: {  	[tilespmem:s0+$0x1D0] =	vst v11;
	v6 =	vld.idx.msk [tilespmem:v0+s24+$0x0], $0xffff  }
0xb6: {  	s7 =	sadd.s32 $0x80, s7;
	v7 =	vld.idx.msk [tilespmem:v0+s25+$0x0], $0xffff;
	[tilespmem:s0+$0xFFFFFE60] =	vst v12  }
0xb7: {  	[tilespmem:s0+$0xFFFFFEE0] =	vst v1  }
0xb8: {  	[tilespmem:s0+$0xFFFFFF60] =	vst v2  }
0xb9: {  	[tilespmem:s0+$0xFFFFFFE0] =	vst v3  }
0xba: {  	[tilespmem:s0+$0x60] =	vst v4  }
0xbb: {  	[tilespmem:s0+$0xE0] =	vst v5  }
0xbc: {  	[tilespmem:s0+$0x160] =	vst v6  }
0xbd: {  	[tilespmem:s0+$0x1E0] =	vst v7  }
0xbe: {  	s0 =	rddreg [dreg:$0x7]  }
0xbf: {  	[hbm4b:s0+s4] =	stream.linear.scatter [tilespmem:s26], [sflag:$0x1], $0x4000, $0x38;
	[tilespmem:$0x9080] =	vst v63  }
0xc0: {  	_ =	swait.ge [sflag:s28], $0x800  }
0xc1: {  	[sflag:s28] =	ssyncset.done $0x0  }
0xc2: {  	s12 =	simm.s32 $0x8F0;
	s11 =	rddreg [dreg:$0x8];
	[sflag:s28] =	ssyncadd.s32 $0xFFFFF800  }
0xc3: {  	[tilespmem:s16], [sflag:$0x3] =	stream.strided.gather [hbm4b:s11+s16], $0x800, s15, s16, $0x38;
	[tilespmem:$0x9080] =	vst v63  }
0xc4: {  	v0 =	vld [tilespmem:s12+$0x0]  }
0xc5: {  	v1 =	vld [tilespmem:s12+$0xFFFFFFA0]  }
0xc6: {  	v2 =	vld [tilespmem:s12+$0xFFFFFFB0]  }
0xc7: {  	v3 =	vld [tilespmem:s12+$0xFFFFFFC0]  }
0xc8: {  	v4 =	vld [tilespmem:s12+$0xFFFFFFD0]  }
0xc9: {  	v5 =	vld [tilespmem:s12+$0xFFFFFFE0]  }
0xca: {  	v7 =	vld [tilespmem:s12+$0xFFFFFFF0]  }
0xcb: {  	v6 =	vld [tilespmem:s12+$0xFFFFFF90]  }
0xcc: {  	v8 =	vld.idx.msk [tilespmem:v0+s4+$0x0], $0xffff  }
0xcd: {  	v9 =	vld.idx.msk [tilespmem:v0+s25+$0x0], $0xffff  }
0xce: {  	v10 =	vld.idx.msk [tilespmem:v0+s19+$0x0], $0xffff  }
0xcf: {  	v11 =	vld.idx.msk [tilespmem:v0+s20+$0x0], $0xffff  }
0xd0: {  	v12 =	vld.idx.msk [tilespmem:v0+s21+$0x0], $0xffff  }
0xd1: {  	v13 =	vld.idx.msk [tilespmem:v0+s22+$0x0], $0xffff  }
0xd2: {  	v14 =	vld.idx.msk [tilespmem:v0+s23+$0x0], $0xffff  }
0xd3: {  	v0 =	vld.idx.msk [tilespmem:v0+s24+$0x0], $0xffff  }
0xd4: {  	s0 =	simm.s32 $0x5080;
	v42 =	vld.idx.msk [tilespmem:v6+s4+$0x0], $0xffff  }
0xd5: {  	v43 =	vld.idx.msk [tilespmem:v6+s20+$0x0], $0xffff;
	[tilespmem:s0+$0x3F0] =	vst v9  }
0xd6: {  	v44 =	vld.idx.msk [tilespmem:v6+s21+$0x0], $0xffff;
	[tilespmem:s0+$0x70] =	vst v8  }
0xd7: {  	v45 =	vld.idx.msk [tilespmem:v6+s22+$0x0], $0xffff;
	[tilespmem:s0+$0xF0] =	vst v10  }
0xd8: {  	v46 =	vld.idx.msk [tilespmem:v6+s23+$0x0], $0xffff;
	[tilespmem:s0+$0x170] =	vst v11  }
0xd9: {  	v47 =	vld.idx.msk [tilespmem:v6+s24+$0x0], $0xffff;
	[tilespmem:s0+$0x1F0] =	vst v12  }
0xda: {  	v48 =	vld.idx.msk [tilespmem:v1+s20+$0x0], $0xffff;
	[tilespmem:s0+$0x270] =	vst v13  }
0xdb: {  	v49 =	vld.idx.msk [tilespmem:v1+s21+$0x0], $0xffff;
	[tilespmem:s0+$0x2F0] =	vst v14  }
0xdc: {  	v8 =	vld.idx.msk [tilespmem:v6+s19+$0x0], $0xffff;
	[tilespmem:s0+$0x370] =	vst v0  }
0xdd: {  	v0 =	vld.idx.msk [tilespmem:v6+s25+$0x0], $0xffff;
	[tilespmem:s0+$0x0] =	vst v42  }
0xde: {  	v50 =	vld.idx.msk [tilespmem:v1+s22+$0x0], $0xffff;
	[tilespmem:s0+$0x100] =	vst v43  }
0xdf: {  	v51 =	vld.idx.msk [tilespmem:v1+s23+$0x0], $0xffff;
	[tilespmem:s0+$0x180] =	vst v44  }
0xe0: {  	v6 =	vld.idx.msk [tilespmem:v1+s4+$0x0], $0xffff;
	[tilespmem:s0+$0x200] =	vst v45  }
0xe1: {  	v52 =	vld.idx.msk [tilespmem:v1+s24+$0x0], $0xffff;
	[tilespmem:s0+$0x280] =	vst v46  }
0xe2: {  	v53 =	vld.idx.msk [tilespmem:v2+s21+$0x0], $0xffff;
	[tilespmem:s0+$0x300] =	vst v47  }
0xe3: {  	v54 =	vld.idx.msk [tilespmem:v2+s22+$0x0], $0xffff;
	[tilespmem:s0+$0x80] =	vst v8  }
0xe4: {  	v8 =	vld.idx.msk [tilespmem:v1+s19+$0x0], $0xffff;
	[tilespmem:s0+$0x380] =	vst v0  }
0xe5: {  	v0 =	vld.idx.msk [tilespmem:v1+s25+$0x0], $0xffff;
	[tilespmem:s0+$0x10] =	vst v6  }
0xe6: {  	v55 =	vld.idx.msk [tilespmem:v2+s23+$0x0], $0xffff;
	[tilespmem:s0+$0x110] =	vst v48  }
0xe7: {  	v56 =	vld.idx.msk [tilespmem:v2+s24+$0x0], $0xffff;
	[tilespmem:s0+$0x190] =	vst v49  }
0xe8: {  	v1 =	vld.idx.msk [tilespmem:v2+s4+$0x0], $0xffff;
	[tilespmem:s0+$0x210] =	vst v50  }
0xe9: {  	v6 =	vld.idx.msk [tilespmem:v2+s19+$0x0], $0xffff;
	[tilespmem:s0+$0x290] =	vst v51  }
0xea: {  	v57 =	vld.idx.msk [tilespmem:v3+s22+$0x0], $0xffff;
	[tilespmem:s0+$0x310] =	vst v52  }
0xeb: {  	v58 =	vld.idx.msk [tilespmem:v3+s23+$0x0], $0xffff;
	[tilespmem:s0+$0x90] =	vst v8  }
0xec: {  	v8 =	vld.idx.msk [tilespmem:v2+s20+$0x0], $0xffff;
	[tilespmem:s0+$0x390] =	vst v0  }
0xed: {  	v0 =	vld.idx.msk [tilespmem:v2+s25+$0x0], $0xffff;
	[tilespmem:s0+$0x20] =	vst v1  }
0xee: {  	v59 =	vld.idx.msk [tilespmem:v3+s24+$0x0], $0xffff;
	[tilespmem:s0+$0xA0] =	vst v6  }
0xef: {  	v60 =	vld.idx.msk [tilespmem:v4+s23+$0x0], $0xffff;
	[tilespmem:s0+$0x1A0] =	vst v53  }
0xf0: {  	v1 =	vld.idx.msk [tilespmem:v3+s4+$0x0], $0xffff;
	[tilespmem:s0+$0x220] =	vst v54  }
0xf1: {  	v2 =	vld.idx.msk [tilespmem:v3+s19+$0x0], $0xffff;
	[tilespmem:s0+$0x2A0] =	vst v55  }
0xf2: {  	v6 =	vld.idx.msk [tilespmem:v3+s20+$0x0], $0xffff;
	[tilespmem:s0+$0x320] =	vst v56  }
0xf3: {  	v61 =	vld.idx.msk [tilespmem:v4+s24+$0x0], $0xffff;
	[tilespmem:s0+$0x120] =	vst v8  }
0xf4: {  	v8 =	vld.idx.msk [tilespmem:v3+s21+$0x0], $0xffff;
	[tilespmem:s0+$0x3A0] =	vst v0  }
0xf5: {  	v0 =	vld.idx.msk [tilespmem:v3+s25+$0x0], $0xffff;
	[tilespmem:s0+$0x30] =	vst v1  }
0xf6: {  	v62 =	vld.idx.msk [tilespmem:v5+s24+$0x0], $0xffff;
	[tilespmem:s0+$0xB0] =	vst v2  }
0xf7: {  	v63 =	vld.idx.msk [tilespmem:v7+s4+$0x0], $0xffff;
	[tilespmem:s0+$0x130] =	vst v6  }
0xf8: {  	v1 =	vld.idx.msk [tilespmem:v4+s4+$0x0], $0xffff;
	[tilespmem:s0+$0x230] =	vst v57  }
0xf9: {  	v2 =	vld.idx.msk [tilespmem:v4+s19+$0x0], $0xffff;
	[tilespmem:s0+$0x2B0] =	vst v58  }
0xfa: {  	v3 =	vld.idx.msk [tilespmem:v4+s20+$0x0], $0xffff;
	[tilespmem:s0+$0x330] =	vst v59  }
0xfb: {  	v6 =	vld.idx.msk [tilespmem:v4+s21+$0x0], $0xffff;
	[tilespmem:s0+$0x1B0] =	vst v8  }
0xfc: {  	v8 =	vld.idx.msk [tilespmem:v4+s22+$0x0], $0xffff;
	[tilespmem:s0+$0x3B0] =	vst v0  }
0xfd: {  	v0 =	vld.idx.msk [tilespmem:v4+s25+$0x0], $0xffff;
	[tilespmem:s0+$0x40] =	vst v1  }
0xfe: {  	v1 =	vld.idx.msk [tilespmem:v5+s4+$0x0], $0xffff;
	[tilespmem:s0+$0xC0] =	vst v2  }
0xff: {  	v2 =	vld.idx.msk [tilespmem:v5+s19+$0x0], $0xffff;
	[tilespmem:s0+$0x140] =	vst v3  }
0x100: {  	v3 =	vld.idx.msk [tilespmem:v5+s20+$0x0], $0xffff;
	[tilespmem:s0+$0x1C0] =	vst v6  }
0x101: {  	v4 =	vld.idx.msk [tilespmem:v5+s21+$0x0], $0xffff;
	[tilespmem:s0+$0x2C0] =	vst v60  }
0x102: {  	v6 =	vld.idx.msk [tilespmem:v5+s22+$0x0], $0xffff;
	[tilespmem:s0+$0x340] =	vst v61  }
0x103: {  	[tilespmem:s0+$0x240] =	vst v8;
	v8 =	vld.idx.msk [tilespmem:v5+s23+$0x0], $0xffff  }
0x104: {  	[tilespmem:s0+$0x3C0] =	vst v0;
	v0 =	vld.idx.msk [tilespmem:v5+s25+$0x0], $0xffff  }
0x105: {  	[tilespmem:s0+$0x50] =	vst v1;
	v1 =	vld.idx.msk [tilespmem:v7+s19+$0x0], $0xffff  }
0x106: {  	[tilespmem:s0+$0xD0] =	vst v2;
	v2 =	vld.idx.msk [tilespmem:v7+s20+$0x0], $0xffff  }
0x107: {  	[tilespmem:s0+$0x150] =	vst v3;
	v3 =	vld.idx.msk [tilespmem:v7+s21+$0x0], $0xffff  }
0x108: {  	[tilespmem:s0+$0x1D0] =	vst v4;
	v4 =	vld.idx.msk [tilespmem:v7+s22+$0x0], $0xffff  }
0x109: {  	[tilespmem:s0+$0x250] =	vst v6;
	v5 =	vld.idx.msk [tilespmem:v7+s23+$0x0], $0xffff  }
0x10a: {  	[tilespmem:s0+$0x350] =	vst v62;
	v6 =	vld.idx.msk [tilespmem:v7+s24+$0x0], $0xffff  }
0x10b: {  	v7 =	vld.idx.msk [tilespmem:v7+s25+$0x0], $0xffff;
	[tilespmem:s0+$0x60] =	vst v63  }
0x10c: {  	[tilespmem:s0+$0x2D0] =	vst v8  }
0x10d: {  	s6 =	simm.s32 $0x0;
	s7 =	simm.s32 $0x970;
	[tilespmem:s0+$0x3D0] =	vst v0  }
.LBB2_4:
0x10e: {  	v8 =	vld [tilespmem:s7+$0x0];
	[tilespmem:s0+$0xE0] =	vst v1  }
0x10f: {  	s6 =	sadd.s32 $0x8, s6;
	v9 =	vld [tilespmem:s7+$0xFFFFFFA0];
	[tilespmem:s0+$0x160] =	vst v2  }
0x110: {  	p0 =	slt.u32 s6, $0x78;
	v10 =	vld [tilespmem:s7+$0xFFFFFFB0];
	[tilespmem:s0+$0x1E0] =	vst v3  }
0x111: {  	v3 =	vld [tilespmem:s7+$0xFFFFFFC0];
	[tilespmem:s0+$0x260] =	vst v4  }
0x112: {  	v2 =	vld [tilespmem:s7+$0xFFFFFFD0];
	[tilespmem:s0+$0x2E0] =	vst v5  }
0x113: {  	v1 =	vld [tilespmem:s7+$0xFFFFFFE0];
	[tilespmem:s0+$0x360] =	vst v6  }
0x114: {  	v0 =	vld [tilespmem:s7+$0xFFFFFFF0];
	[tilespmem:s0+$0x3E0] =	vst v7  }
0x115: {  	v4 =	vld [tilespmem:s7+$0xFFFFFF90]  }
0x116: {  	v5 =	vld.idx.msk [tilespmem:v8+s4+$0x0], $0xffff  }
0x117: {  	v6 =	vld.idx.msk [tilespmem:v8+s25+$0x0], $0xffff  }
0x118: {  	v7 =	vld.idx.msk [tilespmem:v8+s19+$0x0], $0xffff  }
0x119: {  	v11 =	vld.idx.msk [tilespmem:v8+s20+$0x0], $0xffff  }
0x11a: {  	v12 =	vld.idx.msk [tilespmem:v8+s21+$0x0], $0xffff  }
0x11b: {  	v13 =	vld.idx.msk [tilespmem:v8+s22+$0x0], $0xffff  }
0x11c: {  	s0 =	sadd.s32 $0x400, s0;
	v14 =	vld.idx.msk [tilespmem:v8+s23+$0x0], $0xffff  }
0x11d: {  	v8 =	vld.idx.msk [tilespmem:v8+s24+$0x0], $0xffff;
	[tilespmem:s0+$0x3F0] =	vst v6  }
0x11e: {  	v6 =	vld.idx.msk [tilespmem:v4+s4+$0x0], $0xffff;
	[tilespmem:s0+$0x70] =	vst v5  }
0x11f: {  	v5 =	vld.idx.msk [tilespmem:v4+s19+$0x0], $0xffff;
	[tilespmem:s0+$0xF0] =	vst v7  }
0x120: {  	v7 =	vld.idx.msk [tilespmem:v4+s20+$0x0], $0xffff;
	[tilespmem:s0+$0x170] =	vst v11  }
0x121: {  	v11 =	vld.idx.msk [tilespmem:v4+s21+$0x0], $0xffff;
	[tilespmem:s0+$0x1F0] =	vst v12  }
0x122: {  	v12 =	vld.idx.msk [tilespmem:v4+s22+$0x0], $0xffff;
	[tilespmem:s0+$0x270] =	vst v13  }
0x123: {  	v13 =	vld.idx.msk [tilespmem:v4+s23+$0x0], $0xffff;
	[tilespmem:s0+$0x2F0] =	vst v14  }
0x124: {  	v14 =	vld.idx.msk [tilespmem:v4+s24+$0x0], $0xffff;
	[tilespmem:s0+$0x370] =	vst v8  }
0x125: {  	v4 =	vld.idx.msk [tilespmem:v4+s25+$0x0], $0xffff;
	[tilespmem:s0+$0x0] =	vst v6  }
0x126: {  	[tilespmem:s0+$0x80] =	vst v5;
	v5 =	vld.idx.msk [tilespmem:v9+s4+$0x0], $0xffff  }
0x127: {  	[tilespmem:s0+$0x100] =	vst v7;
	v6 =	vld.idx.msk [tilespmem:v9+s19+$0x0], $0xffff  }
0x128: {  	[tilespmem:s0+$0x180] =	vst v11;
	v7 =	vld.idx.msk [tilespmem:v9+s20+$0x0], $0xffff  }
0x129: {  	[tilespmem:s0+$0x200] =	vst v12;
	v8 =	vld.idx.msk [tilespmem:v9+s21+$0x0], $0xffff  }
0x12a: {  	[tilespmem:s0+$0x280] =	vst v13;
	v11 =	vld.idx.msk [tilespmem:v9+s22+$0x0], $0xffff  }
0x12b: {  	[tilespmem:s0+$0x300] =	vst v14;
	v12 =	vld.idx.msk [tilespmem:v9+s23+$0x0], $0xffff  }
0x12c: {  	[tilespmem:s0+$0x380] =	vst v4;
	v4 =	vld.idx.msk [tilespmem:v9+s24+$0x0], $0xffff  }
0x12d: {  	v9 =	vld.idx.msk [tilespmem:v9+s25+$0x0], $0xffff;
	[tilespmem:s0+$0x10] =	vst v5  }
0x12e: {  	[tilespmem:s0+$0x90] =	vst v6;
	v5 =	vld.idx.msk [tilespmem:v10+s4+$0x0], $0xffff  }
0x12f: {  	[tilespmem:s0+$0x110] =	vst v7;
	v6 =	vld.idx.msk [tilespmem:v10+s19+$0x0], $0xffff  }
0x130: {  	[tilespmem:s0+$0x190] =	vst v8;
	v7 =	vld.idx.msk [tilespmem:v10+s20+$0x0], $0xffff  }
0x131: {  	[tilespmem:s0+$0x210] =	vst v11;
	v8 =	vld.idx.msk [tilespmem:v10+s21+$0x0], $0xffff  }
0x132: {  	[tilespmem:s0+$0x290] =	vst v12;
	v11 =	vld.idx.msk [tilespmem:v10+s22+$0x0], $0xffff  }
0x133: {  	[tilespmem:s0+$0x310] =	vst v4;
	v4 =	vld.idx.msk [tilespmem:v10+s23+$0x0], $0xffff  }
0x134: {  	[tilespmem:s0+$0x390] =	vst v9;
	v9 =	vld.idx.msk [tilespmem:v10+s24+$0x0], $0xffff  }
0x135: {  	v10 =	vld.idx.msk [tilespmem:v10+s25+$0x0], $0xffff;
	[tilespmem:s0+$0x20] =	vst v5  }
0x136: {  	[tilespmem:s0+$0xA0] =	vst v6;
	v5 =	vld.idx.msk [tilespmem:v3+s4+$0x0], $0xffff  }
0x137: {  	[tilespmem:s0+$0x120] =	vst v7;
	v6 =	vld.idx.msk [tilespmem:v3+s19+$0x0], $0xffff  }
0x138: {  	[tilespmem:s0+$0x1A0] =	vst v8;
	v7 =	vld.idx.msk [tilespmem:v3+s20+$0x0], $0xffff  }
0x139: {  	[tilespmem:s0+$0x220] =	vst v11;
	v8 =	vld.idx.msk [tilespmem:v3+s21+$0x0], $0xffff  }
0x13a: {  	[tilespmem:s0+$0x2A0] =	vst v4;
	v4 =	vld.idx.msk [tilespmem:v3+s22+$0x0], $0xffff  }
0x13b: {  	[tilespmem:s0+$0x320] =	vst v9;
	v9 =	vld.idx.msk [tilespmem:v3+s23+$0x0], $0xffff  }
0x13c: {  	[tilespmem:s0+$0x3A0] =	vst v10;
	v10 =	vld.idx.msk [tilespmem:v3+s24+$0x0], $0xffff  }
0x13d: {  	v3 =	vld.idx.msk [tilespmem:v3+s25+$0x0], $0xffff;
	[tilespmem:s0+$0x30] =	vst v5  }
0x13e: {  	[tilespmem:s0+$0xB0] =	vst v6;
	v5 =	vld.idx.msk [tilespmem:v2+s4+$0x0], $0xffff  }
0x13f: {  	[tilespmem:s0+$0x130] =	vst v7;
	v6 =	vld.idx.msk [tilespmem:v2+s19+$0x0], $0xffff  }
0x140: {  	[tilespmem:s0+$0x1B0] =	vst v8;
	v7 =	vld.idx.msk [tilespmem:v2+s20+$0x0], $0xffff  }
0x141: {  	[tilespmem:s0+$0x230] =	vst v4;
	v4 =	vld.idx.msk [tilespmem:v2+s21+$0x0], $0xffff  }
0x142: {  	[tilespmem:s0+$0x2B0] =	vst v9;
	v8 =	vld.idx.msk [tilespmem:v2+s22+$0x0], $0xffff  }
0x143: {  	[tilespmem:s0+$0x330] =	vst v10;
	v9 =	vld.idx.msk [tilespmem:v2+s23+$0x0], $0xffff  }
0x144: {  	[tilespmem:s0+$0x3B0] =	vst v3;
	v3 =	vld.idx.msk [tilespmem:v2+s24+$0x0], $0xffff  }
0x145: {  	v2 =	vld.idx.msk [tilespmem:v2+s25+$0x0], $0xffff;
	[tilespmem:s0+$0x40] =	vst v5  }
0x146: {  	[tilespmem:s0+$0xC0] =	vst v6;
	v5 =	vld.idx.msk [tilespmem:v1+s4+$0x0], $0xffff  }
0x147: {  	[tilespmem:s0+$0x140] =	vst v7;
	v6 =	vld.idx.msk [tilespmem:v1+s19+$0x0], $0xffff  }
0x148: {  	[tilespmem:s0+$0x1C0] =	vst v4;
	v4 =	vld.idx.msk [tilespmem:v1+s20+$0x0], $0xffff  }
0x149: {  	[tilespmem:s0+$0x240] =	vst v8;
	v7 =	vld.idx.msk [tilespmem:v1+s21+$0x0], $0xffff  }
0x14a: {  	[tilespmem:s0+$0x2C0] =	vst v9;
	v8 =	vld.idx.msk [tilespmem:v1+s22+$0x0], $0xffff  }
0x14b: {  	[tilespmem:s0+$0x340] =	vst v3;
	v9 =	vld.idx.msk [tilespmem:v1+s23+$0x0], $0xffff  }
0x14c: {  	[tilespmem:s0+$0x3C0] =	vst v2;
	v10 =	vld.idx.msk [tilespmem:v1+s24+$0x0], $0xffff  }
0x14d: {  	v11 =	vld.idx.msk [tilespmem:v1+s25+$0x0], $0xffff;
	[tilespmem:s0+$0x50] =	vst v5  }
0x14e: {  	[tilespmem:s0+$0xD0] =	vst v6;
	v12 =	vld.idx.msk [tilespmem:v0+s4+$0x0], $0xffff  }
0x14f: {  	[tilespmem:s0+$0x150] =	vst v4;
	v1 =	vld.idx.msk [tilespmem:v0+s19+$0x0], $0xffff  }
0x150: {  	[tilespmem:s0+$0x1D0] =	vst v7;
	v2 =	vld.idx.msk [tilespmem:v0+s20+$0x0], $0xffff  }
.Ltmp1:
0x151: {  	[tilespmem:s0+$0x250] =	vst v8;
	v3 =	vld.idx.msk [tilespmem:v0+s21+$0x0], $0xffff;
	(pc) =	sbr.rel @p0 .LBB2_4-.Ltmp1, $4  }
0x152: {  	[tilespmem:s0+$0x2D0] =	vst v9;
	v4 =	vld.idx.msk [tilespmem:v0+s22+$0x0], $0xffff  }
0x153: {  	[tilespmem:s0+$0x350] =	vst v10;
	v5 =	vld.idx.msk [tilespmem:v0+s23+$0x0], $0xffff  }
0x154: {  	[tilespmem:s0+$0x3D0] =	vst v11;
	v6 =	vld.idx.msk [tilespmem:v0+s24+$0x0], $0xffff  }
0x155: {  	s7 =	sadd.s32 $0x80, s7;
	v7 =	vld.idx.msk [tilespmem:v0+s25+$0x0], $0xffff;
	[tilespmem:s0+$0x60] =	vst v12  }
0x156: {  	[tilespmem:s0+$0xE0] =	vst v1  }
0x157: {  	[tilespmem:s0+$0x160] =	vst v2  }
0x158: {  	[tilespmem:s0+$0x1E0] =	vst v3  }
0x159: {  	[tilespmem:s0+$0x260] =	vst v4  }
0x15a: {  	[tilespmem:s0+$0x2E0] =	vst v5  }
0x15b: {  	[tilespmem:s0+$0x360] =	vst v6  }
0x15c: {  	[tilespmem:s0+$0x3E0] =	vst v7  }
0x15d: {  	s0 =	rddreg [dreg:$0x9]  }
0x15e: {  	[hbm4b:s0+s4] =	stream.linear.scatter [tilespmem:s29], [sflag:$0x2], $0x4000, $0x38;
	[tilespmem:$0x9080] =	vst v63  }
0x15f: {  	s0 =	simm.s32 $0x1  }
.LBB2_6:
0x160: {  	s7 =	sshll.u32 s0, $0x1  }
0x161: {  	s9 =	sadd.s32 s5, s7  }
0x162: {  	_ =	swait.ge [sflag:s18], $0x800;
	s8 =	sadd.s32 $0x1, s9  }
0x163: {  	s11 =	sshll.u32 s8, $0x8;
	s6 =	sshll.u32 s8, $0xB;
	s8 =	sshll.u32 s8, $0x1  }
0x164: {  	s11 =	sand.u32 $0xFFFC000, s11;
	s12 =	sand.u32 $0x3800, s6;
	s8 =	sand.u32 $0x70, s8  }
0x165: {  	[sflag:s18] =	ssyncset.done $0x0;
	s11 =	sor.u32 s12, s11;
	s8 =	sadd.s32 s1, s8  }
0x166: {  	[sflag:s18] =	ssyncadd.s32 $0xFFFFF800;
	s8 =	sadd.s32 s11, s8  }
0x167: {  	[tilespmem:s17], [sflag:$0x4] =	stream.strided.gather [hbm4b:s8+s16], $0x800, s15, s16, $0x38;
	[tilespmem:$0x9080] =	vst v63  }
0x168: {  	_ =	swait.ge [sflag:s30], $0x4000  }
0x169: {  	[sflag:s30] =	ssyncset.done $0x0  }
0x16a: {  	s12 =	simm.s32 $0xC0;
	[sflag:s30] =	ssyncadd.s32 $0xFFFFC000  }
0x16b: {  	v0 =	vld [tilespmem:s12+$0x30]  }
0x16c: {  	v1 =	vld [tilespmem:s12+$0xFFFFFFD0]  }
0x16d: {  	v2 =	vld [tilespmem:s12+$0xFFFFFFE0]  }
0x16e: {  	v3 =	vld [tilespmem:s12+$0xFFFFFFF0]  }
0x16f: {  	v4 =	vld [tilespmem:s12+$0x0]  }
0x170: {  	v5 =	vld [tilespmem:s12+$0x10]  }
0x171: {  	v7 =	vld [tilespmem:s12+$0x20]  }
0x172: {  	v6 =	vld [tilespmem:s12+$0xFFFFFFC0]  }
0x173: {  	v8 =	vld.idx.msk [tilespmem:v0+s4+$0x0], $0xffff  }
0x174: {  	v9 =	vld.idx.msk [tilespmem:v0+s25+$0x0], $0xffff  }
0x175: {  	v10 =	vld.idx.msk [tilespmem:v0+s19+$0x0], $0xffff  }
0x176: {  	v11 =	vld.idx.msk [tilespmem:v0+s20+$0x0], $0xffff  }
0x177: {  	v12 =	vld.idx.msk [tilespmem:v0+s21+$0x0], $0xffff  }
0x178: {  	v13 =	vld.idx.msk [tilespmem:v0+s22+$0x0], $0xffff  }
0x179: {  	v14 =	vld.idx.msk [tilespmem:v0+s23+$0x0], $0xffff  }
0x17a: {  	v0 =	vld.idx.msk [tilespmem:v0+s24+$0x0], $0xffff  }
0x17b: {  	s8 =	simm.s32 $0x1280;
	v42 =	vld.idx.msk [tilespmem:v6+s4+$0x0], $0xffff  }
0x17c: {  	v43 =	vld.idx.msk [tilespmem:v6+s20+$0x0], $0xffff;
	[tilespmem:s8+$0x1F0] =	vst v9  }
0x17d: {  	v44 =	vld.idx.msk [tilespmem:v6+s21+$0x0], $0xffff;
	[tilespmem:s8+$0xFFFFFE70] =	vst v8  }
0x17e: {  	v45 =	vld.idx.msk [tilespmem:v6+s22+$0x0], $0xffff;
	[tilespmem:s8+$0xFFFFFEF0] =	vst v10  }
0x17f: {  	v46 =	vld.idx.msk [tilespmem:v6+s23+$0x0], $0xffff;
	[tilespmem:s8+$0xFFFFFF70] =	vst v11  }
0x180: {  	v47 =	vld.idx.msk [tilespmem:v6+s24+$0x0], $0xffff;
	[tilespmem:s8+$0xFFFFFFF0] =	vst v12  }
0x181: {  	v48 =	vld.idx.msk [tilespmem:v1+s20+$0x0], $0xffff;
	[tilespmem:s8+$0x70] =	vst v13  }
0x182: {  	v49 =	vld.idx.msk [tilespmem:v1+s21+$0x0], $0xffff;
	[tilespmem:s8+$0xF0] =	vst v14  }
0x183: {  	v8 =	vld.idx.msk [tilespmem:v6+s19+$0x0], $0xffff;
	[tilespmem:s8+$0x170] =	vst v0  }
0x184: {  	v0 =	vld.idx.msk [tilespmem:v6+s25+$0x0], $0xffff;
	[tilespmem:s8+$0xFFFFFE00] =	vst v42  }
0x185: {  	v50 =	vld.idx.msk [tilespmem:v1+s22+$0x0], $0xffff;
	[tilespmem:s8+$0xFFFFFF00] =	vst v43  }
0x186: {  	v51 =	vld.idx.msk [tilespmem:v1+s23+$0x0], $0xffff;
	[tilespmem:s8+$0xFFFFFF80] =	vst v44  }
0x187: {  	v6 =	vld.idx.msk [tilespmem:v1+s4+$0x0], $0xffff;
	[tilespmem:s8+$0x0] =	vst v45  }
0x188: {  	v52 =	vld.idx.msk [tilespmem:v1+s24+$0x0], $0xffff;
	[tilespmem:s8+$0x80] =	vst v46  }
0x189: {  	v53 =	vld.idx.msk [tilespmem:v2+s21+$0x0], $0xffff;
	[tilespmem:s8+$0x100] =	vst v47  }
0x18a: {  	v54 =	vld.idx.msk [tilespmem:v2+s22+$0x0], $0xffff;
	[tilespmem:s8+$0xFFFFFE80] =	vst v8  }
0x18b: {  	v8 =	vld.idx.msk [tilespmem:v1+s19+$0x0], $0xffff;
	[tilespmem:s8+$0x180] =	vst v0  }
0x18c: {  	v0 =	vld.idx.msk [tilespmem:v1+s25+$0x0], $0xffff;
	[tilespmem:s8+$0xFFFFFE10] =	vst v6  }
0x18d: {  	v55 =	vld.idx.msk [tilespmem:v2+s23+$0x0], $0xffff;
	[tilespmem:s8+$0xFFFFFF10] =	vst v48  }
0x18e: {  	v56 =	vld.idx.msk [tilespmem:v2+s24+$0x0], $0xffff;
	[tilespmem:s8+$0xFFFFFF90] =	vst v49  }
0x18f: {  	v1 =	vld.idx.msk [tilespmem:v2+s4+$0x0], $0xffff;
	[tilespmem:s8+$0x10] =	vst v50  }
0x190: {  	v6 =	vld.idx.msk [tilespmem:v2+s19+$0x0], $0xffff;
	[tilespmem:s8+$0x90] =	vst v51  }
0x191: {  	v57 =	vld.idx.msk [tilespmem:v3+s22+$0x0], $0xffff;
	[tilespmem:s8+$0x110] =	vst v52  }
0x192: {  	v58 =	vld.idx.msk [tilespmem:v3+s23+$0x0], $0xffff;
	[tilespmem:s8+$0xFFFFFE90] =	vst v8  }
0x193: {  	v8 =	vld.idx.msk [tilespmem:v2+s20+$0x0], $0xffff;
	[tilespmem:s8+$0x190] =	vst v0  }
0x194: {  	v0 =	vld.idx.msk [tilespmem:v2+s25+$0x0], $0xffff;
	[tilespmem:s8+$0xFFFFFE20] =	vst v1  }
0x195: {  	v59 =	vld.idx.msk [tilespmem:v3+s24+$0x0], $0xffff;
	[tilespmem:s8+$0xFFFFFEA0] =	vst v6  }
0x196: {  	v60 =	vld.idx.msk [tilespmem:v4+s23+$0x0], $0xffff;
	[tilespmem:s8+$0xFFFFFFA0] =	vst v53  }
0x197: {  	v1 =	vld.idx.msk [tilespmem:v3+s4+$0x0], $0xffff;
	[tilespmem:s8+$0x20] =	vst v54  }
0x198: {  	v2 =	vld.idx.msk [tilespmem:v3+s19+$0x0], $0xffff;
	[tilespmem:s8+$0xA0] =	vst v55  }
0x199: {  	v6 =	vld.idx.msk [tilespmem:v3+s20+$0x0], $0xffff;
	[tilespmem:s8+$0x120] =	vst v56  }
0x19a: {  	v61 =	vld.idx.msk [tilespmem:v4+s24+$0x0], $0xffff;
	[tilespmem:s8+$0xFFFFFF20] =	vst v8  }
0x19b: {  	v8 =	vld.idx.msk [tilespmem:v3+s21+$0x0], $0xffff;
	[tilespmem:s8+$0x1A0] =	vst v0  }
0x19c: {  	v0 =	vld.idx.msk [tilespmem:v3+s25+$0x0], $0xffff;
	[tilespmem:s8+$0xFFFFFE30] =	vst v1  }
0x19d: {  	v62 =	vld.idx.msk [tilespmem:v5+s24+$0x0], $0xffff;
	[tilespmem:s8+$0xFFFFFEB0] =	vst v2  }
0x19e: {  	v63 =	vld.idx.msk [tilespmem:v7+s4+$0x0], $0xffff;
	[tilespmem:s8+$0xFFFFFF30] =	vst v6  }
0x19f: {  	v1 =	vld.idx.msk [tilespmem:v4+s4+$0x0], $0xffff;
	[tilespmem:s8+$0x30] =	vst v57  }
0x1a0: {  	v2 =	vld.idx.msk [tilespmem:v4+s19+$0x0], $0xffff;
	[tilespmem:s8+$0xB0] =	vst v58  }
0x1a1: {  	v3 =	vld.idx.msk [tilespmem:v4+s20+$0x0], $0xffff;
	[tilespmem:s8+$0x130] =	vst v59  }
0x1a2: {  	v6 =	vld.idx.msk [tilespmem:v4+s21+$0x0], $0xffff;
	[tilespmem:s8+$0xFFFFFFB0] =	vst v8  }
0x1a3: {  	v8 =	vld.idx.msk [tilespmem:v4+s22+$0x0], $0xffff;
	[tilespmem:s8+$0x1B0] =	vst v0  }
0x1a4: {  	v0 =	vld.idx.msk [tilespmem:v4+s25+$0x0], $0xffff;
	[tilespmem:s8+$0xFFFFFE40] =	vst v1  }
0x1a5: {  	v1 =	vld.idx.msk [tilespmem:v5+s4+$0x0], $0xffff;
	[tilespmem:s8+$0xFFFFFEC0] =	vst v2  }
0x1a6: {  	v2 =	vld.idx.msk [tilespmem:v5+s19+$0x0], $0xffff;
	[tilespmem:s8+$0xFFFFFF40] =	vst v3  }
0x1a7: {  	v3 =	vld.idx.msk [tilespmem:v5+s20+$0x0], $0xffff;
	[tilespmem:s8+$0xFFFFFFC0] =	vst v6  }
0x1a8: {  	v4 =	vld.idx.msk [tilespmem:v5+s21+$0x0], $0xffff;
	[tilespmem:s8+$0xC0] =	vst v60  }
0x1a9: {  	v6 =	vld.idx.msk [tilespmem:v5+s22+$0x0], $0xffff;
	[tilespmem:s8+$0x140] =	vst v61  }
0x1aa: {  	[tilespmem:s8+$0x40] =	vst v8;
	v8 =	vld.idx.msk [tilespmem:v5+s23+$0x0], $0xffff  }
0x1ab: {  	[tilespmem:s8+$0x1C0] =	vst v0;
	v0 =	vld.idx.msk [tilespmem:v5+s25+$0x0], $0xffff  }
0x1ac: {  	[tilespmem:s8+$0xFFFFFE50] =	vst v1;
	v1 =	vld.idx.msk [tilespmem:v7+s19+$0x0], $0xffff  }
0x1ad: {  	[tilespmem:s8+$0xFFFFFED0] =	vst v2;
	v2 =	vld.idx.msk [tilespmem:v7+s20+$0x0], $0xffff  }
0x1ae: {  	[tilespmem:s8+$0xFFFFFF50] =	vst v3;
	v3 =	vld.idx.msk [tilespmem:v7+s21+$0x0], $0xffff  }
0x1af: {  	[tilespmem:s8+$0xFFFFFFD0] =	vst v4;
	v4 =	vld.idx.msk [tilespmem:v7+s22+$0x0], $0xffff  }
0x1b0: {  	[tilespmem:s8+$0x50] =	vst v6;
	v5 =	vld.idx.msk [tilespmem:v7+s23+$0x0], $0xffff  }
0x1b1: {  	[tilespmem:s8+$0x150] =	vst v62;
	v6 =	vld.idx.msk [tilespmem:v7+s24+$0x0], $0xffff  }
0x1b2: {  	s9 =	sshll.u32 s9, $0xB;
	v7 =	vld.idx.msk [tilespmem:v7+s25+$0x0], $0xffff;
	[tilespmem:s8+$0xFFFFFE60] =	vst v63  }
0x1b3: {  	s9 =	sand.u32 $0x1FFFF000, s9;
	[tilespmem:s8+$0xD0] =	vst v8  }
0x1b4: {  	s9 =	sadd.s32 s3, s9;
	s11 =	simm.s32 $0x0;
	s12 =	simm.s32 $0x140;
	[tilespmem:s8+$0x1D0] =	vst v0  }
.LBB2_7:
0x1b5: {  	v8 =	vld [tilespmem:s12+$0x30];
	[tilespmem:s8+$0xFFFFFEE0] =	vst v1  }
0x1b6: {  	s11 =	sadd.s32 $0x8, s11;
	v9 =	vld [tilespmem:s12+$0xFFFFFFD0];
	[tilespmem:s8+$0xFFFFFF60] =	vst v2  }
0x1b7: {  	p0 =	slt.u32 s11, $0x78;
	v10 =	vld [tilespmem:s12+$0xFFFFFFE0];
	[tilespmem:s8+$0xFFFFFFE0] =	vst v3  }
0x1b8: {  	v3 =	vld [tilespmem:s12+$0xFFFFFFF0];
	[tilespmem:s8+$0x60] =	vst v4  }
0x1b9: {  	v2 =	vld [tilespmem:s12+$0x0];
	[tilespmem:s8+$0xE0] =	vst v5  }
0x1ba: {  	v1 =	vld [tilespmem:s12+$0x10];
	[tilespmem:s8+$0x160] =	vst v6  }
0x1bb: {  	v0 =	vld [tilespmem:s12+$0x20];
	[tilespmem:s8+$0x1E0] =	vst v7  }
0x1bc: {  	v4 =	vld [tilespmem:s12+$0xFFFFFFC0]  }
0x1bd: {  	v5 =	vld.idx.msk [tilespmem:v8+s4+$0x0], $0xffff  }
0x1be: {  	v6 =	vld.idx.msk [tilespmem:v8+s25+$0x0], $0xffff  }
0x1bf: {  	v7 =	vld.idx.msk [tilespmem:v8+s19+$0x0], $0xffff  }
0x1c0: {  	v11 =	vld.idx.msk [tilespmem:v8+s20+$0x0], $0xffff  }
0x1c1: {  	v12 =	vld.idx.msk [tilespmem:v8+s21+$0x0], $0xffff  }
0x1c2: {  	v13 =	vld.idx.msk [tilespmem:v8+s22+$0x0], $0xffff  }
0x1c3: {  	s8 =	sadd.s32 $0x400, s8;
	v14 =	vld.idx.msk [tilespmem:v8+s23+$0x0], $0xffff  }
0x1c4: {  	v8 =	vld.idx.msk [tilespmem:v8+s24+$0x0], $0xffff;
	[tilespmem:s8+$0x1F0] =	vst v6  }
0x1c5: {  	v6 =	vld.idx.msk [tilespmem:v4+s4+$0x0], $0xffff;
	[tilespmem:s8+$0xFFFFFE70] =	vst v5  }
0x1c6: {  	v5 =	vld.idx.msk [tilespmem:v4+s19+$0x0], $0xffff;
	[tilespmem:s8+$0xFFFFFEF0] =	vst v7  }
0x1c7: {  	v7 =	vld.idx.msk [tilespmem:v4+s20+$0x0], $0xffff;
	[tilespmem:s8+$0xFFFFFF70] =	vst v11  }
0x1c8: {  	v11 =	vld.idx.msk [tilespmem:v4+s21+$0x0], $0xffff;
	[tilespmem:s8+$0xFFFFFFF0] =	vst v12  }
0x1c9: {  	v12 =	vld.idx.msk [tilespmem:v4+s22+$0x0], $0xffff;
	[tilespmem:s8+$0x70] =	vst v13  }
0x1ca: {  	v13 =	vld.idx.msk [tilespmem:v4+s23+$0x0], $0xffff;
	[tilespmem:s8+$0xF0] =	vst v14  }
0x1cb: {  	v14 =	vld.idx.msk [tilespmem:v4+s24+$0x0], $0xffff;
	[tilespmem:s8+$0x170] =	vst v8  }
0x1cc: {  	v4 =	vld.idx.msk [tilespmem:v4+s25+$0x0], $0xffff;
	[tilespmem:s8+$0xFFFFFE00] =	vst v6  }
0x1cd: {  	[tilespmem:s8+$0xFFFFFE80] =	vst v5;
	v5 =	vld.idx.msk [tilespmem:v9+s4+$0x0], $0xffff  }
0x1ce: {  	[tilespmem:s8+$0xFFFFFF00] =	vst v7;
	v6 =	vld.idx.msk [tilespmem:v9+s19+$0x0], $0xffff  }
0x1cf: {  	[tilespmem:s8+$0xFFFFFF80] =	vst v11;
	v7 =	vld.idx.msk [tilespmem:v9+s20+$0x0], $0xffff  }
0x1d0: {  	[tilespmem:s8+$0x0] =	vst v12;
	v8 =	vld.idx.msk [tilespmem:v9+s21+$0x0], $0xffff  }
0x1d1: {  	[tilespmem:s8+$0x80] =	vst v13;
	v11 =	vld.idx.msk [tilespmem:v9+s22+$0x0], $0xffff  }
0x1d2: {  	[tilespmem:s8+$0x100] =	vst v14;
	v12 =	vld.idx.msk [tilespmem:v9+s23+$0x0], $0xffff  }
0x1d3: {  	[tilespmem:s8+$0x180] =	vst v4;
	v4 =	vld.idx.msk [tilespmem:v9+s24+$0x0], $0xffff  }
0x1d4: {  	v9 =	vld.idx.msk [tilespmem:v9+s25+$0x0], $0xffff;
	[tilespmem:s8+$0xFFFFFE10] =	vst v5  }
0x1d5: {  	[tilespmem:s8+$0xFFFFFE90] =	vst v6;
	v5 =	vld.idx.msk [tilespmem:v10+s4+$0x0], $0xffff  }
0x1d6: {  	[tilespmem:s8+$0xFFFFFF10] =	vst v7;
	v6 =	vld.idx.msk [tilespmem:v10+s19+$0x0], $0xffff  }
0x1d7: {  	[tilespmem:s8+$0xFFFFFF90] =	vst v8;
	v7 =	vld.idx.msk [tilespmem:v10+s20+$0x0], $0xffff  }
0x1d8: {  	[tilespmem:s8+$0x10] =	vst v11;
	v8 =	vld.idx.msk [tilespmem:v10+s21+$0x0], $0xffff  }
0x1d9: {  	[tilespmem:s8+$0x90] =	vst v12;
	v11 =	vld.idx.msk [tilespmem:v10+s22+$0x0], $0xffff  }
0x1da: {  	[tilespmem:s8+$0x110] =	vst v4;
	v4 =	vld.idx.msk [tilespmem:v10+s23+$0x0], $0xffff  }
0x1db: {  	[tilespmem:s8+$0x190] =	vst v9;
	v9 =	vld.idx.msk [tilespmem:v10+s24+$0x0], $0xffff  }
0x1dc: {  	v10 =	vld.idx.msk [tilespmem:v10+s25+$0x0], $0xffff;
	[tilespmem:s8+$0xFFFFFE20] =	vst v5  }
0x1dd: {  	[tilespmem:s8+$0xFFFFFEA0] =	vst v6;
	v5 =	vld.idx.msk [tilespmem:v3+s4+$0x0], $0xffff  }
0x1de: {  	[tilespmem:s8+$0xFFFFFF20] =	vst v7;
	v6 =	vld.idx.msk [tilespmem:v3+s19+$0x0], $0xffff  }
0x1df: {  	[tilespmem:s8+$0xFFFFFFA0] =	vst v8;
	v7 =	vld.idx.msk [tilespmem:v3+s20+$0x0], $0xffff  }
0x1e0: {  	[tilespmem:s8+$0x20] =	vst v11;
	v8 =	vld.idx.msk [tilespmem:v3+s21+$0x0], $0xffff  }
0x1e1: {  	[tilespmem:s8+$0xA0] =	vst v4;
	v4 =	vld.idx.msk [tilespmem:v3+s22+$0x0], $0xffff  }
0x1e2: {  	[tilespmem:s8+$0x120] =	vst v9;
	v9 =	vld.idx.msk [tilespmem:v3+s23+$0x0], $0xffff  }
0x1e3: {  	[tilespmem:s8+$0x1A0] =	vst v10;
	v10 =	vld.idx.msk [tilespmem:v3+s24+$0x0], $0xffff  }
0x1e4: {  	v3 =	vld.idx.msk [tilespmem:v3+s25+$0x0], $0xffff;
	[tilespmem:s8+$0xFFFFFE30] =	vst v5  }
0x1e5: {  	[tilespmem:s8+$0xFFFFFEB0] =	vst v6;
	v5 =	vld.idx.msk [tilespmem:v2+s4+$0x0], $0xffff  }
0x1e6: {  	[tilespmem:s8+$0xFFFFFF30] =	vst v7;
	v6 =	vld.idx.msk [tilespmem:v2+s19+$0x0], $0xffff  }
0x1e7: {  	[tilespmem:s8+$0xFFFFFFB0] =	vst v8;
	v7 =	vld.idx.msk [tilespmem:v2+s20+$0x0], $0xffff  }
0x1e8: {  	[tilespmem:s8+$0x30] =	vst v4;
	v4 =	vld.idx.msk [tilespmem:v2+s21+$0x0], $0xffff  }
0x1e9: {  	[tilespmem:s8+$0xB0] =	vst v9;
	v8 =	vld.idx.msk [tilespmem:v2+s22+$0x0], $0xffff  }
0x1ea: {  	[tilespmem:s8+$0x130] =	vst v10;
	v9 =	vld.idx.msk [tilespmem:v2+s23+$0x0], $0xffff  }
0x1eb: {  	[tilespmem:s8+$0x1B0] =	vst v3;
	v3 =	vld.idx.msk [tilespmem:v2+s24+$0x0], $0xffff  }
0x1ec: {  	v2 =	vld.idx.msk [tilespmem:v2+s25+$0x0], $0xffff;
	[tilespmem:s8+$0xFFFFFE40] =	vst v5  }
0x1ed: {  	[tilespmem:s8+$0xFFFFFEC0] =	vst v6;
	v5 =	vld.idx.msk [tilespmem:v1+s4+$0x0], $0xffff  }
0x1ee: {  	[tilespmem:s8+$0xFFFFFF40] =	vst v7;
	v6 =	vld.idx.msk [tilespmem:v1+s19+$0x0], $0xffff  }
0x1ef: {  	[tilespmem:s8+$0xFFFFFFC0] =	vst v4;
	v4 =	vld.idx.msk [tilespmem:v1+s20+$0x0], $0xffff  }
0x1f0: {  	[tilespmem:s8+$0x40] =	vst v8;
	v7 =	vld.idx.msk [tilespmem:v1+s21+$0x0], $0xffff  }
0x1f1: {  	[tilespmem:s8+$0xC0] =	vst v9;
	v8 =	vld.idx.msk [tilespmem:v1+s22+$0x0], $0xffff  }
0x1f2: {  	[tilespmem:s8+$0x140] =	vst v3;
	v9 =	vld.idx.msk [tilespmem:v1+s23+$0x0], $0xffff  }
0x1f3: {  	[tilespmem:s8+$0x1C0] =	vst v2;
	v10 =	vld.idx.msk [tilespmem:v1+s24+$0x0], $0xffff  }
0x1f4: {  	v11 =	vld.idx.msk [tilespmem:v1+s25+$0x0], $0xffff;
	[tilespmem:s8+$0xFFFFFE50] =	vst v5  }
0x1f5: {  	[tilespmem:s8+$0xFFFFFED0] =	vst v6;
	v12 =	vld.idx.msk [tilespmem:v0+s4+$0x0], $0xffff  }
0x1f6: {  	[tilespmem:s8+$0xFFFFFF50] =	vst v4;
	v1 =	vld.idx.msk [tilespmem:v0+s19+$0x0], $0xffff  }
0x1f7: {  	[tilespmem:s8+$0xFFFFFFD0] =	vst v7;
	v2 =	vld.idx.msk [tilespmem:v0+s20+$0x0], $0xffff  }
.Ltmp2:
0x1f8: {  	[tilespmem:s8+$0x50] =	vst v8;
	v3 =	vld.idx.msk [tilespmem:v0+s21+$0x0], $0xffff;
	(pc) =	sbr.rel @p0 .LBB2_7-.Ltmp2, $4  }
0x1f9: {  	[tilespmem:s8+$0xD0] =	vst v9;
	v4 =	vld.idx.msk [tilespmem:v0+s22+$0x0], $0xffff  }
0x1fa: {  	[tilespmem:s8+$0x150] =	vst v10;
	v5 =	vld.idx.msk [tilespmem:v0+s23+$0x0], $0xffff  }
0x1fb: {  	[tilespmem:s8+$0x1D0] =	vst v11;
	v6 =	vld.idx.msk [tilespmem:v0+s24+$0x0], $0xffff  }
0x1fc: {  	s12 =	sadd.s32 $0x80, s12;
	v7 =	vld.idx.msk [tilespmem:v0+s25+$0x0], $0xffff;
	[tilespmem:s8+$0xFFFFFE60] =	vst v12  }
0x1fd: {  	[tilespmem:s8+$0xFFFFFEE0] =	vst v1  }
0x1fe: {  	[tilespmem:s8+$0xFFFFFF60] =	vst v2  }
0x1ff: {  	[tilespmem:s8+$0xFFFFFFE0] =	vst v3  }
0x200: {  	[tilespmem:s8+$0x60] =	vst v4  }
0x201: {  	[tilespmem:s8+$0xE0] =	vst v5  }
0x202: {  	p0 =	seq.s32 s0, $0x18;
	[tilespmem:s8+$0x160] =	vst v6  }
0x203: {  	s7 =	sadd.s32 @!p0 s7, s10;
	[tilespmem:s8+$0x1E0] =	vst v7  }
0x204: {  	[hbm4b:s9+s4] =	stream.linear.scatter [tilespmem:s26], [sflag:$0x1], $0x4000, $0x38;
	[tilespmem:$0x9080] =	vst v63  }
0x205: {  	s8 =	sshll.u32 @!p0 s7, $0x8;
	s9 =	sshll.u32 @!p0 s7, $0xB  }
0x206: {  	s7 =	sshll.u32 @!p0 s7, $0x1;
	s8 =	sand.u32 @!p0 $0xFFFC000, s8;
	_ =	swait.ge [sflag:s28], $0x800  }
0x207: {  	s9 =	sand.u32 @!p0 $0x3000, s9;
	s7 =	sand.u32 @!p0 $0x70, s7;
	[sflag:s28] =	ssyncset.done $0x0  }
0x208: {  	s8 =	sor.u32 @!p0 s9, s8;
	s7 =	sadd.s32 @!p0 s1, s7;
	s9 =	simm.s32 @!p0 $0x80  }
0x209: {  	[sflag:s28] =	ssyncadd.s32 $0xFFFFF800;
	s7 =	sadd.s32 @!p0 s8, s7;
	s8 =	simm.s32 @!p0 $0x400  }
0x20a: {  	[tilespmem:s9], [sflag:$0x3] =	stream.strided.gather @!p0 [hbm4b:s7+s9], $0x800, s8, s9, $0x38;
	[tilespmem:$0x9080] =	vst v63  }
0x20b: {  	_ =	swait.ge [sflag:s31], $0x4000  }
0x20c: {  	[sflag:s31] =	ssyncset.done $0x0  }
0x20d: {  	s12 =	simm.s32 $0x8F0;
	[sflag:s31] =	ssyncadd.s32 $0xFFFFC000  }
0x20e: {  	v0 =	vld [tilespmem:s12+$0x0]  }
0x20f: {  	v1 =	vld [tilespmem:s12+$0xFFFFFFA0]  }
0x210: {  	v2 =	vld [tilespmem:s12+$0xFFFFFFB0]  }
0x211: {  	v3 =	vld [tilespmem:s12+$0xFFFFFFC0]  }
0x212: {  	v4 =	vld [tilespmem:s12+$0xFFFFFFD0]  }
0x213: {  	v5 =	vld [tilespmem:s12+$0xFFFFFFE0]  }
0x214: {  	v7 =	vld [tilespmem:s12+$0xFFFFFFF0]  }
0x215: {  	v6 =	vld [tilespmem:s12+$0xFFFFFF90]  }
0x216: {  	v8 =	vld.idx.msk [tilespmem:v0+s4+$0x0], $0xffff  }
0x217: {  	v9 =	vld.idx.msk [tilespmem:v0+s25+$0x0], $0xffff  }
0x218: {  	v10 =	vld.idx.msk [tilespmem:v0+s19+$0x0], $0xffff  }
0x219: {  	v11 =	vld.idx.msk [tilespmem:v0+s20+$0x0], $0xffff  }
0x21a: {  	v12 =	vld.idx.msk [tilespmem:v0+s21+$0x0], $0xffff  }
0x21b: {  	v13 =	vld.idx.msk [tilespmem:v0+s22+$0x0], $0xffff  }
0x21c: {  	v14 =	vld.idx.msk [tilespmem:v0+s23+$0x0], $0xffff  }
0x21d: {  	v0 =	vld.idx.msk [tilespmem:v0+s24+$0x0], $0xffff  }
0x21e: {  	s7 =	simm.s32 $0x5080;
	v42 =	vld.idx.msk [tilespmem:v6+s4+$0x0], $0xffff  }
0x21f: {  	v43 =	vld.idx.msk [tilespmem:v6+s20+$0x0], $0xffff;
	[tilespmem:s7+$0x3F0] =	vst v9  }
0x220: {  	v44 =	vld.idx.msk [tilespmem:v6+s21+$0x0], $0xffff;
	[tilespmem:s7+$0x70] =	vst v8  }
0x221: {  	v45 =	vld.idx.msk [tilespmem:v6+s22+$0x0], $0xffff;
	[tilespmem:s7+$0xF0] =	vst v10  }
0x222: {  	v46 =	vld.idx.msk [tilespmem:v6+s23+$0x0], $0xffff;
	[tilespmem:s7+$0x170] =	vst v11  }
0x223: {  	v47 =	vld.idx.msk [tilespmem:v6+s24+$0x0], $0xffff;
	[tilespmem:s7+$0x1F0] =	vst v12  }
0x224: {  	v48 =	vld.idx.msk [tilespmem:v1+s20+$0x0], $0xffff;
	[tilespmem:s7+$0x270] =	vst v13  }
0x225: {  	v49 =	vld.idx.msk [tilespmem:v1+s21+$0x0], $0xffff;
	[tilespmem:s7+$0x2F0] =	vst v14  }
0x226: {  	v8 =	vld.idx.msk [tilespmem:v6+s19+$0x0], $0xffff;
	[tilespmem:s7+$0x370] =	vst v0  }
0x227: {  	v0 =	vld.idx.msk [tilespmem:v6+s25+$0x0], $0xffff;
	[tilespmem:s7+$0x0] =	vst v42  }
0x228: {  	v50 =	vld.idx.msk [tilespmem:v1+s22+$0x0], $0xffff;
	[tilespmem:s7+$0x100] =	vst v43  }
0x229: {  	v51 =	vld.idx.msk [tilespmem:v1+s23+$0x0], $0xffff;
	[tilespmem:s7+$0x180] =	vst v44  }
0x22a: {  	v6 =	vld.idx.msk [tilespmem:v1+s4+$0x0], $0xffff;
	[tilespmem:s7+$0x200] =	vst v45  }
0x22b: {  	v52 =	vld.idx.msk [tilespmem:v1+s24+$0x0], $0xffff;
	[tilespmem:s7+$0x280] =	vst v46  }
0x22c: {  	v53 =	vld.idx.msk [tilespmem:v2+s21+$0x0], $0xffff;
	[tilespmem:s7+$0x300] =	vst v47  }
0x22d: {  	v54 =	vld.idx.msk [tilespmem:v2+s22+$0x0], $0xffff;
	[tilespmem:s7+$0x80] =	vst v8  }
0x22e: {  	v8 =	vld.idx.msk [tilespmem:v1+s19+$0x0], $0xffff;
	[tilespmem:s7+$0x380] =	vst v0  }
0x22f: {  	v0 =	vld.idx.msk [tilespmem:v1+s25+$0x0], $0xffff;
	[tilespmem:s7+$0x10] =	vst v6  }
0x230: {  	v55 =	vld.idx.msk [tilespmem:v2+s23+$0x0], $0xffff;
	[tilespmem:s7+$0x110] =	vst v48  }
0x231: {  	v56 =	vld.idx.msk [tilespmem:v2+s24+$0x0], $0xffff;
	[tilespmem:s7+$0x190] =	vst v49  }
0x232: {  	v1 =	vld.idx.msk [tilespmem:v2+s4+$0x0], $0xffff;
	[tilespmem:s7+$0x210] =	vst v50  }
0x233: {  	v6 =	vld.idx.msk [tilespmem:v2+s19+$0x0], $0xffff;
	[tilespmem:s7+$0x290] =	vst v51  }
0x234: {  	v57 =	vld.idx.msk [tilespmem:v3+s22+$0x0], $0xffff;
	[tilespmem:s7+$0x310] =	vst v52  }
0x235: {  	v58 =	vld.idx.msk [tilespmem:v3+s23+$0x0], $0xffff;
	[tilespmem:s7+$0x90] =	vst v8  }
0x236: {  	v8 =	vld.idx.msk [tilespmem:v2+s20+$0x0], $0xffff;
	[tilespmem:s7+$0x390] =	vst v0  }
0x237: {  	v0 =	vld.idx.msk [tilespmem:v2+s25+$0x0], $0xffff;
	[tilespmem:s7+$0x20] =	vst v1  }
0x238: {  	v59 =	vld.idx.msk [tilespmem:v3+s24+$0x0], $0xffff;
	[tilespmem:s7+$0xA0] =	vst v6  }
0x239: {  	v60 =	vld.idx.msk [tilespmem:v4+s23+$0x0], $0xffff;
	[tilespmem:s7+$0x1A0] =	vst v53  }
0x23a: {  	v1 =	vld.idx.msk [tilespmem:v3+s4+$0x0], $0xffff;
	[tilespmem:s7+$0x220] =	vst v54  }
0x23b: {  	v2 =	vld.idx.msk [tilespmem:v3+s19+$0x0], $0xffff;
	[tilespmem:s7+$0x2A0] =	vst v55  }
0x23c: {  	v6 =	vld.idx.msk [tilespmem:v3+s20+$0x0], $0xffff;
	[tilespmem:s7+$0x320] =	vst v56  }
0x23d: {  	v61 =	vld.idx.msk [tilespmem:v4+s24+$0x0], $0xffff;
	[tilespmem:s7+$0x120] =	vst v8  }
0x23e: {  	v8 =	vld.idx.msk [tilespmem:v3+s21+$0x0], $0xffff;
	[tilespmem:s7+$0x3A0] =	vst v0  }
0x23f: {  	v0 =	vld.idx.msk [tilespmem:v3+s25+$0x0], $0xffff;
	[tilespmem:s7+$0x30] =	vst v1  }
0x240: {  	v62 =	vld.idx.msk [tilespmem:v5+s24+$0x0], $0xffff;
	[tilespmem:s7+$0xB0] =	vst v2  }
0x241: {  	v63 =	vld.idx.msk [tilespmem:v7+s4+$0x0], $0xffff;
	[tilespmem:s7+$0x130] =	vst v6  }
0x242: {  	v1 =	vld.idx.msk [tilespmem:v4+s4+$0x0], $0xffff;
	[tilespmem:s7+$0x230] =	vst v57  }
0x243: {  	v2 =	vld.idx.msk [tilespmem:v4+s19+$0x0], $0xffff;
	[tilespmem:s7+$0x2B0] =	vst v58  }
0x244: {  	v3 =	vld.idx.msk [tilespmem:v4+s20+$0x0], $0xffff;
	[tilespmem:s7+$0x330] =	vst v59  }
0x245: {  	v6 =	vld.idx.msk [tilespmem:v4+s21+$0x0], $0xffff;
	[tilespmem:s7+$0x1B0] =	vst v8  }
0x246: {  	v8 =	vld.idx.msk [tilespmem:v4+s22+$0x0], $0xffff;
	[tilespmem:s7+$0x3B0] =	vst v0  }
0x247: {  	v0 =	vld.idx.msk [tilespmem:v4+s25+$0x0], $0xffff;
	[tilespmem:s7+$0x40] =	vst v1  }
0x248: {  	v1 =	vld.idx.msk [tilespmem:v5+s4+$0x0], $0xffff;
	[tilespmem:s7+$0xC0] =	vst v2  }
0x249: {  	v2 =	vld.idx.msk [tilespmem:v5+s19+$0x0], $0xffff;
	[tilespmem:s7+$0x140] =	vst v3  }
0x24a: {  	v3 =	vld.idx.msk [tilespmem:v5+s20+$0x0], $0xffff;
	[tilespmem:s7+$0x1C0] =	vst v6  }
0x24b: {  	v4 =	vld.idx.msk [tilespmem:v5+s21+$0x0], $0xffff;
	[tilespmem:s7+$0x2C0] =	vst v60  }
0x24c: {  	v6 =	vld.idx.msk [tilespmem:v5+s22+$0x0], $0xffff;
	[tilespmem:s7+$0x340] =	vst v61  }
0x24d: {  	[tilespmem:s7+$0x240] =	vst v8;
	v8 =	vld.idx.msk [tilespmem:v5+s23+$0x0], $0xffff  }
0x24e: {  	[tilespmem:s7+$0x3C0] =	vst v0;
	v0 =	vld.idx.msk [tilespmem:v5+s25+$0x0], $0xffff  }
0x24f: {  	[tilespmem:s7+$0x50] =	vst v1;
	v1 =	vld.idx.msk [tilespmem:v7+s19+$0x0], $0xffff  }
0x250: {  	[tilespmem:s7+$0xD0] =	vst v2;
	v2 =	vld.idx.msk [tilespmem:v7+s20+$0x0], $0xffff  }
0x251: {  	[tilespmem:s7+$0x150] =	vst v3;
	v3 =	vld.idx.msk [tilespmem:v7+s21+$0x0], $0xffff  }
0x252: {  	[tilespmem:s7+$0x1D0] =	vst v4;
	v4 =	vld.idx.msk [tilespmem:v7+s22+$0x0], $0xffff  }
0x253: {  	[tilespmem:s7+$0x250] =	vst v6;
	v5 =	vld.idx.msk [tilespmem:v7+s23+$0x0], $0xffff  }
0x254: {  	[tilespmem:s7+$0x350] =	vst v62;
	v6 =	vld.idx.msk [tilespmem:v7+s24+$0x0], $0xffff  }
0x255: {  	v7 =	vld.idx.msk [tilespmem:v7+s25+$0x0], $0xffff;
	[tilespmem:s7+$0x60] =	vst v63  }
0x256: {  	s6 =	sand.u32 $0x1FFFF800, s6;
	[tilespmem:s7+$0x2D0] =	vst v8  }
0x257: {  	s6 =	sadd.s32 s3, s6;
	s8 =	simm.s32 $0x0;
	s9 =	simm.s32 $0x970;
	[tilespmem:s7+$0x3D0] =	vst v0  }
.LBB2_9:
0x258: {  	v8 =	vld [tilespmem:s9+$0x0];
	[tilespmem:s7+$0xE0] =	vst v1  }
0x259: {  	s8 =	sadd.s32 $0x8, s8;
	v9 =	vld [tilespmem:s9+$0xFFFFFFA0];
	[tilespmem:s7+$0x160] =	vst v2  }
0x25a: {  	p0 =	slt.u32 s8, $0x78;
	v10 =	vld [tilespmem:s9+$0xFFFFFFB0];
	[tilespmem:s7+$0x1E0] =	vst v3  }
0x25b: {  	v3 =	vld [tilespmem:s9+$0xFFFFFFC0];
	[tilespmem:s7+$0x260] =	vst v4  }
0x25c: {  	v2 =	vld [tilespmem:s9+$0xFFFFFFD0];
	[tilespmem:s7+$0x2E0] =	vst v5  }
0x25d: {  	v1 =	vld [tilespmem:s9+$0xFFFFFFE0];
	[tilespmem:s7+$0x360] =	vst v6  }
0x25e: {  	v0 =	vld [tilespmem:s9+$0xFFFFFFF0];
	[tilespmem:s7+$0x3E0] =	vst v7  }
0x25f: {  	v4 =	vld [tilespmem:s9+$0xFFFFFF90]  }
0x260: {  	v5 =	vld.idx.msk [tilespmem:v8+s4+$0x0], $0xffff  }
0x261: {  	v6 =	vld.idx.msk [tilespmem:v8+s25+$0x0], $0xffff  }
0x262: {  	v7 =	vld.idx.msk [tilespmem:v8+s19+$0x0], $0xffff  }
0x263: {  	v11 =	vld.idx.msk [tilespmem:v8+s20+$0x0], $0xffff  }
0x264: {  	v12 =	vld.idx.msk [tilespmem:v8+s21+$0x0], $0xffff  }
0x265: {  	v13 =	vld.idx.msk [tilespmem:v8+s22+$0x0], $0xffff  }
0x266: {  	s7 =	sadd.s32 $0x400, s7;
	v14 =	vld.idx.msk [tilespmem:v8+s23+$0x0], $0xffff  }
0x267: {  	v8 =	vld.idx.msk [tilespmem:v8+s24+$0x0], $0xffff;
	[tilespmem:s7+$0x3F0] =	vst v6  }
0x268: {  	v6 =	vld.idx.msk [tilespmem:v4+s4+$0x0], $0xffff;
	[tilespmem:s7+$0x70] =	vst v5  }
0x269: {  	v5 =	vld.idx.msk [tilespmem:v4+s19+$0x0], $0xffff;
	[tilespmem:s7+$0xF0] =	vst v7  }
0x26a: {  	v7 =	vld.idx.msk [tilespmem:v4+s20+$0x0], $0xffff;
	[tilespmem:s7+$0x170] =	vst v11  }
0x26b: {  	v11 =	vld.idx.msk [tilespmem:v4+s21+$0x0], $0xffff;
	[tilespmem:s7+$0x1F0] =	vst v12  }
0x26c: {  	v12 =	vld.idx.msk [tilespmem:v4+s22+$0x0], $0xffff;
	[tilespmem:s7+$0x270] =	vst v13  }
0x26d: {  	v13 =	vld.idx.msk [tilespmem:v4+s23+$0x0], $0xffff;
	[tilespmem:s7+$0x2F0] =	vst v14  }
0x26e: {  	v14 =	vld.idx.msk [tilespmem:v4+s24+$0x0], $0xffff;
	[tilespmem:s7+$0x370] =	vst v8  }
0x26f: {  	v4 =	vld.idx.msk [tilespmem:v4+s25+$0x0], $0xffff;
	[tilespmem:s7+$0x0] =	vst v6  }
0x270: {  	[tilespmem:s7+$0x80] =	vst v5;
	v5 =	vld.idx.msk [tilespmem:v9+s4+$0x0], $0xffff  }
0x271: {  	[tilespmem:s7+$0x100] =	vst v7;
	v6 =	vld.idx.msk [tilespmem:v9+s19+$0x0], $0xffff  }
0x272: {  	[tilespmem:s7+$0x180] =	vst v11;
	v7 =	vld.idx.msk [tilespmem:v9+s20+$0x0], $0xffff  }
0x273: {  	[tilespmem:s7+$0x200] =	vst v12;
	v8 =	vld.idx.msk [tilespmem:v9+s21+$0x0], $0xffff  }
0x274: {  	[tilespmem:s7+$0x280] =	vst v13;
	v11 =	vld.idx.msk [tilespmem:v9+s22+$0x0], $0xffff  }
0x275: {  	[tilespmem:s7+$0x300] =	vst v14;
	v12 =	vld.idx.msk [tilespmem:v9+s23+$0x0], $0xffff  }
0x276: {  	[tilespmem:s7+$0x380] =	vst v4;
	v4 =	vld.idx.msk [tilespmem:v9+s24+$0x0], $0xffff  }
0x277: {  	v9 =	vld.idx.msk [tilespmem:v9+s25+$0x0], $0xffff;
	[tilespmem:s7+$0x10] =	vst v5  }
0x278: {  	[tilespmem:s7+$0x90] =	vst v6;
	v5 =	vld.idx.msk [tilespmem:v10+s4+$0x0], $0xffff  }
0x279: {  	[tilespmem:s7+$0x110] =	vst v7;
	v6 =	vld.idx.msk [tilespmem:v10+s19+$0x0], $0xffff  }
0x27a: {  	[tilespmem:s7+$0x190] =	vst v8;
	v7 =	vld.idx.msk [tilespmem:v10+s20+$0x0], $0xffff  }
0x27b: {  	[tilespmem:s7+$0x210] =	vst v11;
	v8 =	vld.idx.msk [tilespmem:v10+s21+$0x0], $0xffff  }
0x27c: {  	[tilespmem:s7+$0x290] =	vst v12;
	v11 =	vld.idx.msk [tilespmem:v10+s22+$0x0], $0xffff  }
0x27d: {  	[tilespmem:s7+$0x310] =	vst v4;
	v4 =	vld.idx.msk [tilespmem:v10+s23+$0x0], $0xffff  }
0x27e: {  	[tilespmem:s7+$0x390] =	vst v9;
	v9 =	vld.idx.msk [tilespmem:v10+s24+$0x0], $0xffff  }
0x27f: {  	v10 =	vld.idx.msk [tilespmem:v10+s25+$0x0], $0xffff;
	[tilespmem:s7+$0x20] =	vst v5  }
0x280: {  	[tilespmem:s7+$0xA0] =	vst v6;
	v5 =	vld.idx.msk [tilespmem:v3+s4+$0x0], $0xffff  }
0x281: {  	[tilespmem:s7+$0x120] =	vst v7;
	v6 =	vld.idx.msk [tilespmem:v3+s19+$0x0], $0xffff  }
0x282: {  	[tilespmem:s7+$0x1A0] =	vst v8;
	v7 =	vld.idx.msk [tilespmem:v3+s20+$0x0], $0xffff  }
0x283: {  	[tilespmem:s7+$0x220] =	vst v11;
	v8 =	vld.idx.msk [tilespmem:v3+s21+$0x0], $0xffff  }
0x284: {  	[tilespmem:s7+$0x2A0] =	vst v4;
	v4 =	vld.idx.msk [tilespmem:v3+s22+$0x0], $0xffff  }
0x285: {  	[tilespmem:s7+$0x320] =	vst v9;
	v9 =	vld.idx.msk [tilespmem:v3+s23+$0x0], $0xffff  }
0x286: {  	[tilespmem:s7+$0x3A0] =	vst v10;
	v10 =	vld.idx.msk [tilespmem:v3+s24+$0x0], $0xffff  }
0x287: {  	v3 =	vld.idx.msk [tilespmem:v3+s25+$0x0], $0xffff;
	[tilespmem:s7+$0x30] =	vst v5  }
0x288: {  	[tilespmem:s7+$0xB0] =	vst v6;
	v5 =	vld.idx.msk [tilespmem:v2+s4+$0x0], $0xffff  }
0x289: {  	[tilespmem:s7+$0x130] =	vst v7;
	v6 =	vld.idx.msk [tilespmem:v2+s19+$0x0], $0xffff  }
0x28a: {  	[tilespmem:s7+$0x1B0] =	vst v8;
	v7 =	vld.idx.msk [tilespmem:v2+s20+$0x0], $0xffff  }
0x28b: {  	[tilespmem:s7+$0x230] =	vst v4;
	v4 =	vld.idx.msk [tilespmem:v2+s21+$0x0], $0xffff  }
0x28c: {  	[tilespmem:s7+$0x2B0] =	vst v9;
	v8 =	vld.idx.msk [tilespmem:v2+s22+$0x0], $0xffff  }
0x28d: {  	[tilespmem:s7+$0x330] =	vst v10;
	v9 =	vld.idx.msk [tilespmem:v2+s23+$0x0], $0xffff  }
0x28e: {  	[tilespmem:s7+$0x3B0] =	vst v3;
	v3 =	vld.idx.msk [tilespmem:v2+s24+$0x0], $0xffff  }
0x28f: {  	v2 =	vld.idx.msk [tilespmem:v2+s25+$0x0], $0xffff;
	[tilespmem:s7+$0x40] =	vst v5  }
0x290: {  	[tilespmem:s7+$0xC0] =	vst v6;
	v5 =	vld.idx.msk [tilespmem:v1+s4+$0x0], $0xffff  }
0x291: {  	[tilespmem:s7+$0x140] =	vst v7;
	v6 =	vld.idx.msk [tilespmem:v1+s19+$0x0], $0xffff  }
0x292: {  	[tilespmem:s7+$0x1C0] =	vst v4;
	v4 =	vld.idx.msk [tilespmem:v1+s20+$0x0], $0xffff  }
0x293: {  	[tilespmem:s7+$0x240] =	vst v8;
	v7 =	vld.idx.msk [tilespmem:v1+s21+$0x0], $0xffff  }
0x294: {  	[tilespmem:s7+$0x2C0] =	vst v9;
	v8 =	vld.idx.msk [tilespmem:v1+s22+$0x0], $0xffff  }
0x295: {  	[tilespmem:s7+$0x340] =	vst v3;
	v9 =	vld.idx.msk [tilespmem:v1+s23+$0x0], $0xffff  }
0x296: {  	[tilespmem:s7+$0x3C0] =	vst v2;
	v10 =	vld.idx.msk [tilespmem:v1+s24+$0x0], $0xffff  }
0x297: {  	v11 =	vld.idx.msk [tilespmem:v1+s25+$0x0], $0xffff;
	[tilespmem:s7+$0x50] =	vst v5  }
0x298: {  	[tilespmem:s7+$0xD0] =	vst v6;
	v12 =	vld.idx.msk [tilespmem:v0+s4+$0x0], $0xffff  }
0x299: {  	[tilespmem:s7+$0x150] =	vst v4;
	v1 =	vld.idx.msk [tilespmem:v0+s19+$0x0], $0xffff  }
0x29a: {  	[tilespmem:s7+$0x1D0] =	vst v7;
	v2 =	vld.idx.msk [tilespmem:v0+s20+$0x0], $0xffff  }
.Ltmp3:
0x29b: {  	[tilespmem:s7+$0x250] =	vst v8;
	v3 =	vld.idx.msk [tilespmem:v0+s21+$0x0], $0xffff;
	(pc) =	sbr.rel @p0 .LBB2_9-.Ltmp3, $4  }
0x29c: {  	[tilespmem:s7+$0x2D0] =	vst v9;
	v4 =	vld.idx.msk [tilespmem:v0+s22+$0x0], $0xffff  }
0x29d: {  	[tilespmem:s7+$0x350] =	vst v10;
	v5 =	vld.idx.msk [tilespmem:v0+s23+$0x0], $0xffff  }
0x29e: {  	[tilespmem:s7+$0x3D0] =	vst v11;
	v6 =	vld.idx.msk [tilespmem:v0+s24+$0x0], $0xffff  }
0x29f: {  	s9 =	sadd.s32 $0x80, s9;
	v7 =	vld.idx.msk [tilespmem:v0+s25+$0x0], $0xffff;
	[tilespmem:s7+$0x60] =	vst v12  }
0x2a0: {  	[tilespmem:s7+$0xE0] =	vst v1  }
0x2a1: {  	[tilespmem:s7+$0x160] =	vst v2;
	s0 =	sadd.s32 $0x1, s0  }
0x2a2: {  	[tilespmem:s7+$0x1E0] =	vst v3;
	p0 =	sne.s32 s0, $0x19  }
.Ltmp4:
0x2a3: {  	[tilespmem:s7+$0x260] =	vst v4;
	(pc) =	sbr.rel @p0 .LBB2_6-.Ltmp4, $4  }
0x2a4: {  	[tilespmem:s7+$0x2E0] =	vst v5  }
0x2a5: {  	[tilespmem:s7+$0x360] =	vst v6  }
0x2a6: {  	[tilespmem:s7+$0x3E0] =	vst v7  }
0x2a7: {  	[hbm4b:s6+s4] =	stream.linear.scatter [tilespmem:s29], [sflag:$0x2], $0x4000, $0x38;
	[tilespmem:$0x9080] =	vst v63  }
0x2a8: {  	s2 =	sadd.s32 $0x1, s2  }
0x2a9: {  	_ =	swait.ge [sflag:s30], $0x4000;
	p0 =	sne.s32 s2, s13  }
.Ltmp5:
0x2aa: {  	[sflag:s30] =	ssyncset.done $0x0;
	(pc) =	sbr.rel @p0 .LBB2_1-.Ltmp5, $4  }
0x2ab: {  	[sflag:s30] =	ssyncadd.s32 $0xFFFFC000  }
0x2ac: {  	_ =	swait.ge [sflag:s31], $0x4000  }
0x2ad: {  	[sflag:s31] =	ssyncset.done $0x0  }
0x2ae: {  	[sflag:s31] =	ssyncadd.s32 $0xFFFFC000  }
0x2af: {  	_ =	sfence.sel $0x180000  }
0x2b0: {  	[bflag:$0x0] =	sbarrier.arrive $0xFFFF  }
0x2b1: {  	_ =	strace $0x90000047  }
0x2b2: {  	s0 =	stileid.u32;
	[bflag:$0x2] =	sbarrier.arrive $0xFFFF  }
0x2b3: {  	p0 =	sne.s32 s0, $0x0;
	s0 =	rddreg [dreg:$0x3]  }
0x2b4: {  	s0 =	sadd.s32 @!p0 $0x100000, s0  }
0x2b5: {  	[sflag:s0] =	ssyncadd.tile.s32 @!p0 $0x1;
	_ =	shalt  }
.Lfunc_end2:
_tile_overlayer_lowered:
.L_overlay_start_2:
0x2b6: {  	(tag) =	ssettag $0x2  }
0x2b7: {  	s0 =	rddreg [dreg:$0x0];
	s2 =	stileid.u32  }
0x2b8: {  	s1 =	rddreg [dreg:$0x1];
	p0 =	sne.s32 s2, $0x0  }
0x2b9: {  	s3 =	rddreg [dreg:$0x2];
	[bflag:$0x3] =	sbarrier.arrive $0xFFFF;
	s2 =	simm.s32 @!p0 $0x1C05  }
0x2ba: {  	[timem:s3], [sflag:s2] =	dma.local @!p0 [hbm:s0], s1  }
0x2bb: {  	s0 =	simm.s32 @!p0 $0x5  }
0x2bc: {  	_ =	swait.ge @!p0 [sflag:s0], s1  }
0x2bd: {  	s1 =	ssub.s32 @!p0 $0x0, s1;
	[sflag:s0] =	ssyncset.done @!p0 $0x0  }
0x2be: {  	[sflag:s0] =	ssyncadd.s32 @!p0 s1  }
0x2bf: {  	[bflag:$0x3] =	sbarrier.arrive $0xFFFF  }
0x2c0: {  	_ =	shalt  }

</sc_bundles>
